<compile_context>
chip_gen: v7x
topology: tpu7x:2x2x1
jax: 0.10.2.dev20260603
libtpu: 0.0.44.dev20260713+nightly
codegen_flags: <defaults>
</compile_context>

<pallas_src>
import functools

import jax
import jax.numpy as jnp
from jax import lax
from jax.experimental import pallas as pl
from jax.experimental.pallas import tpu as pltpu
from jax.experimental.pallas import tpu_sc as plsc

N_NODES = 10000
N_EDGES = 320000
DIM = 128

NC = 2
NS = 16
NW = NC * NS
E_PER_W = N_EDGES // NW
CHUNK = 96
N_CHUNKS = E_PER_W // CHUNK
TAIL = E_PER_W - N_CHUNKS * CHUNK
STRIPE = 80
N_STRIPES = N_NODES // STRIPE
STRIPES_PER_TILE = -(-N_STRIPES // NS)
LANES = 16


NBUF = 2
N_RING = N_CHUNKS // NBUF


SUB = CHUNK // 2


def _sc_edge_body(x_hbm, comb_hbm, ea_hbm, out_hbm,
                  comb_bufs, src_bufs, dst_bufs, rows_bufs, msg_bufs,
                  tdst_buf, acc_sh, isems, gsems, esems, ssems):
    cid = lax.axis_index("c")
    sid = lax.axis_index("s")
    wid = sid * NC + cid
    base0 = wid * E_PER_W

    def start_comb(i, b):
        base = base0 + i * CHUNK
        pltpu.async_copy(comb_hbm.at[pl.ds(base, CHUNK)], comb_bufs[b],
                         isems[b])

    def start_ea(i, b):
        base = base0 + i * CHUNK
        pltpu.async_copy(ea_hbm.at[pl.ds(base, CHUNK)], msg_bufs[b], esems[b])

    def start_gather(b):
        pltpu.async_copy(x_hbm.at[src_bufs[b]], rows_bufs[b], gsems[b])

    def unpack_src(b):
        for k in range(CHUNK // LANES):
            sl = pl.ds(k * LANES, LANES)
            src_bufs[b][sl] = lax.shift_right_logical(comb_bufs[b][sl], 14)

    def unpack_dst(b):
        for k in range(CHUNK // LANES):
            sl = pl.ds(k * LANES, LANES)
            dst_bufs[b][sl] = lax.bitwise_and(
                comb_bufs[b][sl], jnp.full((LANES,), 16383, jnp.int32))

    def wait_scatter(b):
        pltpu.make_async_copy(
            msg_bufs[b], acc_sh.at[dst_bufs[b]], ssems[b]).wait()

    def body_fn(i, b, bn):
        pltpu.make_async_copy(
            x_hbm.at[src_bufs[b]], rows_bufs[b], gsems[b]).wait()
        pltpu.make_async_copy(
            ea_hbm.at[pl.ds(0, CHUNK)], msg_bufs[b], esems[b]).wait()

        @pl.when(i + 2 < N_CHUNKS)
        def _():
            start_comb(i + 2, b)

        @pl.when(i + 1 < N_CHUNKS)
        def _():
            pltpu.make_async_copy(
                comb_hbm.at[pl.ds(0, CHUNK)], comb_bufs[bn], isems[bn]).wait()
            unpack_src(bn)
            start_gather(bn)
            @pl.when(i > 0)
            def _():
                wait_scatter(bn)
            unpack_dst(bn)
            start_ea(i + 1, bn)

        def row_body(r, _):
            for j in range(DIM // LANES):
                sl = pl.ds(j * LANES, LANES)
                msg_bufs[b][r, sl] = jnp.maximum(
                    msg_bufs[b][r, sl] + rows_bufs[b][r, sl], 0.0)
            return 0
        lax.fori_loop(0, CHUNK, row_body, 0)
        pltpu.async_copy(msg_bufs[b], acc_sh.at[dst_bufs[b]], ssems[b],
                         add=True)

    start_comb(0, 0)
    start_ea(0, 0)
    start_comb(1, 1)

    def zero_row(r, _):
        for j in range(DIM // LANES):
            rows_bufs[0][r, pl.ds(j * LANES, LANES)] = (
                jnp.zeros((LANES,), jnp.float32))
        return 0
    lax.fori_loop(0, STRIPE, zero_row, 0)
    for k in range(STRIPES_PER_TILE):
        s = sid + k * NS
        @pl.when(s < N_STRIPES)
        def _():
            pltpu.sync_copy(rows_bufs[0].at[pl.ds(0, STRIPE)],
                            acc_sh.at[pl.ds(s * STRIPE, STRIPE)])
    plsc.subcore_barrier()

    pltpu.make_async_copy(
        comb_hbm.at[pl.ds(0, CHUNK)], comb_bufs[0], isems[0]).wait()
    unpack_src(0)
    unpack_dst(0)
    start_gather(0)

    def ring_body(g, _):
        i0 = g * NBUF
        for j in range(NBUF):
            body_fn(i0 + j, j, (j + 1) % NBUF)
        return 0

    lax.fori_loop(0, N_RING, ring_body, 0)
    wait_scatter(0)
    tbase = base0 + N_CHUNKS * CHUNK
    pltpu.async_copy(comb_hbm.at[pl.ds(tbase, TAIL)],
                     comb_bufs[0].at[pl.ds(0, TAIL)], isems[0])
    pltpu.async_copy(ea_hbm.at[pl.ds(tbase, TAIL)],
                     msg_bufs[0].at[pl.ds(0, TAIL)], esems[0])
    pltpu.make_async_copy(comb_hbm.at[pl.ds(0, TAIL)],
                          comb_bufs[0].at[pl.ds(0, TAIL)], isems[0]).wait()
    tsl = pl.ds(0, TAIL)
    src_bufs[0][tsl] = lax.shift_right_logical(comb_bufs[0][tsl], 14)
    tdst_buf[tsl] = lax.bitwise_and(
        comb_bufs[0][tsl], jnp.full((TAIL,), 16383, jnp.int32))
    pltpu.async_copy(x_hbm.at[src_bufs[0].at[pl.ds(0, TAIL)]],
                     rows_bufs[0].at[pl.ds(0, TAIL)], gsems[0])
    pltpu.make_async_copy(x_hbm.at[src_bufs[0].at[pl.ds(0, TAIL)]],
                          rows_bufs[0].at[pl.ds(0, TAIL)], gsems[0]).wait()
    pltpu.make_async_copy(ea_hbm.at[pl.ds(0, TAIL)],
                          msg_bufs[0].at[pl.ds(0, TAIL)], esems[0]).wait()

    def tail_row(r, _):
        for j in range(DIM // LANES):
            sl = pl.ds(j * LANES, LANES)
            msg_bufs[0][r, sl] = jnp.maximum(
                msg_bufs[0][r, sl] + rows_bufs[0][r, sl], 0.0)
        return 0
    lax.fori_loop(0, TAIL, tail_row, 0)
    pltpu.async_copy(msg_bufs[0].at[pl.ds(0, TAIL)], acc_sh.at[tdst_buf],
                     ssems[0], add=True)
    pltpu.make_async_copy(msg_bufs[0].at[pl.ds(0, TAIL)],
                          acc_sh.at[tdst_buf], ssems[0]).wait()
    wait_scatter(1)
    plsc.subcore_barrier()

    for k in range(STRIPES_PER_TILE):
        s = sid + k * NS
        @pl.when(s < N_STRIPES)
        def _():
            pltpu.sync_copy(acc_sh.at[pl.ds(s * STRIPE, STRIPE)],
                            out_hbm.at[cid, pl.ds(s * STRIPE, STRIPE)])


_sc_edge = functools.partial(
    pl.kernel,
    out_type=jax.ShapeDtypeStruct((NC, N_NODES, DIM), jnp.float32),
    mesh=plsc.VectorSubcoreMesh(core_axis_name="c", subcore_axis_name="s",
                                num_cores=NC, num_subcores=NS),
    scratch_types=[
        tuple(pltpu.VMEM((CHUNK,), jnp.int32) for _ in range(NBUF)),
        tuple(pltpu.VMEM((CHUNK,), jnp.int32) for _ in range(NBUF)),
        tuple(pltpu.VMEM((CHUNK,), jnp.int32) for _ in range(NBUF)),
        tuple(pltpu.VMEM((CHUNK, DIM), jnp.float32) for _ in range(NBUF)),
        tuple(pltpu.VMEM((CHUNK, DIM), jnp.float32) for _ in range(NBUF)),
        pltpu.VMEM((TAIL,), jnp.int32),
        pltpu.VMEM_SHARED((N_NODES, DIM), jnp.float32),
        tuple(pltpu.SemaphoreType.DMA for _ in range(NBUF)),
        tuple(pltpu.SemaphoreType.DMA for _ in range(NBUF)),
        tuple(pltpu.SemaphoreType.DMA for _ in range(NBUF)),
        tuple(pltpu.SemaphoreType.DMA for _ in range(NBUF)),
    ],
)(_sc_edge_body)


def _tc_mlp_body(eps_ref, x_ref, p_ref, w1_ref, b1_ref, g_ref, be_ref,
                 w2_ref, b2_ref, o_ref):
    h = x_ref[...] * (1.0 + eps_ref[0]) + p_ref[0] + p_ref[1]
    h1 = lax.dot_general(h, w1_ref[...], (((1,), (1,)), ((), ())),
                         preferred_element_type=jnp.float32) + b1_ref[...]
    mean = jnp.mean(h1, axis=0, keepdims=True)
    var = jnp.mean(jnp.square(h1 - mean), axis=0, keepdims=True)
    h2 = (h1 - mean) * lax.rsqrt(var + 1e-5) * g_ref[...] + be_ref[...]
    h2 = jnp.maximum(h2, 0.0)
    o_ref[...] = lax.dot_general(h2, w2_ref[...], (((1,), (1,)), ((), ())),
                                 preferred_element_type=jnp.float32) + b2_ref[...]


def _tc_mlp(eps, x, partials, w1, b1, gamma, beta, w2, b2):
    return pl.pallas_call(
        _tc_mlp_body,
        out_shape=jax.ShapeDtypeStruct((N_NODES, DIM), jnp.float32),
        in_specs=[
            pl.BlockSpec(memory_space=pltpu.SMEM),
            pl.BlockSpec(memory_space=pltpu.VMEM),
            pl.BlockSpec(memory_space=pltpu.VMEM),
            pl.BlockSpec(memory_space=pltpu.VMEM),
            pl.BlockSpec(memory_space=pltpu.VMEM),
            pl.BlockSpec(memory_space=pltpu.VMEM),
            pl.BlockSpec(memory_space=pltpu.VMEM),
            pl.BlockSpec(memory_space=pltpu.VMEM),
            pl.BlockSpec(memory_space=pltpu.VMEM),
        ],
        out_specs=pl.BlockSpec(memory_space=pltpu.VMEM),
    )(eps, x, partials, w1, b1, gamma, beta, w2, b2)


def kernel(x, edge_index, edge_attr, eps, W1, b1, gamma, beta, W2, b2):
    dst = edge_index[0]
    src = edge_index[1]
    comb = jnp.bitwise_or(jnp.left_shift(src, 14), dst)
    partials = _sc_edge(x, comb, edge_attr)
    return _tc_mlp(eps, x, partials, W1,
                   b1.reshape(1, DIM), gamma.reshape(1, DIM),
                   beta.reshape(1, DIM), W2, b2.reshape(1, DIM))

# --- scband reference (transcript-rebuilt; emitter-appended) ---
"""Pipeline reference for scband-mpnn-block-14602888806939 (READ-ONLY COPY).

The authoritative reference and input builder live on the scoring server;
editing this copy changes nothing except your own understanding.
"""

import jax, jax.numpy as jnp
import numpy as np

N, E, D = 10000, 320000, 128

def setup_inputs(seed: int = 0) -> dict:
    key = jax.random.key(seed)
    ks = jax.random.split(key, 10)
    x = jax.random.normal(ks[0], (N, D), dtype=jnp.float32)
    edge_index = jax.random.randint(ks[1], (2, E), 0, N, dtype=jnp.int32)
    edge_attr = jax.random.normal(ks[2], (E, D), dtype=jnp.float32)
    # learned parameters
    eps = jnp.zeros((1,), dtype=jnp.float32)  # GIN eps, init 0
    bound1 = 1.0 / np.sqrt(D)
    W1 = jax.random.uniform(ks[3], (D, D), dtype=jnp.float32, minval=-bound1, maxval=bound1)
    b1 = jax.random.uniform(ks[4], (D,), dtype=jnp.float32, minval=-bound1, maxval=bound1)
    gamma = jnp.ones((D,), dtype=jnp.float32)
    beta = jnp.zeros((D,), dtype=jnp.float32)
    W2 = jax.random.uniform(ks[5], (D, D), dtype=jnp.float32, minval=-bound1, maxval=bound1)
    b2 = jax.random.uniform(ks[6], (D,), dtype=jnp.float32, minval=-bound1, maxval=bound1)
    return {"x": x, "edge_index": edge_index, "edge_attr": edge_attr,
            "eps": eps, "W1": W1, "b1": b1, "gamma": gamma, "beta": beta,
            "W2": W2, "b2": b2}


def reference(x, edge_index, edge_attr, eps, W1, b1, gamma, beta, W2, b2):
    # MPNN_block with type='Gin', agg='sum', edge_attr is not None
    dst = edge_index[0]
    src = edge_index[1]
    self_element = x * (1.0 + eps)
    x_message = jnp.take(x, src, axis=0)          # gather neighbor features
    message = jax.nn.relu(x_message + edge_attr)  # agg != 'point' -> relu
    x_agg = jax.ops.segment_sum(message, dst, num_segments=x.shape[0])  # pys.scatter (sum)
    h = self_element + x_agg
    # MLP(d, d_output): Linear -> BatchNorm1d(train mode) -> ReLU -> Linear
    h = h @ W1.T + b1
    mean = jnp.mean(h, axis=0)
    var = jnp.var(h, axis=0)
    h = (h - mean) / jnp.sqrt(var + 1e-5) * gamma + beta
    h = jax.nn.relu(h)
    out = h @ W2.T + b2
    return out

if __name__ == "__main__":
    import jax
    _d = setup_inputs()
    print(jax.jit(kernel)(*tuple(_d.values())))

</pallas_src>

<mosaic_0001>
#map = affine_map<(d0, d1) -> (0, 0)>
#map1 = affine_map<(d0, d1) -> (0)>
#map2 = affine_map<(d0, d1) -> (0, 0, 0)>
module attributes {stable_mosaic.version = 14 : i64} {
  func.func @_sc_edge_body(%arg0: i32, %arg1: i32, %arg2: memref<10000x128xf32, #tpu.memory_space<hbm>>, %arg3: memref<320000xi32, #tpu.memory_space<hbm>>, %arg4: memref<320000x128xf32, #tpu.memory_space<hbm>>, %arg5: memref<2x10000x128xf32, #tpu.memory_space<hbm>>, %arg6: memref<96xi32, #tpu.memory_space<vmem>>, %arg7: memref<96xi32, #tpu.memory_space<vmem>>, %arg8: memref<96xi32, #tpu.memory_space<vmem>>, %arg9: memref<96xi32, #tpu.memory_space<vmem>>, %arg10: memref<96xi32, #tpu.memory_space<vmem>>, %arg11: memref<96xi32, #tpu.memory_space<vmem>>, %arg12: memref<96x128xf32, #tpu.memory_space<vmem>>, %arg13: memref<96x128xf32, #tpu.memory_space<vmem>>, %arg14: memref<96x128xf32, #tpu.memory_space<vmem>>, %arg15: memref<96x128xf32, #tpu.memory_space<vmem>>, %arg16: memref<16xi32, #tpu.memory_space<vmem>>, %arg17: memref<10000x128xf32, #tpu.memory_space<vmem_shared>>, %arg18: memref<!tpu.dma_semaphore, #tpu.memory_space<semaphore_mem>>, %arg19: memref<!tpu.dma_semaphore, #tpu.memory_space<semaphore_mem>>, %arg20: memref<!tpu.dma_semaphore, #tpu.memory_space<semaphore_mem>>, %arg21: memref<!tpu.dma_semaphore, #tpu.memory_space<semaphore_mem>>, %arg22: memref<!tpu.dma_semaphore, #tpu.memory_space<semaphore_mem>>, %arg23: memref<!tpu.dma_semaphore, #tpu.memory_space<semaphore_mem>>, %arg24: memref<!tpu.dma_semaphore, #tpu.memory_space<semaphore_mem>>, %arg25: memref<!tpu.dma_semaphore, #tpu.memory_space<semaphore_mem>>) attributes {dimension_semantics = [#tpu.dimension_semantics<core_parallel>, #tpu.dimension_semantics<subcore_parallel>], iteration_bounds = array<i64: 2, 16>, scalar_prefetch = 0 : i64, scratch_operands = 20 : i64, tpu.core_type = #tpu.core_type<sc_vector_subcore>, window_params = [{transform_indices = #map}, {transform_indices = #map1}, {transform_indices = #map}, {transform_indices = #map2}]} {
    %mul3A = arith.constant 2 : i32
    %mul3A_0 = arith.muli %arg1, %mul3A : i32
    %add3A = arith.addi %mul3A_0, %arg0 : i32
    %mul3A_1 = arith.constant 10000 : i32
    %mul3A_2 = arith.muli %add3A, %mul3A_1 : i32
    %add3A_3 = arith.constant 0 : i32
    %add3A_4 = arith.addi %mul3A_2, %add3A_3 : i32
    %dma_start3A = tpu.memref_slice %arg3[%add3A_4] : memref<320000xi32, #tpu.memory_space<hbm>> -> memref<96xi32, #tpu.memory_space<hbm>>
    %dma_start3A_5 = tpu.memref_slice %arg3[%add3A_4] : memref<320000xi32, #tpu.memory_space<hbm>> -> memref<96xi32, #tpu.memory_space<hbm>>
    tpu.enqueue_dma source(%dma_start3A_5 : memref<96xi32, #tpu.memory_space<hbm>>) target(%arg6 : memref<96xi32, #tpu.memory_space<vmem>>) target_semaphore(%arg18 : memref<!tpu.dma_semaphore, #tpu.memory_space<semaphore_mem>>)
    %add3A_6 = arith.constant 0 : i32
    %add3A_7 = arith.addi %mul3A_2, %add3A_6 : i32
    %dma_start3A_8 = arith.constant 0 : i32
    %dma_start3A_9 = tpu.memref_slice %arg4[%add3A_7, %dma_start3A_8] : memref<320000x128xf32, #tpu.memory_space<hbm>> -> memref<96x128xf32, #tpu.memory_space<hbm>>
    %dma_start3A_10 = arith.constant 0 : i32
    %dma_start3A_11 = tpu.memref_slice %arg4[%add3A_7, %dma_start3A_10] : memref<320000x128xf32, #tpu.memory_space<hbm>> -> memref<96x128xf32, #tpu.memory_space<hbm>>
    tpu.enqueue_dma source(%dma_start3A_11 : memref<96x128xf32, #tpu.memory_space<hbm>>) target(%arg14 : memref<96x128xf32, #tpu.memory_space<vmem>>) target_semaphore(%arg22 : memref<!tpu.dma_semaphore, #tpu.memory_space<semaphore_mem>>)
    %add3A_12 = arith.constant 96 : i32
    %add3A_13 = arith.addi %mul3A_2, %add3A_12 : i32
    %dma_start3A_14 = tpu.memref_slice %arg3[%add3A_13] : memref<320000xi32, #tpu.memory_space<hbm>> -> memref<96xi32, #tpu.memory_space<hbm>>
    %dma_start3A_15 = tpu.memref_slice %arg3[%add3A_13] : memref<320000xi32, #tpu.memory_space<hbm>> -> memref<96xi32, #tpu.memory_space<hbm>>
    tpu.enqueue_dma source(%dma_start3A_15 : memref<96xi32, #tpu.memory_space<hbm>>) target(%arg7 : memref<96xi32, #tpu.memory_space<vmem>>) target_semaphore(%arg19 : memref<!tpu.dma_semaphore, #tpu.memory_space<semaphore_mem>>)
    %scan3A = arith.constant 0 : i32
    %scan3A_16 = arith.constant 0 : i32
    %scan3A_17 = arith.constant 80 : i32
    %scan3A_18 = arith.addi %scan3A_16, %scan3A_17 : i32
    %scan3A_19 = arith.constant 1 : i32
    %scan3A_20 = scf.for %scan3A_359 = %scan3A_16 to %scan3A_18 step %scan3A_19 iter_args(%scan3A_360 = %scan3A) -> (i32)  : i32 {
      %broadcast_in_dim3A_361 = arith.constant 0.000000e+00 : f32
      %broadcast_in_dim3A_362 = vector.broadcast %broadcast_in_dim3A_361 : f32 to vector<16xf32>
      %swap3A_363 = arith.index_cast %scan3A_359 : i32 to index
      %swap3A_364 = arith.constant 0 : index
      %swap3A_365 = tpu.vector_load %arg12[%swap3A_363, %swap3A_364] {strides = array<i32>} : memref<96x128xf32, #tpu.memory_space<vmem>>, vector<1x16xf32>,
      %swap3A_366 = vector.shape_cast %swap3A_365 : vector<1x16xf32> to vector<16xf32>
      %swap3A_367 = vector.shape_cast %broadcast_in_dim3A_362 : vector<16xf32> to vector<1x16xf32>
      tpu.vector_store %arg12[%swap3A_363, %swap3A_364], %swap3A_367 {strides = array<i32>} : memref<96x128xf32, #tpu.memory_space<vmem>>, vector<1x16xf32>,
      %broadcast_in_dim3A_368 = arith.constant 0.000000e+00 : f32
      %broadcast_in_dim3A_369 = vector.broadcast %broadcast_in_dim3A_368 : f32 to vector<16xf32>
      %swap3A_370 = arith.index_cast %scan3A_359 : i32 to index
      %swap3A_371 = arith.constant 16 : index
      %swap3A_372 = tpu.vector_load %arg12[%swap3A_370, %swap3A_371] {strides = array<i32>} : memref<96x128xf32, #tpu.memory_space<vmem>>, vector<1x16xf32>,
      %swap3A_373 = vector.shape_cast %swap3A_372 : vector<1x16xf32> to vector<16xf32>
      %swap3A_374 = vector.shape_cast %broadcast_in_dim3A_369 : vector<16xf32> to vector<1x16xf32>
      tpu.vector_store %arg12[%swap3A_370, %swap3A_371], %swap3A_374 {strides = array<i32>} : memref<96x128xf32, #tpu.memory_space<vmem>>, vector<1x16xf32>,
      %broadcast_in_dim3A_375 = arith.constant 0.000000e+00 : f32
      %broadcast_in_dim3A_376 = vector.broadcast %broadcast_in_dim3A_375 : f32 to vector<16xf32>
      %swap3A_377 = arith.index_cast %scan3A_359 : i32 to index
      %swap3A_378 = arith.constant 32 : index
      %swap3A_379 = tpu.vector_load %arg12[%swap3A_377, %swap3A_378] {strides = array<i32>} : memref<96x128xf32, #tpu.memory_space<vmem>>, vector<1x16xf32>,
      %swap3A_380 = vector.shape_cast %swap3A_379 : vector<1x16xf32> to vector<16xf32>
      %swap3A_381 = vector.shape_cast %broadcast_in_dim3A_376 : vector<16xf32> to vector<1x16xf32>
      tpu.vector_store %arg12[%swap3A_377, %swap3A_378], %swap3A_381 {strides = array<i32>} : memref<96x128xf32, #tpu.memory_space<vmem>>, vector<1x16xf32>,
      %broadcast_in_dim3A_382 = arith.constant 0.000000e+00 : f32
      %broadcast_in_dim3A_383 = vector.broadcast %broadcast_in_dim3A_382 : f32 to vector<16xf32>
      %swap3A_384 = arith.index_cast %scan3A_359 : i32 to index
      %swap3A_385 = arith.constant 48 : index
      %swap3A_386 = tpu.vector_load %arg12[%swap3A_384, %swap3A_385] {strides = array<i32>} : memref<96x128xf32, #tpu.memory_space<vmem>>, vector<1x16xf32>,
      %swap3A_387 = vector.shape_cast %swap3A_386 : vector<1x16xf32> to vector<16xf32>
      %swap3A_388 = vector.shape_cast %broadcast_in_dim3A_383 : vector<16xf32> to vector<1x16xf32>
      tpu.vector_store %arg12[%swap3A_384, %swap3A_385], %swap3A_388 {strides = array<i32>} : memref<96x128xf32, #tpu.memory_space<vmem>>, vector<1x16xf32>,
      %broadcast_in_dim3A_389 = arith.constant 0.000000e+00 : f32
      %broadcast_in_dim3A_390 = vector.broadcast %broadcast_in_dim3A_389 : f32 to vector<16xf32>
      %swap3A_391 = arith.index_cast %scan3A_359 : i32 to index
      %swap3A_392 = arith.constant 64 : index
      %swap3A_393 = tpu.vector_load %arg12[%swap3A_391, %swap3A_392] {strides = array<i32>} : memref<96x128xf32, #tpu.memory_space<vmem>>, vector<1x16xf32>,
      %swap3A_394 = vector.shape_cast %swap3A_393 : vector<1x16xf32> to vector<16xf32>
      %swap3A_395 = vector.shape_cast %broadcast_in_dim3A_390 : vector<16xf32> to vector<1x16xf32>
      tpu.vector_store %arg12[%swap3A_391, %swap3A_392], %swap3A_395 {strides = array<i32>} : memref<96x128xf32, #tpu.memory_space<vmem>>, vector<1x16xf32>,
      %broadcast_in_dim3A_396 = arith.constant 0.000000e+00 : f32
      %broadcast_in_dim3A_397 = vector.broadcast %broadcast_in_dim3A_396 : f32 to vector<16xf32>
      %swap3A_398 = arith.index_cast %scan3A_359 : i32 to index
      %swap3A_399 = arith.constant 80 : index
      %swap3A_400 = tpu.vector_load %arg12[%swap3A_398, %swap3A_399] {strides = array<i32>} : memref<96x128xf32, #tpu.memory_space<vmem>>, vector<1x16xf32>,
      %swap3A_401 = vector.shape_cast %swap3A_400 : vector<1x16xf32> to vector<16xf32>
      %swap3A_402 = vector.shape_cast %broadcast_in_dim3A_397 : vector<16xf32> to vector<1x16xf32>
      tpu.vector_store %arg12[%swap3A_398, %swap3A_399], %swap3A_402 {strides = array<i32>} : memref<96x128xf32, #tpu.memory_space<vmem>>, vector<1x16xf32>,
      %broadcast_in_dim3A_403 = arith.constant 0.000000e+00 : f32
      %broadcast_in_dim3A_404 = vector.broadcast %broadcast_in_dim3A_403 : f32 to vector<16xf32>
      %swap3A_405 = arith.index_cast %scan3A_359 : i32 to index
      %swap3A_406 = arith.constant 96 : index
      %swap3A_407 = tpu.vector_load %arg12[%swap3A_405, %swap3A_406] {strides = array<i32>} : memref<96x128xf32, #tpu.memory_space<vmem>>, vector<1x16xf32>,
      %swap3A_408 = vector.shape_cast %swap3A_407 : vector<1x16xf32> to vector<16xf32>
      %swap3A_409 = vector.shape_cast %broadcast_in_dim3A_404 : vector<16xf32> to vector<1x16xf32>
      tpu.vector_store %arg12[%swap3A_405, %swap3A_406], %swap3A_409 {strides = array<i32>} : memref<96x128xf32, #tpu.memory_space<vmem>>, vector<1x16xf32>,
      %broadcast_in_dim3A_410 = arith.constant 0.000000e+00 : f32
      %broadcast_in_dim3A_411 = vector.broadcast %broadcast_in_dim3A_410 : f32 to vector<16xf32>
      %swap3A_412 = arith.index_cast %scan3A_359 : i32 to index
      %swap3A_413 = arith.constant 112 : index
      %swap3A_414 = tpu.vector_load %arg12[%swap3A_412, %swap3A_413] {strides = array<i32>} : memref<96x128xf32, #tpu.memory_space<vmem>>, vector<1x16xf32>,
      %swap3A_415 = vector.shape_cast %swap3A_414 : vector<1x16xf32> to vector<16xf32>
      %swap3A_416 = vector.shape_cast %broadcast_in_dim3A_411 : vector<16xf32> to vector<1x16xf32>
      tpu.vector_store %arg12[%swap3A_412, %swap3A_413], %swap3A_416 {strides = array<i32>} : memref<96x128xf32, #tpu.memory_space<vmem>>, vector<1x16xf32>,
      %scan3A_417 = arith.constant 0 : i32
      scf.yield %scan3A_417 : i32
    }
    %scan3A_21 = arith.constant 80 : i32
    %add3A_22 = arith.constant 0 : i32
    %add3A_23 = arith.addi %arg1, %add3A_22 : i32
    %lt3A = arith.constant 125 : i32
    %lt3A_24 = arith.cmpi slt, %add3A_23, %lt3A : i32
    %convert_element_type3A = arith.extui %lt3A_24 : i1 to i32
    %cond3A = arith.constant 0 : i32
    %cond3A_25 = arith.cmpi ne, %convert_element_type3A, %cond3A : i32
    scf.if %cond3A_25 {
      %mul3A_359 = arith.constant 80 : i32
      %mul3A_360 = arith.muli %add3A_23, %mul3A_359 : i32
      "tpu.region"() ({
        %run_scoped3A = tpu.sem_alloc : memref<!tpu.dma_semaphore, #tpu.memory_space<semaphore_mem>>
        %dma_start3A_361 = arith.constant 0 : i32
        %dma_start3A_362 = arith.constant 0 : i32
        %dma_start3A_363 = tpu.memref_slice %arg12[%dma_start3A_361, %dma_start3A_362] : memref<96x128xf32, #tpu.memory_space<vmem>> -> memref<80x128xf32, #tpu.memory_space<vmem>>
        %dma_start3A_364 = arith.constant 0 : i32
        %dma_start3A_365 = tpu.memref_slice %arg17[%mul3A_360, %dma_start3A_364] : memref<10000x128xf32, #tpu.memory_space<vmem_shared>> -> memref<80x128xf32, #tpu.memory_space<vmem_shared>>
        %dma_start3A_366 = arith.constant 0 : i32
        %dma_start3A_367 = tpu.memref_slice %arg17[%mul3A_360, %dma_start3A_366] : memref<10000x128xf32, #tpu.memory_space<vmem_shared>> -> memref<80x128xf32, #tpu.memory_space<vmem_shared>>
        %dma_start3A_368 = arith.constant 0 : i32
        %dma_start3A_369 = arith.constant 0 : i32
        %dma_start3A_370 = tpu.memref_slice %arg12[%dma_start3A_368, %dma_start3A_369] : memref<96x128xf32, #tpu.memory_space<vmem>> -> memref<80x128xf32, #tpu.memory_space<vmem>>
        tpu.enqueue_dma source(%dma_start3A_370 : memref<80x128xf32, #tpu.memory_space<vmem>>) target(%dma_start3A_367 : memref<80x128xf32, #tpu.memory_space<vmem_shared>>) target_semaphore(%run_scoped3A : memref<!tpu.dma_semaphore, #tpu.memory_space<semaphore_mem>>)
        %dma_wait3A_371 = arith.constant 0 : i32
        %dma_wait3A_372 = arith.constant 0 : i32
        %dma_wait3A_373 = tpu.memref_slice %arg12[%dma_wait3A_371, %dma_wait3A_372] : memref<96x128xf32, #tpu.memory_space<vmem>> -> memref<80x128xf32, #tpu.memory_space<vmem>>
        %dma_wait3A_374 = arith.constant 0 : i32
        %dma_wait3A_375 = tpu.memref_slice %arg17[%mul3A_360, %dma_wait3A_374] : memref<10000x128xf32, #tpu.memory_space<vmem_shared>> -> memref<80x128xf32, #tpu.memory_space<vmem_shared>>
        %dma_wait3A_376 = arith.constant 0 : i32
        %dma_wait3A_377 = tpu.memref_slice %arg17[%mul3A_360, %dma_wait3A_376] : memref<10000x128xf32, #tpu.memory_space<vmem_shared>> -> memref<80x128xf32, #tpu.memory_space<vmem_shared>>
        %dma_wait3A_378 = arith.constant 0 : i32
        %dma_wait3A_379 = arith.constant 0 : i32
        %dma_wait3A_380 = tpu.memref_slice %arg12[%dma_wait3A_378, %dma_wait3A_379] : memref<96x128xf32, #tpu.memory_space<vmem>> -> memref<80x128xf32, #tpu.memory_space<vmem>>
        tpu.wait_dma2 semaphore(%run_scoped3A : memref<!tpu.dma_semaphore, #tpu.memory_space<semaphore_mem>>) src(%dma_wait3A_380 : memref<80x128xf32, #tpu.memory_space<vmem>>) dst(%dma_wait3A_377 : memref<80x128xf32, #tpu.memory_space<vmem_shared>>)
        tpu.yield
      }) : () -> ()
    } else {
    }
    %add3A_26 = arith.constant 16 : i32
    %add3A_27 = arith.addi %arg1, %add3A_26 : i32
    %lt3A_28 = arith.constant 125 : i32
    %lt3A_29 = arith.cmpi slt, %add3A_27, %lt3A_28 : i32
    %convert_element_type3A_30 = arith.extui %lt3A_29 : i1 to i32
    %cond3A_31 = arith.constant 0 : i32
    %cond3A_32 = arith.cmpi ne, %convert_element_type3A_30, %cond3A_31 : i32
    scf.if %cond3A_32 {
      %mul3A_359 = arith.constant 80 : i32
      %mul3A_360 = arith.muli %add3A_27, %mul3A_359 : i32
      "tpu.region"() ({
        %run_scoped3A = tpu.sem_alloc : memref<!tpu.dma_semaphore, #tpu.memory_space<semaphore_mem>>
        %dma_start3A_361 = arith.constant 0 : i32
        %dma_start3A_362 = arith.constant 0 : i32
        %dma_start3A_363 = tpu.memref_slice %arg12[%dma_start3A_361, %dma_start3A_362] : memref<96x128xf32, #tpu.memory_space<vmem>> -> memref<80x128xf32, #tpu.memory_space<vmem>>
        %dma_start3A_364 = arith.constant 0 : i32
        %dma_start3A_365 = tpu.memref_slice %arg17[%mul3A_360, %dma_start3A_364] : memref<10000x128xf32, #tpu.memory_space<vmem_shared>> -> memref<80x128xf32, #tpu.memory_space<vmem_shared>>
        %dma_start3A_366 = arith.constant 0 : i32
        %dma_start3A_367 = tpu.memref_slice %arg17[%mul3A_360, %dma_start3A_366] : memref<10000x128xf32, #tpu.memory_space<vmem_shared>> -> memref<80x128xf32, #tpu.memory_space<vmem_shared>>
        %dma_start3A_368 = arith.constant 0 : i32
        %dma_start3A_369 = arith.constant 0 : i32
        %dma_start3A_370 = tpu.memref_slice %arg12[%dma_start3A_368, %dma_start3A_369] : memref<96x128xf32, #tpu.memory_space<vmem>> -> memref<80x128xf32, #tpu.memory_space<vmem>>
        tpu.enqueue_dma source(%dma_start3A_370 : memref<80x128xf32, #tpu.memory_space<vmem>>) target(%dma_start3A_367 : memref<80x128xf32, #tpu.memory_space<vmem_shared>>) target_semaphore(%run_scoped3A : memref<!tpu.dma_semaphore, #tpu.memory_space<semaphore_mem>>)
        %dma_wait3A_371 = arith.constant 0 : i32
        %dma_wait3A_372 = arith.constant 0 : i32
        %dma_wait3A_373 = tpu.memref_slice %arg12[%dma_wait3A_371, %dma_wait3A_372] : memref<96x128xf32, #tpu.memory_space<vmem>> -> memref<80x128xf32, #tpu.memory_space<vmem>>
        %dma_wait3A_374 = arith.constant 0 : i32
        %dma_wait3A_375 = tpu.memref_slice %arg17[%mul3A_360, %dma_wait3A_374] : memref<10000x128xf32, #tpu.memory_space<vmem_shared>> -> memref<80x128xf32, #tpu.memory_space<vmem_shared>>
        %dma_wait3A_376 = arith.constant 0 : i32
        %dma_wait3A_377 = tpu.memref_slice %arg17[%mul3A_360, %dma_wait3A_376] : memref<10000x128xf32, #tpu.memory_space<vmem_shared>> -> memref<80x128xf32, #tpu.memory_space<vmem_shared>>
        %dma_wait3A_378 = arith.constant 0 : i32
        %dma_wait3A_379 = arith.constant 0 : i32
        %dma_wait3A_380 = tpu.memref_slice %arg12[%dma_wait3A_378, %dma_wait3A_379] : memref<96x128xf32, #tpu.memory_space<vmem>> -> memref<80x128xf32, #tpu.memory_space<vmem>>
        tpu.wait_dma2 semaphore(%run_scoped3A : memref<!tpu.dma_semaphore, #tpu.memory_space<semaphore_mem>>) src(%dma_wait3A_380 : memref<80x128xf32, #tpu.memory_space<vmem>>) dst(%dma_wait3A_377 : memref<80x128xf32, #tpu.memory_space<vmem_shared>>)
        tpu.yield
      }) : () -> ()
    } else {
    }
    %add3A_33 = arith.constant 32 : i32
    %add3A_34 = arith.addi %arg1, %add3A_33 : i32
    %lt3A_35 = arith.constant 125 : i32
    %lt3A_36 = arith.cmpi slt, %add3A_34, %lt3A_35 : i32
    %convert_element_type3A_37 = arith.extui %lt3A_36 : i1 to i32
    %cond3A_38 = arith.constant 0 : i32
    %cond3A_39 = arith.cmpi ne, %convert_element_type3A_37, %cond3A_38 : i32
    scf.if %cond3A_39 {
      %mul3A_359 = arith.constant 80 : i32
      %mul3A_360 = arith.muli %add3A_34, %mul3A_359 : i32
      "tpu.region"() ({
        %run_scoped3A = tpu.sem_alloc : memref<!tpu.dma_semaphore, #tpu.memory_space<semaphore_mem>>
        %dma_start3A_361 = arith.constant 0 : i32
        %dma_start3A_362 = arith.constant 0 : i32
        %dma_start3A_363 = tpu.memref_slice %arg12[%dma_start3A_361, %dma_start3A_362] : memref<96x128xf32, #tpu.memory_space<vmem>> -> memref<80x128xf32, #tpu.memory_space<vmem>>
        %dma_start3A_364 = arith.constant 0 : i32
        %dma_start3A_365 = tpu.memref_slice %arg17[%mul3A_360, %dma_start3A_364] : memref<10000x128xf32, #tpu.memory_space<vmem_shared>> -> memref<80x128xf32, #tpu.memory_space<vmem_shared>>
        %dma_start3A_366 = arith.constant 0 : i32
        %dma_start3A_367 = tpu.memref_slice %arg17[%mul3A_360, %dma_start3A_366] : memref<10000x128xf32, #tpu.memory_space<vmem_shared>> -> memref<80x128xf32, #tpu.memory_space<vmem_shared>>
        %dma_start3A_368 = arith.constant 0 : i32
        %dma_start3A_369 = arith.constant 0 : i32
        %dma_start3A_370 = tpu.memref_slice %arg12[%dma_start3A_368, %dma_start3A_369] : memref<96x128xf32, #tpu.memory_space<vmem>> -> memref<80x128xf32, #tpu.memory_space<vmem>>
        tpu.enqueue_dma source(%dma_start3A_370 : memref<80x128xf32, #tpu.memory_space<vmem>>) target(%dma_start3A_367 : memref<80x128xf32, #tpu.memory_space<vmem_shared>>) target_semaphore(%run_scoped3A : memref<!tpu.dma_semaphore, #tpu.memory_space<semaphore_mem>>)
        %dma_wait3A_371 = arith.constant 0 : i32
        %dma_wait3A_372 = arith.constant 0 : i32
        %dma_wait3A_373 = tpu.memref_slice %arg12[%dma_wait3A_371, %dma_wait3A_372] : memref<96x128xf32, #tpu.memory_space<vmem>> -> memref<80x128xf32, #tpu.memory_space<vmem>>
        %dma_wait3A_374 = arith.constant 0 : i32
        %dma_wait3A_375 = tpu.memref_slice %arg17[%mul3A_360, %dma_wait3A_374] : memref<10000x128xf32, #tpu.memory_space<vmem_shared>> -> memref<80x128xf32, #tpu.memory_space<vmem_shared>>
        %dma_wait3A_376 = arith.constant 0 : i32
        %dma_wait3A_377 = tpu.memref_slice %arg17[%mul3A_360, %dma_wait3A_376] : memref<10000x128xf32, #tpu.memory_space<vmem_shared>> -> memref<80x128xf32, #tpu.memory_space<vmem_shared>>
        %dma_wait3A_378 = arith.constant 0 : i32
        %dma_wait3A_379 = arith.constant 0 : i32
        %dma_wait3A_380 = tpu.memref_slice %arg12[%dma_wait3A_378, %dma_wait3A_379] : memref<96x128xf32, #tpu.memory_space<vmem>> -> memref<80x128xf32, #tpu.memory_space<vmem>>
        tpu.wait_dma2 semaphore(%run_scoped3A : memref<!tpu.dma_semaphore, #tpu.memory_space<semaphore_mem>>) src(%dma_wait3A_380 : memref<80x128xf32, #tpu.memory_space<vmem>>) dst(%dma_wait3A_377 : memref<80x128xf32, #tpu.memory_space<vmem_shared>>)
        tpu.yield
      }) : () -> ()
    } else {
    }
    %add3A_40 = arith.constant 48 : i32
    %add3A_41 = arith.addi %arg1, %add3A_40 : i32
    %lt3A_42 = arith.constant 125 : i32
    %lt3A_43 = arith.cmpi slt, %add3A_41, %lt3A_42 : i32
    %convert_element_type3A_44 = arith.extui %lt3A_43 : i1 to i32
    %cond3A_45 = arith.constant 0 : i32
    %cond3A_46 = arith.cmpi ne, %convert_element_type3A_44, %cond3A_45 : i32
    scf.if %cond3A_46 {
      %mul3A_359 = arith.constant 80 : i32
      %mul3A_360 = arith.muli %add3A_41, %mul3A_359 : i32
      "tpu.region"() ({
        %run_scoped3A = tpu.sem_alloc : memref<!tpu.dma_semaphore, #tpu.memory_space<semaphore_mem>>
        %dma_start3A_361 = arith.constant 0 : i32
        %dma_start3A_362 = arith.constant 0 : i32
        %dma_start3A_363 = tpu.memref_slice %arg12[%dma_start3A_361, %dma_start3A_362] : memref<96x128xf32, #tpu.memory_space<vmem>> -> memref<80x128xf32, #tpu.memory_space<vmem>>
        %dma_start3A_364 = arith.constant 0 : i32
        %dma_start3A_365 = tpu.memref_slice %arg17[%mul3A_360, %dma_start3A_364] : memref<10000x128xf32, #tpu.memory_space<vmem_shared>> -> memref<80x128xf32, #tpu.memory_space<vmem_shared>>
        %dma_start3A_366 = arith.constant 0 : i32
        %dma_start3A_367 = tpu.memref_slice %arg17[%mul3A_360, %dma_start3A_366] : memref<10000x128xf32, #tpu.memory_space<vmem_shared>> -> memref<80x128xf32, #tpu.memory_space<vmem_shared>>
        %dma_start3A_368 = arith.constant 0 : i32
        %dma_start3A_369 = arith.constant 0 : i32
        %dma_start3A_370 = tpu.memref_slice %arg12[%dma_start3A_368, %dma_start3A_369] : memref<96x128xf32, #tpu.memory_space<vmem>> -> memref<80x128xf32, #tpu.memory_space<vmem>>
        tpu.enqueue_dma source(%dma_start3A_370 : memref<80x128xf32, #tpu.memory_space<vmem>>) target(%dma_start3A_367 : memref<80x128xf32, #tpu.memory_space<vmem_shared>>) target_semaphore(%run_scoped3A : memref<!tpu.dma_semaphore, #tpu.memory_space<semaphore_mem>>)
        %dma_wait3A_371 = arith.constant 0 : i32
        %dma_wait3A_372 = arith.constant 0 : i32
        %dma_wait3A_373 = tpu.memref_slice %arg12[%dma_wait3A_371, %dma_wait3A_372] : memref<96x128xf32, #tpu.memory_space<vmem>> -> memref<80x128xf32, #tpu.memory_space<vmem>>
        %dma_wait3A_374 = arith.constant 0 : i32
        %dma_wait3A_375 = tpu.memref_slice %arg17[%mul3A_360, %dma_wait3A_374] : memref<10000x128xf32, #tpu.memory_space<vmem_shared>> -> memref<80x128xf32, #tpu.memory_space<vmem_shared>>
        %dma_wait3A_376 = arith.constant 0 : i32
        %dma_wait3A_377 = tpu.memref_slice %arg17[%mul3A_360, %dma_wait3A_376] : memref<10000x128xf32, #tpu.memory_space<vmem_shared>> -> memref<80x128xf32, #tpu.memory_space<vmem_shared>>
        %dma_wait3A_378 = arith.constant 0 : i32
        %dma_wait3A_379 = arith.constant 0 : i32
        %dma_wait3A_380 = tpu.memref_slice %arg12[%dma_wait3A_378, %dma_wait3A_379] : memref<96x128xf32, #tpu.memory_space<vmem>> -> memref<80x128xf32, #tpu.memory_space<vmem>>
        tpu.wait_dma2 semaphore(%run_scoped3A : memref<!tpu.dma_semaphore, #tpu.memory_space<semaphore_mem>>) src(%dma_wait3A_380 : memref<80x128xf32, #tpu.memory_space<vmem>>) dst(%dma_wait3A_377 : memref<80x128xf32, #tpu.memory_space<vmem_shared>>)
        tpu.yield
      }) : () -> ()
    } else {
    }
    %add3A_47 = arith.constant 64 : i32
    %add3A_48 = arith.addi %arg1, %add3A_47 : i32
    %lt3A_49 = arith.constant 125 : i32
    %lt3A_50 = arith.cmpi slt, %add3A_48, %lt3A_49 : i32
    %convert_element_type3A_51 = arith.extui %lt3A_50 : i1 to i32
    %cond3A_52 = arith.constant 0 : i32
    %cond3A_53 = arith.cmpi ne, %convert_element_type3A_51, %cond3A_52 : i32
    scf.if %cond3A_53 {
      %mul3A_359 = arith.constant 80 : i32
      %mul3A_360 = arith.muli %add3A_48, %mul3A_359 : i32
      "tpu.region"() ({
        %run_scoped3A = tpu.sem_alloc : memref<!tpu.dma_semaphore, #tpu.memory_space<semaphore_mem>>
        %dma_start3A_361 = arith.constant 0 : i32
        %dma_start3A_362 = arith.constant 0 : i32
        %dma_start3A_363 = tpu.memref_slice %arg12[%dma_start3A_361, %dma_start3A_362] : memref<96x128xf32, #tpu.memory_space<vmem>> -> memref<80x128xf32, #tpu.memory_space<vmem>>
        %dma_start3A_364 = arith.constant 0 : i32
        %dma_start3A_365 = tpu.memref_slice %arg17[%mul3A_360, %dma_start3A_364] : memref<10000x128xf32, #tpu.memory_space<vmem_shared>> -> memref<80x128xf32, #tpu.memory_space<vmem_shared>>
        %dma_start3A_366 = arith.constant 0 : i32
        %dma_start3A_367 = tpu.memref_slice %arg17[%mul3A_360, %dma_start3A_366] : memref<10000x128xf32, #tpu.memory_space<vmem_shared>> -> memref<80x128xf32, #tpu.memory_space<vmem_shared>>
        %dma_start3A_368 = arith.constant 0 : i32
        %dma_start3A_369 = arith.constant 0 : i32
        %dma_start3A_370 = tpu.memref_slice %arg12[%dma_start3A_368, %dma_start3A_369] : memref<96x128xf32, #tpu.memory_space<vmem>> -> memref<80x128xf32, #tpu.memory_space<vmem>>
        tpu.enqueue_dma source(%dma_start3A_370 : memref<80x128xf32, #tpu.memory_space<vmem>>) target(%dma_start3A_367 : memref<80x128xf32, #tpu.memory_space<vmem_shared>>) target_semaphore(%run_scoped3A : memref<!tpu.dma_semaphore, #tpu.memory_space<semaphore_mem>>)
        %dma_wait3A_371 = arith.constant 0 : i32
        %dma_wait3A_372 = arith.constant 0 : i32
        %dma_wait3A_373 = tpu.memref_slice %arg12[%dma_wait3A_371, %dma_wait3A_372] : memref<96x128xf32, #tpu.memory_space<vmem>> -> memref<80x128xf32, #tpu.memory_space<vmem>>
        %dma_wait3A_374 = arith.constant 0 : i32
        %dma_wait3A_375 = tpu.memref_slice %arg17[%mul3A_360, %dma_wait3A_374] : memref<10000x128xf32, #tpu.memory_space<vmem_shared>> -> memref<80x128xf32, #tpu.memory_space<vmem_shared>>
        %dma_wait3A_376 = arith.constant 0 : i32
        %dma_wait3A_377 = tpu.memref_slice %arg17[%mul3A_360, %dma_wait3A_376] : memref<10000x128xf32, #tpu.memory_space<vmem_shared>> -> memref<80x128xf32, #tpu.memory_space<vmem_shared>>
        %dma_wait3A_378 = arith.constant 0 : i32
        %dma_wait3A_379 = arith.constant 0 : i32
        %dma_wait3A_380 = tpu.memref_slice %arg12[%dma_wait3A_378, %dma_wait3A_379] : memref<96x128xf32, #tpu.memory_space<vmem>> -> memref<80x128xf32, #tpu.memory_space<vmem>>
        tpu.wait_dma2 semaphore(%run_scoped3A : memref<!tpu.dma_semaphore, #tpu.memory_space<semaphore_mem>>) src(%dma_wait3A_380 : memref<80x128xf32, #tpu.memory_space<vmem>>) dst(%dma_wait3A_377 : memref<80x128xf32, #tpu.memory_space<vmem_shared>>)
        tpu.yield
      }) : () -> ()
    } else {
    }
    %add3A_54 = arith.constant 80 : i32
    %add3A_55 = arith.addi %arg1, %add3A_54 : i32
    %lt3A_56 = arith.constant 125 : i32
    %lt3A_57 = arith.cmpi slt, %add3A_55, %lt3A_56 : i32
    %convert_element_type3A_58 = arith.extui %lt3A_57 : i1 to i32
    %cond3A_59 = arith.constant 0 : i32
    %cond3A_60 = arith.cmpi ne, %convert_element_type3A_58, %cond3A_59 : i32
    scf.if %cond3A_60 {
      %mul3A_359 = arith.constant 80 : i32
      %mul3A_360 = arith.muli %add3A_55, %mul3A_359 : i32
      "tpu.region"() ({
        %run_scoped3A = tpu.sem_alloc : memref<!tpu.dma_semaphore, #tpu.memory_space<semaphore_mem>>
        %dma_start3A_361 = arith.constant 0 : i32
        %dma_start3A_362 = arith.constant 0 : i32
        %dma_start3A_363 = tpu.memref_slice %arg12[%dma_start3A_361, %dma_start3A_362] : memref<96x128xf32, #tpu.memory_space<vmem>> -> memref<80x128xf32, #tpu.memory_space<vmem>>
        %dma_start3A_364 = arith.constant 0 : i32
        %dma_start3A_365 = tpu.memref_slice %arg17[%mul3A_360, %dma_start3A_364] : memref<10000x128xf32, #tpu.memory_space<vmem_shared>> -> memref<80x128xf32, #tpu.memory_space<vmem_shared>>
        %dma_start3A_366 = arith.constant 0 : i32
        %dma_start3A_367 = tpu.memref_slice %arg17[%mul3A_360, %dma_start3A_366] : memref<10000x128xf32, #tpu.memory_space<vmem_shared>> -> memref<80x128xf32, #tpu.memory_space<vmem_shared>>
        %dma_start3A_368 = arith.constant 0 : i32
        %dma_start3A_369 = arith.constant 0 : i32
        %dma_start3A_370 = tpu.memref_slice %arg12[%dma_start3A_368, %dma_start3A_369] : memref<96x128xf32, #tpu.memory_space<vmem>> -> memref<80x128xf32, #tpu.memory_space<vmem>>
        tpu.enqueue_dma source(%dma_start3A_370 : memref<80x128xf32, #tpu.memory_space<vmem>>) target(%dma_start3A_367 : memref<80x128xf32, #tpu.memory_space<vmem_shared>>) target_semaphore(%run_scoped3A : memref<!tpu.dma_semaphore, #tpu.memory_space<semaphore_mem>>)
        %dma_wait3A_371 = arith.constant 0 : i32
        %dma_wait3A_372 = arith.constant 0 : i32
        %dma_wait3A_373 = tpu.memref_slice %arg12[%dma_wait3A_371, %dma_wait3A_372] : memref<96x128xf32, #tpu.memory_space<vmem>> -> memref<80x128xf32, #tpu.memory_space<vmem>>
        %dma_wait3A_374 = arith.constant 0 : i32
        %dma_wait3A_375 = tpu.memref_slice %arg17[%mul3A_360, %dma_wait3A_374] : memref<10000x128xf32, #tpu.memory_space<vmem_shared>> -> memref<80x128xf32, #tpu.memory_space<vmem_shared>>
        %dma_wait3A_376 = arith.constant 0 : i32
        %dma_wait3A_377 = tpu.memref_slice %arg17[%mul3A_360, %dma_wait3A_376] : memref<10000x128xf32, #tpu.memory_space<vmem_shared>> -> memref<80x128xf32, #tpu.memory_space<vmem_shared>>
        %dma_wait3A_378 = arith.constant 0 : i32
        %dma_wait3A_379 = arith.constant 0 : i32
        %dma_wait3A_380 = tpu.memref_slice %arg12[%dma_wait3A_378, %dma_wait3A_379] : memref<96x128xf32, #tpu.memory_space<vmem>> -> memref<80x128xf32, #tpu.memory_space<vmem>>
        tpu.wait_dma2 semaphore(%run_scoped3A : memref<!tpu.dma_semaphore, #tpu.memory_space<semaphore_mem>>) src(%dma_wait3A_380 : memref<80x128xf32, #tpu.memory_space<vmem>>) dst(%dma_wait3A_377 : memref<80x128xf32, #tpu.memory_space<vmem_shared>>)
        tpu.yield
      }) : () -> ()
    } else {
    }
    %add3A_61 = arith.constant 96 : i32
    %add3A_62 = arith.addi %arg1, %add3A_61 : i32
    %lt3A_63 = arith.constant 125 : i32
    %lt3A_64 = arith.cmpi slt, %add3A_62, %lt3A_63 : i32
    %convert_element_type3A_65 = arith.extui %lt3A_64 : i1 to i32
    %cond3A_66 = arith.constant 0 : i32
    %cond3A_67 = arith.cmpi ne, %convert_element_type3A_65, %cond3A_66 : i32
    scf.if %cond3A_67 {
      %mul3A_359 = arith.constant 80 : i32
      %mul3A_360 = arith.muli %add3A_62, %mul3A_359 : i32
      "tpu.region"() ({
        %run_scoped3A = tpu.sem_alloc : memref<!tpu.dma_semaphore, #tpu.memory_space<semaphore_mem>>
        %dma_start3A_361 = arith.constant 0 : i32
        %dma_start3A_362 = arith.constant 0 : i32
        %dma_start3A_363 = tpu.memref_slice %arg12[%dma_start3A_361, %dma_start3A_362] : memref<96x128xf32, #tpu.memory_space<vmem>> -> memref<80x128xf32, #tpu.memory_space<vmem>>
        %dma_start3A_364 = arith.constant 0 : i32
        %dma_start3A_365 = tpu.memref_slice %arg17[%mul3A_360, %dma_start3A_364] : memref<10000x128xf32, #tpu.memory_space<vmem_shared>> -> memref<80x128xf32, #tpu.memory_space<vmem_shared>>
        %dma_start3A_366 = arith.constant 0 : i32
        %dma_start3A_367 = tpu.memref_slice %arg17[%mul3A_360, %dma_start3A_366] : memref<10000x128xf32, #tpu.memory_space<vmem_shared>> -> memref<80x128xf32, #tpu.memory_space<vmem_shared>>
        %dma_start3A_368 = arith.constant 0 : i32
        %dma_start3A_369 = arith.constant 0 : i32
        %dma_start3A_370 = tpu.memref_slice %arg12[%dma_start3A_368, %dma_start3A_369] : memref<96x128xf32, #tpu.memory_space<vmem>> -> memref<80x128xf32, #tpu.memory_space<vmem>>
        tpu.enqueue_dma source(%dma_start3A_370 : memref<80x128xf32, #tpu.memory_space<vmem>>) target(%dma_start3A_367 : memref<80x128xf32, #tpu.memory_space<vmem_shared>>) target_semaphore(%run_scoped3A : memref<!tpu.dma_semaphore, #tpu.memory_space<semaphore_mem>>)
        %dma_wait3A_371 = arith.constant 0 : i32
        %dma_wait3A_372 = arith.constant 0 : i32
        %dma_wait3A_373 = tpu.memref_slice %arg12[%dma_wait3A_371, %dma_wait3A_372] : memref<96x128xf32, #tpu.memory_space<vmem>> -> memref<80x128xf32, #tpu.memory_space<vmem>>
        %dma_wait3A_374 = arith.constant 0 : i32
        %dma_wait3A_375 = tpu.memref_slice %arg17[%mul3A_360, %dma_wait3A_374] : memref<10000x128xf32, #tpu.memory_space<vmem_shared>> -> memref<80x128xf32, #tpu.memory_space<vmem_shared>>
        %dma_wait3A_376 = arith.constant 0 : i32
        %dma_wait3A_377 = tpu.memref_slice %arg17[%mul3A_360, %dma_wait3A_376] : memref<10000x128xf32, #tpu.memory_space<vmem_shared>> -> memref<80x128xf32, #tpu.memory_space<vmem_shared>>
        %dma_wait3A_378 = arith.constant 0 : i32
        %dma_wait3A_379 = arith.constant 0 : i32
        %dma_wait3A_380 = tpu.memref_slice %arg12[%dma_wait3A_378, %dma_wait3A_379] : memref<96x128xf32, #tpu.memory_space<vmem>> -> memref<80x128xf32, #tpu.memory_space<vmem>>
        tpu.wait_dma2 semaphore(%run_scoped3A : memref<!tpu.dma_semaphore, #tpu.memory_space<semaphore_mem>>) src(%dma_wait3A_380 : memref<80x128xf32, #tpu.memory_space<vmem>>) dst(%dma_wait3A_377 : memref<80x128xf32, #tpu.memory_space<vmem_shared>>)
        tpu.yield
      }) : () -> ()
    } else {
    }
    %add3A_68 = arith.constant 112 : i32
    %add3A_69 = arith.addi %arg1, %add3A_68 : i32
    %lt3A_70 = arith.constant 125 : i32
    %lt3A_71 = arith.cmpi slt, %add3A_69, %lt3A_70 : i32
    %convert_element_type3A_72 = arith.extui %lt3A_71 : i1 to i32
    %cond3A_73 = arith.constant 0 : i32
    %cond3A_74 = arith.cmpi ne, %convert_element_type3A_72, %cond3A_73 : i32
    scf.if %cond3A_74 {
      %mul3A_359 = arith.constant 80 : i32
      %mul3A_360 = arith.muli %add3A_69, %mul3A_359 : i32
      "tpu.region"() ({
        %run_scoped3A = tpu.sem_alloc : memref<!tpu.dma_semaphore, #tpu.memory_space<semaphore_mem>>
        %dma_start3A_361 = arith.constant 0 : i32
        %dma_start3A_362 = arith.constant 0 : i32
        %dma_start3A_363 = tpu.memref_slice %arg12[%dma_start3A_361, %dma_start3A_362] : memref<96x128xf32, #tpu.memory_space<vmem>> -> memref<80x128xf32, #tpu.memory_space<vmem>>
        %dma_start3A_364 = arith.constant 0 : i32
        %dma_start3A_365 = tpu.memref_slice %arg17[%mul3A_360, %dma_start3A_364] : memref<10000x128xf32, #tpu.memory_space<vmem_shared>> -> memref<80x128xf32, #tpu.memory_space<vmem_shared>>
        %dma_start3A_366 = arith.constant 0 : i32
        %dma_start3A_367 = tpu.memref_slice %arg17[%mul3A_360, %dma_start3A_366] : memref<10000x128xf32, #tpu.memory_space<vmem_shared>> -> memref<80x128xf32, #tpu.memory_space<vmem_shared>>
        %dma_start3A_368 = arith.constant 0 : i32
        %dma_start3A_369 = arith.constant 0 : i32
        %dma_start3A_370 = tpu.memref_slice %arg12[%dma_start3A_368, %dma_start3A_369] : memref<96x128xf32, #tpu.memory_space<vmem>> -> memref<80x128xf32, #tpu.memory_space<vmem>>
        tpu.enqueue_dma source(%dma_start3A_370 : memref<80x128xf32, #tpu.memory_space<vmem>>) target(%dma_start3A_367 : memref<80x128xf32, #tpu.memory_space<vmem_shared>>) target_semaphore(%run_scoped3A : memref<!tpu.dma_semaphore, #tpu.memory_space<semaphore_mem>>)
        %dma_wait3A_371 = arith.constant 0 : i32
        %dma_wait3A_372 = arith.constant 0 : i32
        %dma_wait3A_373 = tpu.memref_slice %arg12[%dma_wait3A_371, %dma_wait3A_372] : memref<96x128xf32, #tpu.memory_space<vmem>> -> memref<80x128xf32, #tpu.memory_space<vmem>>
        %dma_wait3A_374 = arith.constant 0 : i32
        %dma_wait3A_375 = tpu.memref_slice %arg17[%mul3A_360, %dma_wait3A_374] : memref<10000x128xf32, #tpu.memory_space<vmem_shared>> -> memref<80x128xf32, #tpu.memory_space<vmem_shared>>
        %dma_wait3A_376 = arith.constant 0 : i32
        %dma_wait3A_377 = tpu.memref_slice %arg17[%mul3A_360, %dma_wait3A_376] : memref<10000x128xf32, #tpu.memory_space<vmem_shared>> -> memref<80x128xf32, #tpu.memory_space<vmem_shared>>
        %dma_wait3A_378 = arith.constant 0 : i32
        %dma_wait3A_379 = arith.constant 0 : i32
        %dma_wait3A_380 = tpu.memref_slice %arg12[%dma_wait3A_378, %dma_wait3A_379] : memref<96x128xf32, #tpu.memory_space<vmem>> -> memref<80x128xf32, #tpu.memory_space<vmem>>
        tpu.wait_dma2 semaphore(%run_scoped3A : memref<!tpu.dma_semaphore, #tpu.memory_space<semaphore_mem>>) src(%dma_wait3A_380 : memref<80x128xf32, #tpu.memory_space<vmem>>) dst(%dma_wait3A_377 : memref<80x128xf32, #tpu.memory_space<vmem_shared>>)
        tpu.yield
      }) : () -> ()
    } else {
    }
    %barrier3A = arith.constant 0 : index
    tpu.barrier barrier_id(%barrier3A)
    %dma_wait3A = arith.constant 0 : i32
    %dma_wait3A_75 = tpu.memref_slice %arg3[%dma_wait3A] : memref<320000xi32, #tpu.memory_space<hbm>> -> memref<96xi32, #tpu.memory_space<hbm>>
    %dma_wait3A_76 = arith.constant 0 : i32
    %dma_wait3A_77 = tpu.memref_slice %arg3[%dma_wait3A_76] : memref<320000xi32, #tpu.memory_space<hbm>> -> memref<96xi32, #tpu.memory_space<hbm>>
    tpu.wait_dma2 semaphore(%arg18 : memref<!tpu.dma_semaphore, #tpu.memory_space<semaphore_mem>>) src(%dma_wait3A_77 : memref<96xi32, #tpu.memory_space<hbm>>) dst(%arg6 : memref<96xi32, #tpu.memory_space<vmem>>)
    %get3A = arith.constant 0 : index
    %get3A_78 = tpu.vector_load %arg6[%get3A] {strides = array<i32>} : memref<96xi32, #tpu.memory_space<vmem>>, vector<16xi32>,
    %get3A_79 = vector.shape_cast %get3A_78 : vector<16xi32> to vector<16xi32>
    %shift_right_logical3A = arith.constant 14 : i32
    %shift_right_logical3A_80 = vector.broadcast %shift_right_logical3A : i32 to vector<16xi32>
    %shift_right_logical3A_81 = arith.shrui %get3A_79, %shift_right_logical3A_80 : vector<16xi32>
    %swap3A = arith.constant 0 : index
    %swap3A_82 = tpu.vector_load %arg8[%swap3A] {strides = array<i32>} : memref<96xi32, #tpu.memory_space<vmem>>, vector<16xi32>,
    %swap3A_83 = vector.shape_cast %swap3A_82 : vector<16xi32> to vector<16xi32>
    %swap3A_84 = vector.shape_cast %shift_right_logical3A_81 : vector<16xi32> to vector<16xi32>
    tpu.vector_store %arg8[%swap3A], %swap3A_84 {strides = array<i32>} : memref<96xi32, #tpu.memory_space<vmem>>, vector<16xi32>,
    %get3A_85 = arith.constant 16 : index
    %get3A_86 = tpu.vector_load %arg6[%get3A_85] {strides = array<i32>} : memref<96xi32, #tpu.memory_space<vmem>>, vector<16xi32>,
    %get3A_87 = vector.shape_cast %get3A_86 : vector<16xi32> to vector<16xi32>
    %shift_right_logical3A_88 = arith.constant 14 : i32
    %shift_right_logical3A_89 = vector.broadcast %shift_right_logical3A_88 : i32 to vector<16xi32>
    %shift_right_logical3A_90 = arith.shrui %get3A_87, %shift_right_logical3A_89 : vector<16xi32>
    %swap3A_91 = arith.constant 16 : index
    %swap3A_92 = tpu.vector_load %arg8[%swap3A_91] {strides = array<i32>} : memref<96xi32, #tpu.memory_space<vmem>>, vector<16xi32>,
    %swap3A_93 = vector.shape_cast %swap3A_92 : vector<16xi32> to vector<16xi32>
    %swap3A_94 = vector.shape_cast %shift_right_logical3A_90 : vector<16xi32> to vector<16xi32>
    tpu.vector_store %arg8[%swap3A_91], %swap3A_94 {strides = array<i32>} : memref<96xi32, #tpu.memory_space<vmem>>, vector<16xi32>,
    %get3A_95 = arith.constant 32 : index
    %get3A_96 = tpu.vector_load %arg6[%get3A_95] {strides = array<i32>} : memref<96xi32, #tpu.memory_space<vmem>>, vector<16xi32>,
    %get3A_97 = vector.shape_cast %get3A_96 : vector<16xi32> to vector<16xi32>
    %shift_right_logical3A_98 = arith.constant 14 : i32
    %shift_right_logical3A_99 = vector.broadcast %shift_right_logical3A_98 : i32 to vector<16xi32>
    %shift_right_logical3A_100 = arith.shrui %get3A_97, %shift_right_logical3A_99 : vector<16xi32>
    %swap3A_101 = arith.constant 32 : index
    %swap3A_102 = tpu.vector_load %arg8[%swap3A_101] {strides = array<i32>} : memref<96xi32, #tpu.memory_space<vmem>>, vector<16xi32>,
    %swap3A_103 = vector.shape_cast %swap3A_102 : vector<16xi32> to vector<16xi32>
    %swap3A_104 = vector.shape_cast %shift_right_logical3A_100 : vector<16xi32> to vector<16xi32>
    tpu.vector_store %arg8[%swap3A_101], %swap3A_104 {strides = array<i32>} : memref<96xi32, #tpu.memory_space<vmem>>, vector<16xi32>,
    %get3A_105 = arith.constant 48 : index
    %get3A_106 = tpu.vector_load %arg6[%get3A_105] {strides = array<i32>} : memref<96xi32, #tpu.memory_space<vmem>>, vector<16xi32>,
    %get3A_107 = vector.shape_cast %get3A_106 : vector<16xi32> to vector<16xi32>
    %shift_right_logical3A_108 = arith.constant 14 : i32
    %shift_right_logical3A_109 = vector.broadcast %shift_right_logical3A_108 : i32 to vector<16xi32>
    %shift_right_logical3A_110 = arith.shrui %get3A_107, %shift_right_logical3A_109 : vector<16xi32>
    %swap3A_111 = arith.constant 48 : index
    %swap3A_112 = tpu.vector_load %arg8[%swap3A_111] {strides = array<i32>} : memref<96xi32, #tpu.memory_space<vmem>>, vector<16xi32>,
    %swap3A_113 = vector.shape_cast %swap3A_112 : vector<16xi32> to vector<16xi32>
    %swap3A_114 = vector.shape_cast %shift_right_logical3A_110 : vector<16xi32> to vector<16xi32>
    tpu.vector_store %arg8[%swap3A_111], %swap3A_114 {strides = array<i32>} : memref<96xi32, #tpu.memory_space<vmem>>, vector<16xi32>,
    %get3A_115 = arith.constant 64 : index
    %get3A_116 = tpu.vector_load %arg6[%get3A_115] {strides = array<i32>} : memref<96xi32, #tpu.memory_space<vmem>>, vector<16xi32>,
    %get3A_117 = vector.shape_cast %get3A_116 : vector<16xi32> to vector<16xi32>
    %shift_right_logical3A_118 = arith.constant 14 : i32
    %shift_right_logical3A_119 = vector.broadcast %shift_right_logical3A_118 : i32 to vector<16xi32>
    %shift_right_logical3A_120 = arith.shrui %get3A_117, %shift_right_logical3A_119 : vector<16xi32>
    %swap3A_121 = arith.constant 64 : index
    %swap3A_122 = tpu.vector_load %arg8[%swap3A_121] {strides = array<i32>} : memref<96xi32, #tpu.memory_space<vmem>>, vector<16xi32>,
    %swap3A_123 = vector.shape_cast %swap3A_122 : vector<16xi32> to vector<16xi32>
    %swap3A_124 = vector.shape_cast %shift_right_logical3A_120 : vector<16xi32> to vector<16xi32>
    tpu.vector_store %arg8[%swap3A_121], %swap3A_124 {strides = array<i32>} : memref<96xi32, #tpu.memory_space<vmem>>, vector<16xi32>,
    %get3A_125 = arith.constant 80 : index
    %get3A_126 = tpu.vector_load %arg6[%get3A_125] {strides = array<i32>} : memref<96xi32, #tpu.memory_space<vmem>>, vector<16xi32>,
    %get3A_127 = vector.shape_cast %get3A_126 : vector<16xi32> to vector<16xi32>
    %shift_right_logical3A_128 = arith.constant 14 : i32
    %shift_right_logical3A_129 = vector.broadcast %shift_right_logical3A_128 : i32 to vector<16xi32>
    %shift_right_logical3A_130 = arith.shrui %get3A_127, %shift_right_logical3A_129 : vector<16xi32>
    %swap3A_131 = arith.constant 80 : index
    %swap3A_132 = tpu.vector_load %arg8[%swap3A_131] {strides = array<i32>} : memref<96xi32, #tpu.memory_space<vmem>>, vector<16xi32>,
    %swap3A_133 = vector.shape_cast %swap3A_132 : vector<16xi32> to vector<16xi32>
    %swap3A_134 = vector.shape_cast %shift_right_logical3A_130 : vector<16xi32> to vector<16xi32>
    tpu.vector_store %arg8[%swap3A_131], %swap3A_134 {strides = array<i32>} : memref<96xi32, #tpu.memory_space<vmem>>, vector<16xi32>,
    %get3A_135 = arith.constant 0 : index
    %get3A_136 = tpu.vector_load %arg6[%get3A_135] {strides = array<i32>} : memref<96xi32, #tpu.memory_space<vmem>>, vector<16xi32>,
    %get3A_137 = vector.shape_cast %get3A_136 : vector<16xi32> to vector<16xi32>
    %broadcast_in_dim3A = arith.constant 16383 : i32
    %broadcast_in_dim3A_138 = vector.broadcast %broadcast_in_dim3A : i32 to vector<16xi32>
    %and3A = arith.andi %get3A_137, %broadcast_in_dim3A_138 : vector<16xi32>
    %swap3A_139 = arith.constant 0 : index
    %swap3A_140 = tpu.vector_load %arg10[%swap3A_139] {strides = array<i32>} : memref<96xi32, #tpu.memory_space<vmem>>, vector<16xi32>,
    %swap3A_141 = vector.shape_cast %swap3A_140 : vector<16xi32> to vector<16xi32>
    %swap3A_142 = vector.shape_cast %and3A : vector<16xi32> to vector<16xi32>
    tpu.vector_store %arg10[%swap3A_139], %swap3A_142 {strides = array<i32>} : memref<96xi32, #tpu.memory_space<vmem>>, vector<16xi32>,
    %get3A_143 = arith.constant 16 : index
    %get3A_144 = tpu.vector_load %arg6[%get3A_143] {strides = array<i32>} : memref<96xi32, #tpu.memory_space<vmem>>, vector<16xi32>,
    %get3A_145 = vector.shape_cast %get3A_144 : vector<16xi32> to vector<16xi32>
    %broadcast_in_dim3A_146 = arith.constant 16383 : i32
    %broadcast_in_dim3A_147 = vector.broadcast %broadcast_in_dim3A_146 : i32 to vector<16xi32>
    %and3A_148 = arith.andi %get3A_145, %broadcast_in_dim3A_147 : vector<16xi32>
    %swap3A_149 = arith.constant 16 : index
    %swap3A_150 = tpu.vector_load %arg10[%swap3A_149] {strides = array<i32>} : memref<96xi32, #tpu.memory_space<vmem>>, vector<16xi32>,
    %swap3A_151 = vector.shape_cast %swap3A_150 : vector<16xi32> to vector<16xi32>
    %swap3A_152 = vector.shape_cast %and3A_148 : vector<16xi32> to vector<16xi32>
    tpu.vector_store %arg10[%swap3A_149], %swap3A_152 {strides = array<i32>} : memref<96xi32, #tpu.memory_space<vmem>>, vector<16xi32>,
    %get3A_153 = arith.constant 32 : index
    %get3A_154 = tpu.vector_load %arg6[%get3A_153] {strides = array<i32>} : memref<96xi32, #tpu.memory_space<vmem>>, vector<16xi32>,
    %get3A_155 = vector.shape_cast %get3A_154 : vector<16xi32> to vector<16xi32>
    %broadcast_in_dim3A_156 = arith.constant 16383 : i32
    %broadcast_in_dim3A_157 = vector.broadcast %broadcast_in_dim3A_156 : i32 to vector<16xi32>
    %and3A_158 = arith.andi %get3A_155, %broadcast_in_dim3A_157 : vector<16xi32>
    %swap3A_159 = arith.constant 32 : index
    %swap3A_160 = tpu.vector_load %arg10[%swap3A_159] {strides = array<i32>} : memref<96xi32, #tpu.memory_space<vmem>>, vector<16xi32>,
    %swap3A_161 = vector.shape_cast %swap3A_160 : vector<16xi32> to vector<16xi32>
    %swap3A_162 = vector.shape_cast %and3A_158 : vector<16xi32> to vector<16xi32>
    tpu.vector_store %arg10[%swap3A_159], %swap3A_162 {strides = array<i32>} : memref<96xi32, #tpu.memory_space<vmem>>, vector<16xi32>,
    %get3A_163 = arith.constant 48 : index
    %get3A_164 = tpu.vector_load %arg6[%get3A_163] {strides = array<i32>} : memref<96xi32, #tpu.memory_space<vmem>>, vector<16xi32>,
    %get3A_165 = vector.shape_cast %get3A_164 : vector<16xi32> to vector<16xi32>
    %broadcast_in_dim3A_166 = arith.constant 16383 : i32
    %broadcast_in_dim3A_167 = vector.broadcast %broadcast_in_dim3A_166 : i32 to vector<16xi32>
    %and3A_168 = arith.andi %get3A_165, %broadcast_in_dim3A_167 : vector<16xi32>
    %swap3A_169 = arith.constant 48 : index
    %swap3A_170 = tpu.vector_load %arg10[%swap3A_169] {strides = array<i32>} : memref<96xi32, #tpu.memory_space<vmem>>, vector<16xi32>,
    %swap3A_171 = vector.shape_cast %swap3A_170 : vector<16xi32> to vector<16xi32>
    %swap3A_172 = vector.shape_cast %and3A_168 : vector<16xi32> to vector<16xi32>
    tpu.vector_store %arg10[%swap3A_169], %swap3A_172 {strides = array<i32>} : memref<96xi32, #tpu.memory_space<vmem>>, vector<16xi32>,
    %get3A_173 = arith.constant 64 : index
    %get3A_174 = tpu.vector_load %arg6[%get3A_173] {strides = array<i32>} : memref<96xi32, #tpu.memory_space<vmem>>, vector<16xi32>,
    %get3A_175 = vector.shape_cast %get3A_174 : vector<16xi32> to vector<16xi32>
    %broadcast_in_dim3A_176 = arith.constant 16383 : i32
    %broadcast_in_dim3A_177 = vector.broadcast %broadcast_in_dim3A_176 : i32 to vector<16xi32>
    %and3A_178 = arith.andi %get3A_175, %broadcast_in_dim3A_177 : vector<16xi32>
    %swap3A_179 = arith.constant 64 : index
    %swap3A_180 = tpu.vector_load %arg10[%swap3A_179] {strides = array<i32>} : memref<96xi32, #tpu.memory_space<vmem>>, vector<16xi32>,
    %swap3A_181 = vector.shape_cast %swap3A_180 : vector<16xi32> to vector<16xi32>
    %swap3A_182 = vector.shape_cast %and3A_178 : vector<16xi32> to vector<16xi32>
    tpu.vector_store %arg10[%swap3A_179], %swap3A_182 {strides = array<i32>} : memref<96xi32, #tpu.memory_space<vmem>>, vector<16xi32>,
    %get3A_183 = arith.constant 80 : index
    %get3A_184 = tpu.vector_load %arg6[%get3A_183] {strides = array<i32>} : memref<96xi32, #tpu.memory_space<vmem>>, vector<16xi32>,
    %get3A_185 = vector.shape_cast %get3A_184 : vector<16xi32> to vector<16xi32>
    %broadcast_in_dim3A_186 = arith.constant 16383 : i32
    %broadcast_in_dim3A_187 = vector.broadcast %broadcast_in_dim3A_186 : i32 to vector<16xi32>
    %and3A_188 = arith.andi %get3A_185, %broadcast_in_dim3A_187 : vector<16xi32>
    %swap3A_189 = arith.constant 80 : index
    %swap3A_190 = tpu.vector_load %arg10[%swap3A_189] {strides = array<i32>} : memref<96xi32, #tpu.memory_space<vmem>>, vector<16xi32>,
    %swap3A_191 = vector.shape_cast %swap3A_190 : vector<16xi32> to vector<16xi32>
    %swap3A_192 = vector.shape_cast %and3A_188 : vector<16xi32> to vector<16xi32>
    tpu.vector_store %arg10[%swap3A_189], %swap3A_192 {strides = array<i32>} : memref<96xi32, #tpu.memory_space<vmem>>, vector<16xi32>,
    %dma_start3A_193 = arith.constant 0 : i32
    %dma_start3A_194 = arith.constant 0 : i32
    %dma_start3A_195 = tpu.memref_slice %arg2[%dma_start3A_193, %dma_start3A_194] : memref<10000x128xf32, #tpu.memory_space<hbm>> -> memref<10000x128xf32, #tpu.memory_space<hbm>>
    tpu.enqueue_indirect_dma source(%dma_start3A_195 : memref<10000x128xf32, #tpu.memory_space<hbm>>) target(%arg12 : memref<96x128xf32, #tpu.memory_space<vmem>>) offsets(%arg8 : memref<96xi32, #tpu.memory_space<vmem>>) semaphore(%arg20 : memref<!tpu.dma_semaphore, #tpu.memory_space<semaphore_mem>>)
    %scan3A_196 = arith.constant 0 : i32
    %scan3A_197 = arith.constant 0 : i32
    %scan3A_198 = arith.constant 52 : i32
    %scan3A_199 = arith.addi %scan3A_197, %scan3A_198 : i32
    %scan3A_200 = arith.constant 1 : i32
    %scan3A_201 = scf.for %scan3A_359 = %scan3A_197 to %scan3A_199 step %scan3A_200 iter_args(%scan3A_360 = %scan3A_196) -> (i32)  : i32 {
      %mul3A_361 = arith.constant 2 : i32
      %mul3A_362 = arith.muli %scan3A_359, %mul3A_361 : i32
      %add3A_363 = arith.constant 0 : i32
      %add3A_364 = arith.addi %mul3A_362, %add3A_363 : i32
      %dma_wait3A_365 = arith.constant 0 : i32
      %dma_wait3A_366 = arith.constant 0 : i32
      %dma_wait3A_367 = tpu.memref_slice %arg2[%dma_wait3A_365, %dma_wait3A_366] : memref<10000x128xf32, #tpu.memory_space<hbm>> -> memref<10000x128xf32, #tpu.memory_space<hbm>>
      tpu.wait_indirect_dma semaphore(%arg20 : memref<!tpu.dma_semaphore, #tpu.memory_space<semaphore_mem>>) src(%dma_wait3A_367 : memref<10000x128xf32, #tpu.memory_space<hbm>>) dst(%arg12 : memref<96x128xf32, #tpu.memory_space<vmem>>)
      %dma_wait3A_368 = arith.constant 0 : i32
      %dma_wait3A_369 = arith.constant 0 : i32
      %dma_wait3A_370 = tpu.memref_slice %arg4[%dma_wait3A_368, %dma_wait3A_369] : memref<320000x128xf32, #tpu.memory_space<hbm>> -> memref<96x128xf32, #tpu.memory_space<hbm>>
      %dma_wait3A_371 = arith.constant 0 : i32
      %dma_wait3A_372 = arith.constant 0 : i32
      %dma_wait3A_373 = tpu.memref_slice %arg4[%dma_wait3A_371, %dma_wait3A_372] : memref<320000x128xf32, #tpu.memory_space<hbm>> -> memref<96x128xf32, #tpu.memory_space<hbm>>
      tpu.wait_dma2 semaphore(%arg22 : memref<!tpu.dma_semaphore, #tpu.memory_space<semaphore_mem>>) src(%dma_wait3A_373 : memref<96x128xf32, #tpu.memory_space<hbm>>) dst(%arg14 : memref<96x128xf32, #tpu.memory_space<vmem>>)
      %add3A_374 = arith.constant 2 : i32
      %add3A_375 = arith.addi %add3A_364, %add3A_374 : i32
      %lt3A_376 = arith.constant 104 : i32
      %lt3A_377 = arith.cmpi slt, %add3A_375, %lt3A_376 : i32
      %convert_element_type3A_378 = arith.extui %lt3A_377 : i1 to i32
      %cond3A_379 = arith.constant 0 : i32
      %cond3A_380 = arith.cmpi ne, %convert_element_type3A_378, %cond3A_379 : i32
      scf.if %cond3A_380 {
        %add3A_434 = arith.constant 2 : i32
        %add3A_435 = arith.addi %add3A_364, %add3A_434 : i32
        %mul3A_436 = arith.constant 96 : i32
        %mul3A_437 = arith.muli %add3A_435, %mul3A_436 : i32
        %add3A_438 = arith.addi %mul3A_2, %mul3A_437 : i32
        %dma_start3A_439 = tpu.memref_slice %arg3[%add3A_438] : memref<320000xi32, #tpu.memory_space<hbm>> -> memref<96xi32, #tpu.memory_space<hbm>>
        %dma_start3A_440 = tpu.memref_slice %arg3[%add3A_438] : memref<320000xi32, #tpu.memory_space<hbm>> -> memref<96xi32, #tpu.memory_space<hbm>>
        tpu.enqueue_dma source(%dma_start3A_440 : memref<96xi32, #tpu.memory_space<hbm>>) target(%arg6 : memref<96xi32, #tpu.memory_space<vmem>>) target_semaphore(%arg18 : memref<!tpu.dma_semaphore, #tpu.memory_space<semaphore_mem>>)
      } else {
      }
      %add3A_381 = arith.constant 1 : i32
      %add3A_382 = arith.addi %add3A_364, %add3A_381 : i32
      %lt3A_383 = arith.constant 104 : i32
      %lt3A_384 = arith.cmpi slt, %add3A_382, %lt3A_383 : i32
      %convert_element_type3A_385 = arith.extui %lt3A_384 : i1 to i32
      %cond3A_386 = arith.constant 0 : i32
      %cond3A_387 = arith.cmpi ne, %convert_element_type3A_385, %cond3A_386 : i32
      scf.if %cond3A_387 {
        %dma_wait3A_434 = arith.constant 0 : i32
        %dma_wait3A_435 = tpu.memref_slice %arg3[%dma_wait3A_434] : memref<320000xi32, #tpu.memory_space<hbm>> -> memref<96xi32, #tpu.memory_space<hbm>>
        %dma_wait3A_436 = arith.constant 0 : i32
        %dma_wait3A_437 = tpu.memref_slice %arg3[%dma_wait3A_436] : memref<320000xi32, #tpu.memory_space<hbm>> -> memref<96xi32, #tpu.memory_space<hbm>>
        tpu.wait_dma2 semaphore(%arg19 : memref<!tpu.dma_semaphore, #tpu.memory_space<semaphore_mem>>) src(%dma_wait3A_437 : memref<96xi32, #tpu.memory_space<hbm>>) dst(%arg7 : memref<96xi32, #tpu.memory_space<vmem>>)
        %get3A_438 = arith.constant 0 : index
        %get3A_439 = tpu.vector_load %arg7[%get3A_438] {strides = array<i32>} : memref<96xi32, #tpu.memory_space<vmem>>, vector<16xi32>,
        %get3A_440 = vector.shape_cast %get3A_439 : vector<16xi32> to vector<16xi32>
        %shift_right_logical3A_441 = arith.constant 14 : i32
        %shift_right_logical3A_442 = vector.broadcast %shift_right_logical3A_441 : i32 to vector<16xi32>
        %shift_right_logical3A_443 = arith.shrui %get3A_440, %shift_right_logical3A_442 : vector<16xi32>
        %swap3A_444 = arith.constant 0 : index
        %swap3A_445 = tpu.vector_load %arg9[%swap3A_444] {strides = array<i32>} : memref<96xi32, #tpu.memory_space<vmem>>, vector<16xi32>,
        %swap3A_446 = vector.shape_cast %swap3A_445 : vector<16xi32> to vector<16xi32>
        %swap3A_447 = vector.shape_cast %shift_right_logical3A_443 : vector<16xi32> to vector<16xi32>
        tpu.vector_store %arg9[%swap3A_444], %swap3A_447 {strides = array<i32>} : memref<96xi32, #tpu.memory_space<vmem>>, vector<16xi32>,
        %get3A_448 = arith.constant 16 : index
        %get3A_449 = tpu.vector_load %arg7[%get3A_448] {strides = array<i32>} : memref<96xi32, #tpu.memory_space<vmem>>, vector<16xi32>,
        %get3A_450 = vector.shape_cast %get3A_449 : vector<16xi32> to vector<16xi32>
        %shift_right_logical3A_451 = arith.constant 14 : i32
        %shift_right_logical3A_452 = vector.broadcast %shift_right_logical3A_451 : i32 to vector<16xi32>
        %shift_right_logical3A_453 = arith.shrui %get3A_450, %shift_right_logical3A_452 : vector<16xi32>
        %swap3A_454 = arith.constant 16 : index
        %swap3A_455 = tpu.vector_load %arg9[%swap3A_454] {strides = array<i32>} : memref<96xi32, #tpu.memory_space<vmem>>, vector<16xi32>,
        %swap3A_456 = vector.shape_cast %swap3A_455 : vector<16xi32> to vector<16xi32>
        %swap3A_457 = vector.shape_cast %shift_right_logical3A_453 : vector<16xi32> to vector<16xi32>
        tpu.vector_store %arg9[%swap3A_454], %swap3A_457 {strides = array<i32>} : memref<96xi32, #tpu.memory_space<vmem>>, vector<16xi32>,
        %get3A_458 = arith.constant 32 : index
        %get3A_459 = tpu.vector_load %arg7[%get3A_458] {strides = array<i32>} : memref<96xi32, #tpu.memory_space<vmem>>, vector<16xi32>,
        %get3A_460 = vector.shape_cast %get3A_459 : vector<16xi32> to vector<16xi32>
        %shift_right_logical3A_461 = arith.constant 14 : i32
        %shift_right_logical3A_462 = vector.broadcast %shift_right_logical3A_461 : i32 to vector<16xi32>
        %shift_right_logical3A_463 = arith.shrui %get3A_460, %shift_right_logical3A_462 : vector<16xi32>
        %swap3A_464 = arith.constant 32 : index
        %swap3A_465 = tpu.vector_load %arg9[%swap3A_464] {strides = array<i32>} : memref<96xi32, #tpu.memory_space<vmem>>, vector<16xi32>,
        %swap3A_466 = vector.shape_cast %swap3A_465 : vector<16xi32> to vector<16xi32>
        %swap3A_467 = vector.shape_cast %shift_right_logical3A_463 : vector<16xi32> to vector<16xi32>
        tpu.vector_store %arg9[%swap3A_464], %swap3A_467 {strides = array<i32>} : memref<96xi32, #tpu.memory_space<vmem>>, vector<16xi32>,
        %get3A_468 = arith.constant 48 : index
        %get3A_469 = tpu.vector_load %arg7[%get3A_468] {strides = array<i32>} : memref<96xi32, #tpu.memory_space<vmem>>, vector<16xi32>,
        %get3A_470 = vector.shape_cast %get3A_469 : vector<16xi32> to vector<16xi32>
        %shift_right_logical3A_471 = arith.constant 14 : i32
        %shift_right_logical3A_472 = vector.broadcast %shift_right_logical3A_471 : i32 to vector<16xi32>
        %shift_right_logical3A_473 = arith.shrui %get3A_470, %shift_right_logical3A_472 : vector<16xi32>
        %swap3A_474 = arith.constant 48 : index
        %swap3A_475 = tpu.vector_load %arg9[%swap3A_474] {strides = array<i32>} : memref<96xi32, #tpu.memory_space<vmem>>, vector<16xi32>,
        %swap3A_476 = vector.shape_cast %swap3A_475 : vector<16xi32> to vector<16xi32>
        %swap3A_477 = vector.shape_cast %shift_right_logical3A_473 : vector<16xi32> to vector<16xi32>
        tpu.vector_store %arg9[%swap3A_474], %swap3A_477 {strides = array<i32>} : memref<96xi32, #tpu.memory_space<vmem>>, vector<16xi32>,
        %get3A_478 = arith.constant 64 : index
        %get3A_479 = tpu.vector_load %arg7[%get3A_478] {strides = array<i32>} : memref<96xi32, #tpu.memory_space<vmem>>, vector<16xi32>,
        %get3A_480 = vector.shape_cast %get3A_479 : vector<16xi32> to vector<16xi32>
        %shift_right_logical3A_481 = arith.constant 14 : i32
        %shift_right_logical3A_482 = vector.broadcast %shift_right_logical3A_481 : i32 to vector<16xi32>
        %shift_right_logical3A_483 = arith.shrui %get3A_480, %shift_right_logical3A_482 : vector<16xi32>
        %swap3A_484 = arith.constant 64 : index
        %swap3A_485 = tpu.vector_load %arg9[%swap3A_484] {strides = array<i32>} : memref<96xi32, #tpu.memory_space<vmem>>, vector<16xi32>,
        %swap3A_486 = vector.shape_cast %swap3A_485 : vector<16xi32> to vector<16xi32>
        %swap3A_487 = vector.shape_cast %shift_right_logical3A_483 : vector<16xi32> to vector<16xi32>
        tpu.vector_store %arg9[%swap3A_484], %swap3A_487 {strides = array<i32>} : memref<96xi32, #tpu.memory_space<vmem>>, vector<16xi32>,
        %get3A_488 = arith.constant 80 : index
        %get3A_489 = tpu.vector_load %arg7[%get3A_488] {strides = array<i32>} : memref<96xi32, #tpu.memory_space<vmem>>, vector<16xi32>,
        %get3A_490 = vector.shape_cast %get3A_489 : vector<16xi32> to vector<16xi32>
        %shift_right_logical3A_491 = arith.constant 14 : i32
        %shift_right_logical3A_492 = vector.broadcast %shift_right_logical3A_491 : i32 to vector<16xi32>
        %shift_right_logical3A_493 = arith.shrui %get3A_490, %shift_right_logical3A_492 : vector<16xi32>
        %swap3A_494 = arith.constant 80 : index
        %swap3A_495 = tpu.vector_load %arg9[%swap3A_494] {strides = array<i32>} : memref<96xi32, #tpu.memory_space<vmem>>, vector<16xi32>,
        %swap3A_496 = vector.shape_cast %swap3A_495 : vector<16xi32> to vector<16xi32>
        %swap3A_497 = vector.shape_cast %shift_right_logical3A_493 : vector<16xi32> to vector<16xi32>
        tpu.vector_store %arg9[%swap3A_494], %swap3A_497 {strides = array<i32>} : memref<96xi32, #tpu.memory_space<vmem>>, vector<16xi32>,
        %dma_start3A_498 = arith.constant 0 : i32
        %dma_start3A_499 = arith.constant 0 : i32
        %dma_start3A_500 = tpu.memref_slice %arg2[%dma_start3A_498, %dma_start3A_499] : memref<10000x128xf32, #tpu.memory_space<hbm>> -> memref<10000x128xf32, #tpu.memory_space<hbm>>
        tpu.enqueue_indirect_dma source(%dma_start3A_500 : memref<10000x128xf32, #tpu.memory_space<hbm>>) target(%arg13 : memref<96x128xf32, #tpu.memory_space<vmem>>) offsets(%arg9 : memref<96xi32, #tpu.memory_space<vmem>>) semaphore(%arg21 : memref<!tpu.dma_semaphore, #tpu.memory_space<semaphore_mem>>)
        %gt3A = arith.constant 0 : i32
        %gt3A_501 = arith.cmpi sgt, %add3A_364, %gt3A : i32
        %convert_element_type3A_502 = arith.extui %gt3A_501 : i1 to i32
        %cond3A_503 = arith.constant 0 : i32
        %cond3A_504 = arith.cmpi ne, %convert_element_type3A_502, %cond3A_503 : i32
        scf.if %cond3A_504 {
          %dma_wait3A_574 = arith.constant 0 : i32
          %dma_wait3A_575 = arith.constant 0 : i32
          %dma_wait3A_576 = tpu.memref_slice %arg17[%dma_wait3A_574, %dma_wait3A_575] : memref<10000x128xf32, #tpu.memory_space<vmem_shared>> -> memref<10000x128xf32, #tpu.memory_space<vmem_shared>>
          tpu.wait_indirect_dma semaphore(%arg25 : memref<!tpu.dma_semaphore, #tpu.memory_space<semaphore_mem>>) src(%arg15 : memref<96x128xf32, #tpu.memory_space<vmem>>) dst(%dma_wait3A_576 : memref<10000x128xf32, #tpu.memory_space<vmem_shared>>)
        } else {
        }
        %get3A_505 = arith.constant 0 : index
        %get3A_506 = tpu.vector_load %arg7[%get3A_505] {strides = array<i32>} : memref<96xi32, #tpu.memory_space<vmem>>, vector<16xi32>,
        %get3A_507 = vector.shape_cast %get3A_506 : vector<16xi32> to vector<16xi32>
        %broadcast_in_dim3A_508 = arith.constant 16383 : i32
        %broadcast_in_dim3A_509 = vector.broadcast %broadcast_in_dim3A_508 : i32 to vector<16xi32>
        %and3A_510 = arith.andi %get3A_507, %broadcast_in_dim3A_509 : vector<16xi32>
        %swap3A_511 = arith.constant 0 : index
        %swap3A_512 = tpu.vector_load %arg11[%swap3A_511] {strides = array<i32>} : memref<96xi32, #tpu.memory_space<vmem>>, vector<16xi32>,
        %swap3A_513 = vector.shape_cast %swap3A_512 : vector<16xi32> to vector<16xi32>
        %swap3A_514 = vector.shape_cast %and3A_510 : vector<16xi32> to vector<16xi32>
        tpu.vector_store %arg11[%swap3A_511], %swap3A_514 {strides = array<i32>} : memref<96xi32, #tpu.memory_space<vmem>>, vector<16xi32>,
        %get3A_515 = arith.constant 16 : index
        %get3A_516 = tpu.vector_load %arg7[%get3A_515] {strides = array<i32>} : memref<96xi32, #tpu.memory_space<vmem>>, vector<16xi32>,
        %get3A_517 = vector.shape_cast %get3A_516 : vector<16xi32> to vector<16xi32>
        %broadcast_in_dim3A_518 = arith.constant 16383 : i32
        %broadcast_in_dim3A_519 = vector.broadcast %broadcast_in_dim3A_518 : i32 to vector<16xi32>
        %and3A_520 = arith.andi %get3A_517, %broadcast_in_dim3A_519 : vector<16xi32>
        %swap3A_521 = arith.constant 16 : index
        %swap3A_522 = tpu.vector_load %arg11[%swap3A_521] {strides = array<i32>} : memref<96xi32, #tpu.memory_space<vmem>>, vector<16xi32>,
        %swap3A_523 = vector.shape_cast %swap3A_522 : vector<16xi32> to vector<16xi32>
        %swap3A_524 = vector.shape_cast %and3A_520 : vector<16xi32> to vector<16xi32>
        tpu.vector_store %arg11[%swap3A_521], %swap3A_524 {strides = array<i32>} : memref<96xi32, #tpu.memory_space<vmem>>, vector<16xi32>,
        %get3A_525 = arith.constant 32 : index
        %get3A_526 = tpu.vector_load %arg7[%get3A_525] {strides = array<i32>} : memref<96xi32, #tpu.memory_space<vmem>>, vector<16xi32>,
        %get3A_527 = vector.shape_cast %get3A_526 : vector<16xi32> to vector<16xi32>
        %broadcast_in_dim3A_528 = arith.constant 16383 : i32
        %broadcast_in_dim3A_529 = vector.broadcast %broadcast_in_dim3A_528 : i32 to vector<16xi32>
        %and3A_530 = arith.andi %get3A_527, %broadcast_in_dim3A_529 : vector<16xi32>
        %swap3A_531 = arith.constant 32 : index
        %swap3A_532 = tpu.vector_load %arg11[%swap3A_531] {strides = array<i32>} : memref<96xi32, #tpu.memory_space<vmem>>, vector<16xi32>,
        %swap3A_533 = vector.shape_cast %swap3A_532 : vector<16xi32> to vector<16xi32>
        %swap3A_534 = vector.shape_cast %and3A_530 : vector<16xi32> to vector<16xi32>
        tpu.vector_store %arg11[%swap3A_531], %swap3A_534 {strides = array<i32>} : memref<96xi32, #tpu.memory_space<vmem>>, vector<16xi32>,
        %get3A_535 = arith.constant 48 : index
        %get3A_536 = tpu.vector_load %arg7[%get3A_535] {strides = array<i32>} : memref<96xi32, #tpu.memory_space<vmem>>, vector<16xi32>,
        %get3A_537 = vector.shape_cast %get3A_536 : vector<16xi32> to vector<16xi32>
        %broadcast_in_dim3A_538 = arith.constant 16383 : i32
        %broadcast_in_dim3A_539 = vector.broadcast %broadcast_in_dim3A_538 : i32 to vector<16xi32>
        %and3A_540 = arith.andi %get3A_537, %broadcast_in_dim3A_539 : vector<16xi32>
        %swap3A_541 = arith.constant 48 : index
        %swap3A_542 = tpu.vector_load %arg11[%swap3A_541] {strides = array<i32>} : memref<96xi32, #tpu.memory_space<vmem>>, vector<16xi32>,
        %swap3A_543 = vector.shape_cast %swap3A_542 : vector<16xi32> to vector<16xi32>
        %swap3A_544 = vector.shape_cast %and3A_540 : vector<16xi32> to vector<16xi32>
        tpu.vector_store %arg11[%swap3A_541], %swap3A_544 {strides = array<i32>} : memref<96xi32, #tpu.memory_space<vmem>>, vector<16xi32>,
        %get3A_545 = arith.constant 64 : index
        %get3A_546 = tpu.vector_load %arg7[%get3A_545] {strides = array<i32>} : memref<96xi32, #tpu.memory_space<vmem>>, vector<16xi32>,
        %get3A_547 = vector.shape_cast %get3A_546 : vector<16xi32> to vector<16xi32>
        %broadcast_in_dim3A_548 = arith.constant 16383 : i32
        %broadcast_in_dim3A_549 = vector.broadcast %broadcast_in_dim3A_548 : i32 to vector<16xi32>
        %and3A_550 = arith.andi %get3A_547, %broadcast_in_dim3A_549 : vector<16xi32>
        %swap3A_551 = arith.constant 64 : index
        %swap3A_552 = tpu.vector_load %arg11[%swap3A_551] {strides = array<i32>} : memref<96xi32, #tpu.memory_space<vmem>>, vector<16xi32>,
        %swap3A_553 = vector.shape_cast %swap3A_552 : vector<16xi32> to vector<16xi32>
        %swap3A_554 = vector.shape_cast %and3A_550 : vector<16xi32> to vector<16xi32>
        tpu.vector_store %arg11[%swap3A_551], %swap3A_554 {strides = array<i32>} : memref<96xi32, #tpu.memory_space<vmem>>, vector<16xi32>,
        %get3A_555 = arith.constant 80 : index
        %get3A_556 = tpu.vector_load %arg7[%get3A_555] {strides = array<i32>} : memref<96xi32, #tpu.memory_space<vmem>>, vector<16xi32>,
        %get3A_557 = vector.shape_cast %get3A_556 : vector<16xi32> to vector<16xi32>
        %broadcast_in_dim3A_558 = arith.constant 16383 : i32
        %broadcast_in_dim3A_559 = vector.broadcast %broadcast_in_dim3A_558 : i32 to vector<16xi32>
        %and3A_560 = arith.andi %get3A_557, %broadcast_in_dim3A_559 : vector<16xi32>
        %swap3A_561 = arith.constant 80 : index
        %swap3A_562 = tpu.vector_load %arg11[%swap3A_561] {strides = array<i32>} : memref<96xi32, #tpu.memory_space<vmem>>, vector<16xi32>,
        %swap3A_563 = vector.shape_cast %swap3A_562 : vector<16xi32> to vector<16xi32>
        %swap3A_564 = vector.shape_cast %and3A_560 : vector<16xi32> to vector<16xi32>
        tpu.vector_store %arg11[%swap3A_561], %swap3A_564 {strides = array<i32>} : memref<96xi32, #tpu.memory_space<vmem>>, vector<16xi32>,
        %add3A_565 = arith.constant 1 : i32
        %add3A_566 = arith.addi %add3A_364, %add3A_565 : i32
        %mul3A_567 = arith.constant 96 : i32
        %mul3A_568 = arith.muli %add3A_566, %mul3A_567 : i32
        %add3A_569 = arith.addi %mul3A_2, %mul3A_568 : i32
        %dma_start3A_570 = arith.constant 0 : i32
        %dma_start3A_571 = tpu.memref_slice %arg4[%add3A_569, %dma_start3A_570] : memref<320000x128xf32, #tpu.memory_space<hbm>> -> memref<96x128xf32, #tpu.memory_space<hbm>>
        %dma_start3A_572 = arith.constant 0 : i32
        %dma_start3A_573 = tpu.memref_slice %arg4[%add3A_569, %dma_start3A_572] : memref<320000x128xf32, #tpu.memory_space<hbm>> -> memref<96x128xf32, #tpu.memory_space<hbm>>
        tpu.enqueue_dma source(%dma_start3A_573 : memref<96x128xf32, #tpu.memory_space<hbm>>) target(%arg15 : memref<96x128xf32, #tpu.memory_space<vmem>>) target_semaphore(%arg23 : memref<!tpu.dma_semaphore, #tpu.memory_space<semaphore_mem>>)
      } else {
      }
      %scan3A_388 = arith.constant 0 : i32
      %scan3A_389 = arith.constant 0 : i32
      %scan3A_390 = arith.constant 96 : i32
      %scan3A_391 = arith.addi %scan3A_389, %scan3A_390 : i32
      %scan3A_392 = arith.constant 1 : i32
      %scan3A_393 = scf.for %scan3A_434 = %scan3A_389 to %scan3A_391 step %scan3A_392 iter_args(%scan3A_435 = %scan3A_388) -> (i32)  : i32 {
        %get3A_436 = arith.index_cast %scan3A_434 : i32 to index
        %get3A_437 = arith.constant 0 : index
        %get3A_438 = tpu.vector_load %arg14[%get3A_436, %get3A_437] {strides = array<i32>} : memref<96x128xf32, #tpu.memory_space<vmem>>, vector<1x16xf32>,
        %get3A_439 = vector.shape_cast %get3A_438 : vector<1x16xf32> to vector<16xf32>
        %get3A_440 = arith.index_cast %scan3A_434 : i32 to index
        %get3A_441 = arith.constant 0 : index
        %get3A_442 = tpu.vector_load %arg12[%get3A_440, %get3A_441] {strides = array<i32>} : memref<96x128xf32, #tpu.memory_space<vmem>>, vector<1x16xf32>,
        %get3A_443 = vector.shape_cast %get3A_442 : vector<1x16xf32> to vector<16xf32>
        %add3A_444 = arith.addf %get3A_439, %get3A_443 : vector<16xf32>
        %max3A = arith.constant 0.000000e+00 : f32
        %max3A_445 = vector.broadcast %max3A : f32 to vector<16xf32>
        %max3A_446 = arith.maximumf %add3A_444, %max3A_445 : vector<16xf32>
        %swap3A_447 = arith.index_cast %scan3A_434 : i32 to index
        %swap3A_448 = arith.constant 0 : index
        %swap3A_449 = tpu.vector_load %arg14[%swap3A_447, %swap3A_448] {strides = array<i32>} : memref<96x128xf32, #tpu.memory_space<vmem>>, vector<1x16xf32>,
        %swap3A_450 = vector.shape_cast %swap3A_449 : vector<1x16xf32> to vector<16xf32>
        %swap3A_451 = vector.shape_cast %max3A_446 : vector<16xf32> to vector<1x16xf32>
        tpu.vector_store %arg14[%swap3A_447, %swap3A_448], %swap3A_451 {strides = array<i32>} : memref<96x128xf32, #tpu.memory_space<vmem>>, vector<1x16xf32>,
        %get3A_452 = arith.index_cast %scan3A_434 : i32 to index
        %get3A_453 = arith.constant 16 : index
        %get3A_454 = tpu.vector_load %arg14[%get3A_452, %get3A_453] {strides = array<i32>} : memref<96x128xf32, #tpu.memory_space<vmem>>, vector<1x16xf32>,
        %get3A_455 = vector.shape_cast %get3A_454 : vector<1x16xf32> to vector<16xf32>
        %get3A_456 = arith.index_cast %scan3A_434 : i32 to index
        %get3A_457 = arith.constant 16 : index
        %get3A_458 = tpu.vector_load %arg12[%get3A_456, %get3A_457] {strides = array<i32>} : memref<96x128xf32, #tpu.memory_space<vmem>>, vector<1x16xf32>,
        %get3A_459 = vector.shape_cast %get3A_458 : vector<1x16xf32> to vector<16xf32>
        %add3A_460 = arith.addf %get3A_455, %get3A_459 : vector<16xf32>
        %max3A_461 = arith.constant 0.000000e+00 : f32
        %max3A_462 = vector.broadcast %max3A_461 : f32 to vector<16xf32>
        %max3A_463 = arith.maximumf %add3A_460, %max3A_462 : vector<16xf32>
        %swap3A_464 = arith.index_cast %scan3A_434 : i32 to index
        %swap3A_465 = arith.constant 16 : index
        %swap3A_466 = tpu.vector_load %arg14[%swap3A_464, %swap3A_465] {strides = array<i32>} : memref<96x128xf32, #tpu.memory_space<vmem>>, vector<1x16xf32>,
        %swap3A_467 = vector.shape_cast %swap3A_466 : vector<1x16xf32> to vector<16xf32>
        %swap3A_468 = vector.shape_cast %max3A_463 : vector<16xf32> to vector<1x16xf32>
        tpu.vector_store %arg14[%swap3A_464, %swap3A_465], %swap3A_468 {strides = array<i32>} : memref<96x128xf32, #tpu.memory_space<vmem>>, vector<1x16xf32>,
        %get3A_469 = arith.index_cast %scan3A_434 : i32 to index
        %get3A_470 = arith.constant 32 : index
        %get3A_471 = tpu.vector_load %arg14[%get3A_469, %get3A_470] {strides = array<i32>} : memref<96x128xf32, #tpu.memory_space<vmem>>, vector<1x16xf32>,
        %get3A_472 = vector.shape_cast %get3A_471 : vector<1x16xf32> to vector<16xf32>
        %get3A_473 = arith.index_cast %scan3A_434 : i32 to index
        %get3A_474 = arith.constant 32 : index
        %get3A_475 = tpu.vector_load %arg12[%get3A_473, %get3A_474] {strides = array<i32>} : memref<96x128xf32, #tpu.memory_space<vmem>>, vector<1x16xf32>,
        %get3A_476 = vector.shape_cast %get3A_475 : vector<1x16xf32> to vector<16xf32>
        %add3A_477 = arith.addf %get3A_472, %get3A_476 : vector<16xf32>
        %max3A_478 = arith.constant 0.000000e+00 : f32
        %max3A_479 = vector.broadcast %max3A_478 : f32 to vector<16xf32>
        %max3A_480 = arith.maximumf %add3A_477, %max3A_479 : vector<16xf32>
        %swap3A_481 = arith.index_cast %scan3A_434 : i32 to index
        %swap3A_482 = arith.constant 32 : index
        %swap3A_483 = tpu.vector_load %arg14[%swap3A_481, %swap3A_482] {strides = array<i32>} : memref<96x128xf32, #tpu.memory_space<vmem>>, vector<1x16xf32>,
        %swap3A_484 = vector.shape_cast %swap3A_483 : vector<1x16xf32> to vector<16xf32>
        %swap3A_485 = vector.shape_cast %max3A_480 : vector<16xf32> to vector<1x16xf32>
        tpu.vector_store %arg14[%swap3A_481, %swap3A_482], %swap3A_485 {strides = array<i32>} : memref<96x128xf32, #tpu.memory_space<vmem>>, vector<1x16xf32>,
        %get3A_486 = arith.index_cast %scan3A_434 : i32 to index
        %get3A_487 = arith.constant 48 : index
        %get3A_488 = tpu.vector_load %arg14[%get3A_486, %get3A_487] {strides = array<i32>} : memref<96x128xf32, #tpu.memory_space<vmem>>, vector<1x16xf32>,
        %get3A_489 = vector.shape_cast %get3A_488 : vector<1x16xf32> to vector<16xf32>
        %get3A_490 = arith.index_cast %scan3A_434 : i32 to index
        %get3A_491 = arith.constant 48 : index
        %get3A_492 = tpu.vector_load %arg12[%get3A_490, %get3A_491] {strides = array<i32>} : memref<96x128xf32, #tpu.memory_space<vmem>>, vector<1x16xf32>,
        %get3A_493 = vector.shape_cast %get3A_492 : vector<1x16xf32> to vector<16xf32>
        %add3A_494 = arith.addf %get3A_489, %get3A_493 : vector<16xf32>
        %max3A_495 = arith.constant 0.000000e+00 : f32
        %max3A_496 = vector.broadcast %max3A_495 : f32 to vector<16xf32>
        %max3A_497 = arith.maximumf %add3A_494, %max3A_496 : vector<16xf32>
        %swap3A_498 = arith.index_cast %scan3A_434 : i32 to index
        %swap3A_499 = arith.constant 48 : index
        %swap3A_500 = tpu.vector_load %arg14[%swap3A_498, %swap3A_499] {strides = array<i32>} : memref<96x128xf32, #tpu.memory_space<vmem>>, vector<1x16xf32>,
        %swap3A_501 = vector.shape_cast %swap3A_500 : vector<1x16xf32> to vector<16xf32>
        %swap3A_502 = vector.shape_cast %max3A_497 : vector<16xf32> to vector<1x16xf32>
        tpu.vector_store %arg14[%swap3A_498, %swap3A_499], %swap3A_502 {strides = array<i32>} : memref<96x128xf32, #tpu.memory_space<vmem>>, vector<1x16xf32>,
        %get3A_503 = arith.index_cast %scan3A_434 : i32 to index
        %get3A_504 = arith.constant 64 : index
        %get3A_505 = tpu.vector_load %arg14[%get3A_503, %get3A_504] {strides = array<i32>} : memref<96x128xf32, #tpu.memory_space<vmem>>, vector<1x16xf32>,
        %get3A_506 = vector.shape_cast %get3A_505 : vector<1x16xf32> to vector<16xf32>
        %get3A_507 = arith.index_cast %scan3A_434 : i32 to index
        %get3A_508 = arith.constant 64 : index
        %get3A_509 = tpu.vector_load %arg12[%get3A_507, %get3A_508] {strides = array<i32>} : memref<96x128xf32, #tpu.memory_space<vmem>>, vector<1x16xf32>,
        %get3A_510 = vector.shape_cast %get3A_509 : vector<1x16xf32> to vector<16xf32>
        %add3A_511 = arith.addf %get3A_506, %get3A_510 : vector<16xf32>
        %max3A_512 = arith.constant 0.000000e+00 : f32
        %max3A_513 = vector.broadcast %max3A_512 : f32 to vector<16xf32>
        %max3A_514 = arith.maximumf %add3A_511, %max3A_513 : vector<16xf32>
        %swap3A_515 = arith.index_cast %scan3A_434 : i32 to index
        %swap3A_516 = arith.constant 64 : index
        %swap3A_517 = tpu.vector_load %arg14[%swap3A_515, %swap3A_516] {strides = array<i32>} : memref<96x128xf32, #tpu.memory_space<vmem>>, vector<1x16xf32>,
        %swap3A_518 = vector.shape_cast %swap3A_517 : vector<1x16xf32> to vector<16xf32>
        %swap3A_519 = vector.shape_cast %max3A_514 : vector<16xf32> to vector<1x16xf32>
        tpu.vector_store %arg14[%swap3A_515, %swap3A_516], %swap3A_519 {strides = array<i32>} : memref<96x128xf32, #tpu.memory_space<vmem>>, vector<1x16xf32>,
        %get3A_520 = arith.index_cast %scan3A_434 : i32 to index
        %get3A_521 = arith.constant 80 : index
        %get3A_522 = tpu.vector_load %arg14[%get3A_520, %get3A_521] {strides = array<i32>} : memref<96x128xf32, #tpu.memory_space<vmem>>, vector<1x16xf32>,
        %get3A_523 = vector.shape_cast %get3A_522 : vector<1x16xf32> to vector<16xf32>
        %get3A_524 = arith.index_cast %scan3A_434 : i32 to index
        %get3A_525 = arith.constant 80 : index
        %get3A_526 = tpu.vector_load %arg12[%get3A_524, %get3A_525] {strides = array<i32>} : memref<96x128xf32, #tpu.memory_space<vmem>>, vector<1x16xf32>,
        %get3A_527 = vector.shape_cast %get3A_526 : vector<1x16xf32> to vector<16xf32>
        %add3A_528 = arith.addf %get3A_523, %get3A_527 : vector<16xf32>
        %max3A_529 = arith.constant 0.000000e+00 : f32
        %max3A_530 = vector.broadcast %max3A_529 : f32 to vector<16xf32>
        %max3A_531 = arith.maximumf %add3A_528, %max3A_530 : vector<16xf32>
        %swap3A_532 = arith.index_cast %scan3A_434 : i32 to index
        %swap3A_533 = arith.constant 80 : index
        %swap3A_534 = tpu.vector_load %arg14[%swap3A_532, %swap3A_533] {strides = array<i32>} : memref<96x128xf32, #tpu.memory_space<vmem>>, vector<1x16xf32>,
        %swap3A_535 = vector.shape_cast %swap3A_534 : vector<1x16xf32> to vector<16xf32>
        %swap3A_536 = vector.shape_cast %max3A_531 : vector<16xf32> to vector<1x16xf32>
        tpu.vector_store %arg14[%swap3A_532, %swap3A_533], %swap3A_536 {strides = array<i32>} : memref<96x128xf32, #tpu.memory_space<vmem>>, vector<1x16xf32>,
        %get3A_537 = arith.index_cast %scan3A_434 : i32 to index
        %get3A_538 = arith.constant 96 : index
        %get3A_539 = tpu.vector_load %arg14[%get3A_537, %get3A_538] {strides = array<i32>} : memref<96x128xf32, #tpu.memory_space<vmem>>, vector<1x16xf32>,
        %get3A_540 = vector.shape_cast %get3A_539 : vector<1x16xf32> to vector<16xf32>
        %get3A_541 = arith.index_cast %scan3A_434 : i32 to index
        %get3A_542 = arith.constant 96 : index
        %get3A_543 = tpu.vector_load %arg12[%get3A_541, %get3A_542] {strides = array<i32>} : memref<96x128xf32, #tpu.memory_space<vmem>>, vector<1x16xf32>,
        %get3A_544 = vector.shape_cast %get3A_543 : vector<1x16xf32> to vector<16xf32>
        %add3A_545 = arith.addf %get3A_540, %get3A_544 : vector<16xf32>
        %max3A_546 = arith.constant 0.000000e+00 : f32
        %max3A_547 = vector.broadcast %max3A_546 : f32 to vector<16xf32>
        %max3A_548 = arith.maximumf %add3A_545, %max3A_547 : vector<16xf32>
        %swap3A_549 = arith.index_cast %scan3A_434 : i32 to index
        %swap3A_550 = arith.constant 96 : index
        %swap3A_551 = tpu.vector_load %arg14[%swap3A_549, %swap3A_550] {strides = array<i32>} : memref<96x128xf32, #tpu.memory_space<vmem>>, vector<1x16xf32>,
        %swap3A_552 = vector.shape_cast %swap3A_551 : vector<1x16xf32> to vector<16xf32>
        %swap3A_553 = vector.shape_cast %max3A_548 : vector<16xf32> to vector<1x16xf32>
        tpu.vector_store %arg14[%swap3A_549, %swap3A_550], %swap3A_553 {strides = array<i32>} : memref<96x128xf32, #tpu.memory_space<vmem>>, vector<1x16xf32>,
        %get3A_554 = arith.index_cast %scan3A_434 : i32 to index
        %get3A_555 = arith.constant 112 : index
        %get3A_556 = tpu.vector_load %arg14[%get3A_554, %get3A_555] {strides = array<i32>} : memref<96x128xf32, #tpu.memory_space<vmem>>, vector<1x16xf32>,
        %get3A_557 = vector.shape_cast %get3A_556 : vector<1x16xf32> to vector<16xf32>
        %get3A_558 = arith.index_cast %scan3A_434 : i32 to index
        %get3A_559 = arith.constant 112 : index
        %get3A_560 = tpu.vector_load %arg12[%get3A_558, %get3A_559] {strides = array<i32>} : memref<96x128xf32, #tpu.memory_space<vmem>>, vector<1x16xf32>,
        %get3A_561 = vector.shape_cast %get3A_560 : vector<1x16xf32> to vector<16xf32>
        %add3A_562 = arith.addf %get3A_557, %get3A_561 : vector<16xf32>
        %max3A_563 = arith.constant 0.000000e+00 : f32
        %max3A_564 = vector.broadcast %max3A_563 : f32 to vector<16xf32>
        %max3A_565 = arith.maximumf %add3A_562, %max3A_564 : vector<16xf32>
        %swap3A_566 = arith.index_cast %scan3A_434 : i32 to index
        %swap3A_567 = arith.constant 112 : index
        %swap3A_568 = tpu.vector_load %arg14[%swap3A_566, %swap3A_567] {strides = array<i32>} : memref<96x128xf32, #tpu.memory_space<vmem>>, vector<1x16xf32>,
        %swap3A_569 = vector.shape_cast %swap3A_568 : vector<1x16xf32> to vector<16xf32>
        %swap3A_570 = vector.shape_cast %max3A_565 : vector<16xf32> to vector<1x16xf32>
        tpu.vector_store %arg14[%swap3A_566, %swap3A_567], %swap3A_570 {strides = array<i32>} : memref<96x128xf32, #tpu.memory_space<vmem>>, vector<1x16xf32>,
        %scan3A_571 = arith.constant 0 : i32
        scf.yield %scan3A_571 : i32
      }
      %scan3A_394 = arith.constant 96 : i32
      %dma_start3A_395 = arith.constant 0 : i32
      %dma_start3A_396 = arith.constant 0 : i32
      %dma_start3A_397 = tpu.memref_slice %arg17[%dma_start3A_395, %dma_start3A_396] : memref<10000x128xf32, #tpu.memory_space<vmem_shared>> -> memref<10000x128xf32, #tpu.memory_space<vmem_shared>>
      tpu.enqueue_indirect_dma source(%arg14 : memref<96x128xf32, #tpu.memory_space<vmem>>) target(%dma_start3A_397 : memref<10000x128xf32, #tpu.memory_space<vmem_shared>>) offsets(%arg10 : memref<96xi32, #tpu.memory_space<vmem>>) semaphore(%arg24 : memref<!tpu.dma_semaphore, #tpu.memory_space<semaphore_mem>>) {add = true}
      %add3A_398 = arith.constant 1 : i32
      %add3A_399 = arith.addi %mul3A_362, %add3A_398 : i32
      %dma_wait3A_400 = arith.constant 0 : i32
      %dma_wait3A_401 = arith.constant 0 : i32
      %dma_wait3A_402 = tpu.memref_slice %arg2[%dma_wait3A_400, %dma_wait3A_401] : memref<10000x128xf32, #tpu.memory_space<hbm>> -> memref<10000x128xf32, #tpu.memory_space<hbm>>
      tpu.wait_indirect_dma semaphore(%arg21 : memref<!tpu.dma_semaphore, #tpu.memory_space<semaphore_mem>>) src(%dma_wait3A_402 : memref<10000x128xf32, #tpu.memory_space<hbm>>) dst(%arg13 : memref<96x128xf32, #tpu.memory_space<vmem>>)
      %dma_wait3A_403 = arith.constant 0 : i32
      %dma_wait3A_404 = arith.constant 0 : i32
      %dma_wait3A_405 = tpu.memref_slice %arg4[%dma_wait3A_403, %dma_wait3A_404] : memref<320000x128xf32, #tpu.memory_space<hbm>> -> memref<96x128xf32, #tpu.memory_space<hbm>>
      %dma_wait3A_406 = arith.constant 0 : i32
      %dma_wait3A_407 = arith.constant 0 : i32
      %dma_wait3A_408 = tpu.memref_slice %arg4[%dma_wait3A_406, %dma_wait3A_407] : memref<320000x128xf32, #tpu.memory_space<hbm>> -> memref<96x128xf32, #tpu.memory_space<hbm>>
      tpu.wait_dma2 semaphore(%arg23 : memref<!tpu.dma_semaphore, #tpu.memory_space<semaphore_mem>>) src(%dma_wait3A_408 : memref<96x128xf32, #tpu.memory_space<hbm>>) dst(%arg15 : memref<96x128xf32, #tpu.memory_space<vmem>>)
      %add3A_409 = arith.constant 2 : i32
      %add3A_410 = arith.addi %add3A_399, %add3A_409 : i32
      %lt3A_411 = arith.constant 104 : i32
      %lt3A_412 = arith.cmpi slt, %add3A_410, %lt3A_411 : i32
      %convert_element_type3A_413 = arith.extui %lt3A_412 : i1 to i32
      %cond3A_414 = arith.constant 0 : i32
      %cond3A_415 = arith.cmpi ne, %convert_element_type3A_413, %cond3A_414 : i32
      scf.if %cond3A_415 {
        %add3A_434 = arith.constant 2 : i32
        %add3A_435 = arith.addi %add3A_399, %add3A_434 : i32
        %mul3A_436 = arith.constant 96 : i32
        %mul3A_437 = arith.muli %add3A_435, %mul3A_436 : i32
        %add3A_438 = arith.addi %mul3A_2, %mul3A_437 : i32
        %dma_start3A_439 = tpu.memref_slice %arg3[%add3A_438] : memref<320000xi32, #tpu.memory_space<hbm>> -> memref<96xi32, #tpu.memory_space<hbm>>
        %dma_start3A_440 = tpu.memref_slice %arg3[%add3A_438] : memref<320000xi32, #tpu.memory_space<hbm>> -> memref<96xi32, #tpu.memory_space<hbm>>
        tpu.enqueue_dma source(%dma_start3A_440 : memref<96xi32, #tpu.memory_space<hbm>>) target(%arg7 : memref<96xi32, #tpu.memory_space<vmem>>) target_semaphore(%arg19 : memref<!tpu.dma_semaphore, #tpu.memory_space<semaphore_mem>>)
      } else {
      }
      %add3A_416 = arith.constant 1 : i32
      %add3A_417 = arith.addi %add3A_399, %add3A_416 : i32
      %lt3A_418 = arith.constant 104 : i32
      %lt3A_419 = arith.cmpi slt, %add3A_417, %lt3A_418 : i32
      %convert_element_type3A_420 = arith.extui %lt3A_419 : i1 to i32
      %cond3A_421 = arith.constant 0 : i32
      %cond3A_422 = arith.cmpi ne, %convert_element_type3A_420, %cond3A_421 : i32
      scf.if %cond3A_422 {
        %dma_wait3A_434 = arith.constant 0 : i32
        %dma_wait3A_435 = tpu.memref_slice %arg3[%dma_wait3A_434] : memref<320000xi32, #tpu.memory_space<hbm>> -> memref<96xi32, #tpu.memory_space<hbm>>
        %dma_wait3A_436 = arith.constant 0 : i32
        %dma_wait3A_437 = tpu.memref_slice %arg3[%dma_wait3A_436] : memref<320000xi32, #tpu.memory_space<hbm>> -> memref<96xi32, #tpu.memory_space<hbm>>
        tpu.wait_dma2 semaphore(%arg18 : memref<!tpu.dma_semaphore, #tpu.memory_space<semaphore_mem>>) src(%dma_wait3A_437 : memref<96xi32, #tpu.memory_space<hbm>>) dst(%arg6 : memref<96xi32, #tpu.memory_space<vmem>>)
        %get3A_438 = arith.constant 0 : index
        %get3A_439 = tpu.vector_load %arg6[%get3A_438] {strides = array<i32>} : memref<96xi32, #tpu.memory_space<vmem>>, vector<16xi32>,
        %get3A_440 = vector.shape_cast %get3A_439 : vector<16xi32> to vector<16xi32>
        %shift_right_logical3A_441 = arith.constant 14 : i32
        %shift_right_logical3A_442 = vector.broadcast %shift_right_logical3A_441 : i32 to vector<16xi32>
        %shift_right_logical3A_443 = arith.shrui %get3A_440, %shift_right_logical3A_442 : vector<16xi32>
        %swap3A_444 = arith.constant 0 : index
        %swap3A_445 = tpu.vector_load %arg8[%swap3A_444] {strides = array<i32>} : memref<96xi32, #tpu.memory_space<vmem>>, vector<16xi32>,
        %swap3A_446 = vector.shape_cast %swap3A_445 : vector<16xi32> to vector<16xi32>
        %swap3A_447 = vector.shape_cast %shift_right_logical3A_443 : vector<16xi32> to vector<16xi32>
        tpu.vector_store %arg8[%swap3A_444], %swap3A_447 {strides = array<i32>} : memref<96xi32, #tpu.memory_space<vmem>>, vector<16xi32>,
        %get3A_448 = arith.constant 16 : index
        %get3A_449 = tpu.vector_load %arg6[%get3A_448] {strides = array<i32>} : memref<96xi32, #tpu.memory_space<vmem>>, vector<16xi32>,
        %get3A_450 = vector.shape_cast %get3A_449 : vector<16xi32> to vector<16xi32>
        %shift_right_logical3A_451 = arith.constant 14 : i32
        %shift_right_logical3A_452 = vector.broadcast %shift_right_logical3A_451 : i32 to vector<16xi32>
        %shift_right_logical3A_453 = arith.shrui %get3A_450, %shift_right_logical3A_452 : vector<16xi32>
        %swap3A_454 = arith.constant 16 : index
        %swap3A_455 = tpu.vector_load %arg8[%swap3A_454] {strides = array<i32>} : memref<96xi32, #tpu.memory_space<vmem>>, vector<16xi32>,
        %swap3A_456 = vector.shape_cast %swap3A_455 : vector<16xi32> to vector<16xi32>
        %swap3A_457 = vector.shape_cast %shift_right_logical3A_453 : vector<16xi32> to vector<16xi32>
        tpu.vector_store %arg8[%swap3A_454], %swap3A_457 {strides = array<i32>} : memref<96xi32, #tpu.memory_space<vmem>>, vector<16xi32>,
        %get3A_458 = arith.constant 32 : index
        %get3A_459 = tpu.vector_load %arg6[%get3A_458] {strides = array<i32>} : memref<96xi32, #tpu.memory_space<vmem>>, vector<16xi32>,
        %get3A_460 = vector.shape_cast %get3A_459 : vector<16xi32> to vector<16xi32>
        %shift_right_logical3A_461 = arith.constant 14 : i32
        %shift_right_logical3A_462 = vector.broadcast %shift_right_logical3A_461 : i32 to vector<16xi32>
        %shift_right_logical3A_463 = arith.shrui %get3A_460, %shift_right_logical3A_462 : vector<16xi32>
        %swap3A_464 = arith.constant 32 : index
        %swap3A_465 = tpu.vector_load %arg8[%swap3A_464] {strides = array<i32>} : memref<96xi32, #tpu.memory_space<vmem>>, vector<16xi32>,
        %swap3A_466 = vector.shape_cast %swap3A_465 : vector<16xi32> to vector<16xi32>
        %swap3A_467 = vector.shape_cast %shift_right_logical3A_463 : vector<16xi32> to vector<16xi32>
        tpu.vector_store %arg8[%swap3A_464], %swap3A_467 {strides = array<i32>} : memref<96xi32, #tpu.memory_space<vmem>>, vector<16xi32>,
        %get3A_468 = arith.constant 48 : index
        %get3A_469 = tpu.vector_load %arg6[%get3A_468] {strides = array<i32>} : memref<96xi32, #tpu.memory_space<vmem>>, vector<16xi32>,
        %get3A_470 = vector.shape_cast %get3A_469 : vector<16xi32> to vector<16xi32>
        %shift_right_logical3A_471 = arith.constant 14 : i32
        %shift_right_logical3A_472 = vector.broadcast %shift_right_logical3A_471 : i32 to vector<16xi32>
        %shift_right_logical3A_473 = arith.shrui %get3A_470, %shift_right_logical3A_472 : vector<16xi32>
        %swap3A_474 = arith.constant 48 : index
        %swap3A_475 = tpu.vector_load %arg8[%swap3A_474] {strides = array<i32>} : memref<96xi32, #tpu.memory_space<vmem>>, vector<16xi32>,
        %swap3A_476 = vector.shape_cast %swap3A_475 : vector<16xi32> to vector<16xi32>
        %swap3A_477 = vector.shape_cast %shift_right_logical3A_473 : vector<16xi32> to vector<16xi32>
        tpu.vector_store %arg8[%swap3A_474], %swap3A_477 {strides = array<i32>} : memref<96xi32, #tpu.memory_space<vmem>>, vector<16xi32>,
        %get3A_478 = arith.constant 64 : index
        %get3A_479 = tpu.vector_load %arg6[%get3A_478] {strides = array<i32>} : memref<96xi32, #tpu.memory_space<vmem>>, vector<16xi32>,
        %get3A_480 = vector.shape_cast %get3A_479 : vector<16xi32> to vector<16xi32>
        %shift_right_logical3A_481 = arith.constant 14 : i32
        %shift_right_logical3A_482 = vector.broadcast %shift_right_logical3A_481 : i32 to vector<16xi32>
        %shift_right_logical3A_483 = arith.shrui %get3A_480, %shift_right_logical3A_482 : vector<16xi32>
        %swap3A_484 = arith.constant 64 : index
        %swap3A_485 = tpu.vector_load %arg8[%swap3A_484] {strides = array<i32>} : memref<96xi32, #tpu.memory_space<vmem>>, vector<16xi32>,
        %swap3A_486 = vector.shape_cast %swap3A_485 : vector<16xi32> to vector<16xi32>
        %swap3A_487 = vector.shape_cast %shift_right_logical3A_483 : vector<16xi32> to vector<16xi32>
        tpu.vector_store %arg8[%swap3A_484], %swap3A_487 {strides = array<i32>} : memref<96xi32, #tpu.memory_space<vmem>>, vector<16xi32>,
        %get3A_488 = arith.constant 80 : index
        %get3A_489 = tpu.vector_load %arg6[%get3A_488] {strides = array<i32>} : memref<96xi32, #tpu.memory_space<vmem>>, vector<16xi32>,
        %get3A_490 = vector.shape_cast %get3A_489 : vector<16xi32> to vector<16xi32>
        %shift_right_logical3A_491 = arith.constant 14 : i32
        %shift_right_logical3A_492 = vector.broadcast %shift_right_logical3A_491 : i32 to vector<16xi32>
        %shift_right_logical3A_493 = arith.shrui %get3A_490, %shift_right_logical3A_492 : vector<16xi32>
        %swap3A_494 = arith.constant 80 : index
        %swap3A_495 = tpu.vector_load %arg8[%swap3A_494] {strides = array<i32>} : memref<96xi32, #tpu.memory_space<vmem>>, vector<16xi32>,
        %swap3A_496 = vector.shape_cast %swap3A_495 : vector<16xi32> to vector<16xi32>
        %swap3A_497 = vector.shape_cast %shift_right_logical3A_493 : vector<16xi32> to vector<16xi32>
        tpu.vector_store %arg8[%swap3A_494], %swap3A_497 {strides = array<i32>} : memref<96xi32, #tpu.memory_space<vmem>>, vector<16xi32>,
        %dma_start3A_498 = arith.constant 0 : i32
        %dma_start3A_499 = arith.constant 0 : i32
        %dma_start3A_500 = tpu.memref_slice %arg2[%dma_start3A_498, %dma_start3A_499] : memref<10000x128xf32, #tpu.memory_space<hbm>> -> memref<10000x128xf32, #tpu.memory_space<hbm>>
        tpu.enqueue_indirect_dma source(%dma_start3A_500 : memref<10000x128xf32, #tpu.memory_space<hbm>>) target(%arg12 : memref<96x128xf32, #tpu.memory_space<vmem>>) offsets(%arg8 : memref<96xi32, #tpu.memory_space<vmem>>) semaphore(%arg20 : memref<!tpu.dma_semaphore, #tpu.memory_space<semaphore_mem>>)
        %gt3A = arith.constant 0 : i32
        %gt3A_501 = arith.cmpi sgt, %add3A_399, %gt3A : i32
        %convert_element_type3A_502 = arith.extui %gt3A_501 : i1 to i32
        %cond3A_503 = arith.constant 0 : i32
        %cond3A_504 = arith.cmpi ne, %convert_element_type3A_502, %cond3A_503 : i32
        scf.if %cond3A_504 {
          %dma_wait3A_574 = arith.constant 0 : i32
          %dma_wait3A_575 = arith.constant 0 : i32
          %dma_wait3A_576 = tpu.memref_slice %arg17[%dma_wait3A_574, %dma_wait3A_575] : memref<10000x128xf32, #tpu.memory_space<vmem_shared>> -> memref<10000x128xf32, #tpu.memory_space<vmem_shared>>
          tpu.wait_indirect_dma semaphore(%arg24 : memref<!tpu.dma_semaphore, #tpu.memory_space<semaphore_mem>>) src(%arg14 : memref<96x128xf32, #tpu.memory_space<vmem>>) dst(%dma_wait3A_576 : memref<10000x128xf32, #tpu.memory_space<vmem_shared>>)
        } else {
        }
        %get3A_505 = arith.constant 0 : index
        %get3A_506 = tpu.vector_load %arg6[%get3A_505] {strides = array<i32>} : memref<96xi32, #tpu.memory_space<vmem>>, vector<16xi32>,
        %get3A_507 = vector.shape_cast %get3A_506 : vector<16xi32> to vector<16xi32>
        %broadcast_in_dim3A_508 = arith.constant 16383 : i32
        %broadcast_in_dim3A_509 = vector.broadcast %broadcast_in_dim3A_508 : i32 to vector<16xi32>
        %and3A_510 = arith.andi %get3A_507, %broadcast_in_dim3A_509 : vector<16xi32>
        %swap3A_511 = arith.constant 0 : index
        %swap3A_512 = tpu.vector_load %arg10[%swap3A_511] {strides = array<i32>} : memref<96xi32, #tpu.memory_space<vmem>>, vector<16xi32>,
        %swap3A_513 = vector.shape_cast %swap3A_512 : vector<16xi32> to vector<16xi32>
        %swap3A_514 = vector.shape_cast %and3A_510 : vector<16xi32> to vector<16xi32>
        tpu.vector_store %arg10[%swap3A_511], %swap3A_514 {strides = array<i32>} : memref<96xi32, #tpu.memory_space<vmem>>, vector<16xi32>,
        %get3A_515 = arith.constant 16 : index
        %get3A_516 = tpu.vector_load %arg6[%get3A_515] {strides = array<i32>} : memref<96xi32, #tpu.memory_space<vmem>>, vector<16xi32>,
        %get3A_517 = vector.shape_cast %get3A_516 : vector<16xi32> to vector<16xi32>
        %broadcast_in_dim3A_518 = arith.constant 16383 : i32
        %broadcast_in_dim3A_519 = vector.broadcast %broadcast_in_dim3A_518 : i32 to vector<16xi32>
        %and3A_520 = arith.andi %get3A_517, %broadcast_in_dim3A_519 : vector<16xi32>
        %swap3A_521 = arith.constant 16 : index
        %swap3A_522 = tpu.vector_load %arg10[%swap3A_521] {strides = array<i32>} : memref<96xi32, #tpu.memory_space<vmem>>, vector<16xi32>,
        %swap3A_523 = vector.shape_cast %swap3A_522 : vector<16xi32> to vector<16xi32>
        %swap3A_524 = vector.shape_cast %and3A_520 : vector<16xi32> to vector<16xi32>
        tpu.vector_store %arg10[%swap3A_521], %swap3A_524 {strides = array<i32>} : memref<96xi32, #tpu.memory_space<vmem>>, vector<16xi32>,
        %get3A_525 = arith.constant 32 : index
        %get3A_526 = tpu.vector_load %arg6[%get3A_525] {strides = array<i32>} : memref<96xi32, #tpu.memory_space<vmem>>, vector<16xi32>,
        %get3A_527 = vector.shape_cast %get3A_526 : vector<16xi32> to vector<16xi32>
        %broadcast_in_dim3A_528 = arith.constant 16383 : i32
        %broadcast_in_dim3A_529 = vector.broadcast %broadcast_in_dim3A_528 : i32 to vector<16xi32>
        %and3A_530 = arith.andi %get3A_527, %broadcast_in_dim3A_529 : vector<16xi32>
        %swap3A_531 = arith.constant 32 : index
        %swap3A_532 = tpu.vector_load %arg10[%swap3A_531] {strides = array<i32>} : memref<96xi32, #tpu.memory_space<vmem>>, vector<16xi32>,
        %swap3A_533 = vector.shape_cast %swap3A_532 : vector<16xi32> to vector<16xi32>
        %swap3A_534 = vector.shape_cast %and3A_530 : vector<16xi32> to vector<16xi32>
        tpu.vector_store %arg10[%swap3A_531], %swap3A_534 {strides = array<i32>} : memref<96xi32, #tpu.memory_space<vmem>>, vector<16xi32>,
        %get3A_535 = arith.constant 48 : index
        %get3A_536 = tpu.vector_load %arg6[%get3A_535] {strides = array<i32>} : memref<96xi32, #tpu.memory_space<vmem>>, vector<16xi32>,
        %get3A_537 = vector.shape_cast %get3A_536 : vector<16xi32> to vector<16xi32>
        %broadcast_in_dim3A_538 = arith.constant 16383 : i32
        %broadcast_in_dim3A_539 = vector.broadcast %broadcast_in_dim3A_538 : i32 to vector<16xi32>
        %and3A_540 = arith.andi %get3A_537, %broadcast_in_dim3A_539 : vector<16xi32>
        %swap3A_541 = arith.constant 48 : index
        %swap3A_542 = tpu.vector_load %arg10[%swap3A_541] {strides = array<i32>} : memref<96xi32, #tpu.memory_space<vmem>>, vector<16xi32>,
        %swap3A_543 = vector.shape_cast %swap3A_542 : vector<16xi32> to vector<16xi32>
        %swap3A_544 = vector.shape_cast %and3A_540 : vector<16xi32> to vector<16xi32>
        tpu.vector_store %arg10[%swap3A_541], %swap3A_544 {strides = array<i32>} : memref<96xi32, #tpu.memory_space<vmem>>, vector<16xi32>,
        %get3A_545 = arith.constant 64 : index
        %get3A_546 = tpu.vector_load %arg6[%get3A_545] {strides = array<i32>} : memref<96xi32, #tpu.memory_space<vmem>>, vector<16xi32>,
        %get3A_547 = vector.shape_cast %get3A_546 : vector<16xi32> to vector<16xi32>
        %broadcast_in_dim3A_548 = arith.constant 16383 : i32
        %broadcast_in_dim3A_549 = vector.broadcast %broadcast_in_dim3A_548 : i32 to vector<16xi32>
        %and3A_550 = arith.andi %get3A_547, %broadcast_in_dim3A_549 : vector<16xi32>
        %swap3A_551 = arith.constant 64 : index
        %swap3A_552 = tpu.vector_load %arg10[%swap3A_551] {strides = array<i32>} : memref<96xi32, #tpu.memory_space<vmem>>, vector<16xi32>,
        %swap3A_553 = vector.shape_cast %swap3A_552 : vector<16xi32> to vector<16xi32>
        %swap3A_554 = vector.shape_cast %and3A_550 : vector<16xi32> to vector<16xi32>
        tpu.vector_store %arg10[%swap3A_551], %swap3A_554 {strides = array<i32>} : memref<96xi32, #tpu.memory_space<vmem>>, vector<16xi32>,
        %get3A_555 = arith.constant 80 : index
        %get3A_556 = tpu.vector_load %arg6[%get3A_555] {strides = array<i32>} : memref<96xi32, #tpu.memory_space<vmem>>, vector<16xi32>,
        %get3A_557 = vector.shape_cast %get3A_556 : vector<16xi32> to vector<16xi32>
        %broadcast_in_dim3A_558 = arith.constant 16383 : i32
        %broadcast_in_dim3A_559 = vector.broadcast %broadcast_in_dim3A_558 : i32 to vector<16xi32>
        %and3A_560 = arith.andi %get3A_557, %broadcast_in_dim3A_559 : vector<16xi32>
        %swap3A_561 = arith.constant 80 : index
        %swap3A_562 = tpu.vector_load %arg10[%swap3A_561] {strides = array<i32>} : memref<96xi32, #tpu.memory_space<vmem>>, vector<16xi32>,
        %swap3A_563 = vector.shape_cast %swap3A_562 : vector<16xi32> to vector<16xi32>
        %swap3A_564 = vector.shape_cast %and3A_560 : vector<16xi32> to vector<16xi32>
        tpu.vector_store %arg10[%swap3A_561], %swap3A_564 {strides = array<i32>} : memref<96xi32, #tpu.memory_space<vmem>>, vector<16xi32>,
        %add3A_565 = arith.constant 1 : i32
        %add3A_566 = arith.addi %add3A_399, %add3A_565 : i32
        %mul3A_567 = arith.constant 96 : i32
        %mul3A_568 = arith.muli %add3A_566, %mul3A_567 : i32
        %add3A_569 = arith.addi %mul3A_2, %mul3A_568 : i32
        %dma_start3A_570 = arith.constant 0 : i32
        %dma_start3A_571 = tpu.memref_slice %arg4[%add3A_569, %dma_start3A_570] : memref<320000x128xf32, #tpu.memory_space<hbm>> -> memref<96x128xf32, #tpu.memory_space<hbm>>
        %dma_start3A_572 = arith.constant 0 : i32
        %dma_start3A_573 = tpu.memref_slice %arg4[%add3A_569, %dma_start3A_572] : memref<320000x128xf32, #tpu.memory_space<hbm>> -> memref<96x128xf32, #tpu.memory_space<hbm>>
        tpu.enqueue_dma source(%dma_start3A_573 : memref<96x128xf32, #tpu.memory_space<hbm>>) target(%arg14 : memref<96x128xf32, #tpu.memory_space<vmem>>) target_semaphore(%arg22 : memref<!tpu.dma_semaphore, #tpu.memory_space<semaphore_mem>>)
      } else {
      }
      %scan3A_423 = arith.constant 0 : i32
      %scan3A_424 = arith.constant 0 : i32
      %scan3A_425 = arith.constant 96 : i32
      %scan3A_426 = arith.addi %scan3A_424, %scan3A_425 : i32
      %scan3A_427 = arith.constant 1 : i32
      %scan3A_428 = scf.for %scan3A_434 = %scan3A_424 to %scan3A_426 step %scan3A_427 iter_args(%scan3A_435 = %scan3A_423) -> (i32)  : i32 {
        %get3A_436 = arith.index_cast %scan3A_434 : i32 to index
        %get3A_437 = arith.constant 0 : index
        %get3A_438 = tpu.vector_load %arg15[%get3A_436, %get3A_437] {strides = array<i32>} : memref<96x128xf32, #tpu.memory_space<vmem>>, vector<1x16xf32>,
        %get3A_439 = vector.shape_cast %get3A_438 : vector<1x16xf32> to vector<16xf32>
        %get3A_440 = arith.index_cast %scan3A_434 : i32 to index
        %get3A_441 = arith.constant 0 : index
        %get3A_442 = tpu.vector_load %arg13[%get3A_440, %get3A_441] {strides = array<i32>} : memref<96x128xf32, #tpu.memory_space<vmem>>, vector<1x16xf32>,
        %get3A_443 = vector.shape_cast %get3A_442 : vector<1x16xf32> to vector<16xf32>
        %add3A_444 = arith.addf %get3A_439, %get3A_443 : vector<16xf32>
        %max3A = arith.constant 0.000000e+00 : f32
        %max3A_445 = vector.broadcast %max3A : f32 to vector<16xf32>
        %max3A_446 = arith.maximumf %add3A_444, %max3A_445 : vector<16xf32>
        %swap3A_447 = arith.index_cast %scan3A_434 : i32 to index
        %swap3A_448 = arith.constant 0 : index
        %swap3A_449 = tpu.vector_load %arg15[%swap3A_447, %swap3A_448] {strides = array<i32>} : memref<96x128xf32, #tpu.memory_space<vmem>>, vector<1x16xf32>,
        %swap3A_450 = vector.shape_cast %swap3A_449 : vector<1x16xf32> to vector<16xf32>
        %swap3A_451 = vector.shape_cast %max3A_446 : vector<16xf32> to vector<1x16xf32>
        tpu.vector_store %arg15[%swap3A_447, %swap3A_448], %swap3A_451 {strides = array<i32>} : memref<96x128xf32, #tpu.memory_space<vmem>>, vector<1x16xf32>,
        %get3A_452 = arith.index_cast %scan3A_434 : i32 to index
        %get3A_453 = arith.constant 16 : index
        %get3A_454 = tpu.vector_load %arg15[%get3A_452, %get3A_453] {strides = array<i32>} : memref<96x128xf32, #tpu.memory_space<vmem>>, vector<1x16xf32>,
        %get3A_455 = vector.shape_cast %get3A_454 : vector<1x16xf32> to vector<16xf32>
        %get3A_456 = arith.index_cast %scan3A_434 : i32 to index
        %get3A_457 = arith.constant 16 : index
        %get3A_458 = tpu.vector_load %arg13[%get3A_456, %get3A_457] {strides = array<i32>} : memref<96x128xf32, #tpu.memory_space<vmem>>, vector<1x16xf32>,
        %get3A_459 = vector.shape_cast %get3A_458 : vector<1x16xf32> to vector<16xf32>
        %add3A_460 = arith.addf %get3A_455, %get3A_459 : vector<16xf32>
        %max3A_461 = arith.constant 0.000000e+00 : f32
        %max3A_462 = vector.broadcast %max3A_461 : f32 to vector<16xf32>
        %max3A_463 = arith.maximumf %add3A_460, %max3A_462 : vector<16xf32>
        %swap3A_464 = arith.index_cast %scan3A_434 : i32 to index
        %swap3A_465 = arith.constant 16 : index
        %swap3A_466 = tpu.vector_load %arg15[%swap3A_464, %swap3A_465] {strides = array<i32>} : memref<96x128xf32, #tpu.memory_space<vmem>>, vector<1x16xf32>,
        %swap3A_467 = vector.shape_cast %swap3A_466 : vector<1x16xf32> to vector<16xf32>
        %swap3A_468 = vector.shape_cast %max3A_463 : vector<16xf32> to vector<1x16xf32>
        tpu.vector_store %arg15[%swap3A_464, %swap3A_465], %swap3A_468 {strides = array<i32>} : memref<96x128xf32, #tpu.memory_space<vmem>>, vector<1x16xf32>,
        %get3A_469 = arith.index_cast %scan3A_434 : i32 to index
        %get3A_470 = arith.constant 32 : index
        %get3A_471 = tpu.vector_load %arg15[%get3A_469, %get3A_470] {strides = array<i32>} : memref<96x128xf32, #tpu.memory_space<vmem>>, vector<1x16xf32>,
        %get3A_472 = vector.shape_cast %get3A_471 : vector<1x16xf32> to vector<16xf32>
        %get3A_473 = arith.index_cast %scan3A_434 : i32 to index
        %get3A_474 = arith.constant 32 : index
        %get3A_475 = tpu.vector_load %arg13[%get3A_473, %get3A_474] {strides = array<i32>} : memref<96x128xf32, #tpu.memory_space<vmem>>, vector<1x16xf32>,
        %get3A_476 = vector.shape_cast %get3A_475 : vector<1x16xf32> to vector<16xf32>
        %add3A_477 = arith.addf %get3A_472, %get3A_476 : vector<16xf32>
        %max3A_478 = arith.constant 0.000000e+00 : f32
        %max3A_479 = vector.broadcast %max3A_478 : f32 to vector<16xf32>
        %max3A_480 = arith.maximumf %add3A_477, %max3A_479 : vector<16xf32>
        %swap3A_481 = arith.index_cast %scan3A_434 : i32 to index
        %swap3A_482 = arith.constant 32 : index
        %swap3A_483 = tpu.vector_load %arg15[%swap3A_481, %swap3A_482] {strides = array<i32>} : memref<96x128xf32, #tpu.memory_space<vmem>>, vector<1x16xf32>,
        %swap3A_484 = vector.shape_cast %swap3A_483 : vector<1x16xf32> to vector<16xf32>
        %swap3A_485 = vector.shape_cast %max3A_480 : vector<16xf32> to vector<1x16xf32>
        tpu.vector_store %arg15[%swap3A_481, %swap3A_482], %swap3A_485 {strides = array<i32>} : memref<96x128xf32, #tpu.memory_space<vmem>>, vector<1x16xf32>,
        %get3A_486 = arith.index_cast %scan3A_434 : i32 to index
        %get3A_487 = arith.constant 48 : index
        %get3A_488 = tpu.vector_load %arg15[%get3A_486, %get3A_487] {strides = array<i32>} : memref<96x128xf32, #tpu.memory_space<vmem>>, vector<1x16xf32>,
        %get3A_489 = vector.shape_cast %get3A_488 : vector<1x16xf32> to vector<16xf32>
        %get3A_490 = arith.index_cast %scan3A_434 : i32 to index
        %get3A_491 = arith.constant 48 : index
        %get3A_492 = tpu.vector_load %arg13[%get3A_490, %get3A_491] {strides = array<i32>} : memref<96x128xf32, #tpu.memory_space<vmem>>, vector<1x16xf32>,
        %get3A_493 = vector.shape_cast %get3A_492 : vector<1x16xf32> to vector<16xf32>
        %add3A_494 = arith.addf %get3A_489, %get3A_493 : vector<16xf32>
        %max3A_495 = arith.constant 0.000000e+00 : f32
        %max3A_496 = vector.broadcast %max3A_495 : f32 to vector<16xf32>
        %max3A_497 = arith.maximumf %add3A_494, %max3A_496 : vector<16xf32>
        %swap3A_498 = arith.index_cast %scan3A_434 : i32 to index
        %swap3A_499 = arith.constant 48 : index
        %swap3A_500 = tpu.vector_load %arg15[%swap3A_498, %swap3A_499] {strides = array<i32>} : memref<96x128xf32, #tpu.memory_space<vmem>>, vector<1x16xf32>,
        %swap3A_501 = vector.shape_cast %swap3A_500 : vector<1x16xf32> to vector<16xf32>
        %swap3A_502 = vector.shape_cast %max3A_497 : vector<16xf32> to vector<1x16xf32>
        tpu.vector_store %arg15[%swap3A_498, %swap3A_499], %swap3A_502 {strides = array<i32>} : memref<96x128xf32, #tpu.memory_space<vmem>>, vector<1x16xf32>,
        %get3A_503 = arith.index_cast %scan3A_434 : i32 to index
        %get3A_504 = arith.constant 64 : index
        %get3A_505 = tpu.vector_load %arg15[%get3A_503, %get3A_504] {strides = array<i32>} : memref<96x128xf32, #tpu.memory_space<vmem>>, vector<1x16xf32>,
        %get3A_506 = vector.shape_cast %get3A_505 : vector<1x16xf32> to vector<16xf32>
        %get3A_507 = arith.index_cast %scan3A_434 : i32 to index
        %get3A_508 = arith.constant 64 : index
        %get3A_509 = tpu.vector_load %arg13[%get3A_507, %get3A_508] {strides = array<i32>} : memref<96x128xf32, #tpu.memory_space<vmem>>, vector<1x16xf32>,
        %get3A_510 = vector.shape_cast %get3A_509 : vector<1x16xf32> to vector<16xf32>
        %add3A_511 = arith.addf %get3A_506, %get3A_510 : vector<16xf32>
        %max3A_512 = arith.constant 0.000000e+00 : f32
        %max3A_513 = vector.broadcast %max3A_512 : f32 to vector<16xf32>
        %max3A_514 = arith.maximumf %add3A_511, %max3A_513 : vector<16xf32>
        %swap3A_515 = arith.index_cast %scan3A_434 : i32 to index
        %swap3A_516 = arith.constant 64 : index
        %swap3A_517 = tpu.vector_load %arg15[%swap3A_515, %swap3A_516] {strides = array<i32>} : memref<96x128xf32, #tpu.memory_space<vmem>>, vector<1x16xf32>,
        %swap3A_518 = vector.shape_cast %swap3A_517 : vector<1x16xf32> to vector<16xf32>
        %swap3A_519 = vector.shape_cast %max3A_514 : vector<16xf32> to vector<1x16xf32>
        tpu.vector_store %arg15[%swap3A_515, %swap3A_516], %swap3A_519 {strides = array<i32>} : memref<96x128xf32, #tpu.memory_space<vmem>>, vector<1x16xf32>,
        %get3A_520 = arith.index_cast %scan3A_434 : i32 to index
        %get3A_521 = arith.constant 80 : index
        %get3A_522 = tpu.vector_load %arg15[%get3A_520, %get3A_521] {strides = array<i32>} : memref<96x128xf32, #tpu.memory_space<vmem>>, vector<1x16xf32>,
        %get3A_523 = vector.shape_cast %get3A_522 : vector<1x16xf32> to vector<16xf32>
        %get3A_524 = arith.index_cast %scan3A_434 : i32 to index
        %get3A_525 = arith.constant 80 : index
        %get3A_526 = tpu.vector_load %arg13[%get3A_524, %get3A_525] {strides = array<i32>} : memref<96x128xf32, #tpu.memory_space<vmem>>, vector<1x16xf32>,
        %get3A_527 = vector.shape_cast %get3A_526 : vector<1x16xf32> to vector<16xf32>
        %add3A_528 = arith.addf %get3A_523, %get3A_527 : vector<16xf32>
        %max3A_529 = arith.constant 0.000000e+00 : f32
        %max3A_530 = vector.broadcast %max3A_529 : f32 to vector<16xf32>
        %max3A_531 = arith.maximumf %add3A_528, %max3A_530 : vector<16xf32>
        %swap3A_532 = arith.index_cast %scan3A_434 : i32 to index
        %swap3A_533 = arith.constant 80 : index
        %swap3A_534 = tpu.vector_load %arg15[%swap3A_532, %swap3A_533] {strides = array<i32>} : memref<96x128xf32, #tpu.memory_space<vmem>>, vector<1x16xf32>,
        %swap3A_535 = vector.shape_cast %swap3A_534 : vector<1x16xf32> to vector<16xf32>
        %swap3A_536 = vector.shape_cast %max3A_531 : vector<16xf32> to vector<1x16xf32>
        tpu.vector_store %arg15[%swap3A_532, %swap3A_533], %swap3A_536 {strides = array<i32>} : memref<96x128xf32, #tpu.memory_space<vmem>>, vector<1x16xf32>,
        %get3A_537 = arith.index_cast %scan3A_434 : i32 to index
        %get3A_538 = arith.constant 96 : index
        %get3A_539 = tpu.vector_load %arg15[%get3A_537, %get3A_538] {strides = array<i32>} : memref<96x128xf32, #tpu.memory_space<vmem>>, vector<1x16xf32>,
        %get3A_540 = vector.shape_cast %get3A_539 : vector<1x16xf32> to vector<16xf32>
        %get3A_541 = arith.index_cast %scan3A_434 : i32 to index
        %get3A_542 = arith.constant 96 : index
        %get3A_543 = tpu.vector_load %arg13[%get3A_541, %get3A_542] {strides = array<i32>} : memref<96x128xf32, #tpu.memory_space<vmem>>, vector<1x16xf32>,
        %get3A_544 = vector.shape_cast %get3A_543 : vector<1x16xf32> to vector<16xf32>
        %add3A_545 = arith.addf %get3A_540, %get3A_544 : vector<16xf32>
        %max3A_546 = arith.constant 0.000000e+00 : f32
        %max3A_547 = vector.broadcast %max3A_546 : f32 to vector<16xf32>
        %max3A_548 = arith.maximumf %add3A_545, %max3A_547 : vector<16xf32>
        %swap3A_549 = arith.index_cast %scan3A_434 : i32 to index
        %swap3A_550 = arith.constant 96 : index
        %swap3A_551 = tpu.vector_load %arg15[%swap3A_549, %swap3A_550] {strides = array<i32>} : memref<96x128xf32, #tpu.memory_space<vmem>>, vector<1x16xf32>,
        %swap3A_552 = vector.shape_cast %swap3A_551 : vector<1x16xf32> to vector<16xf32>
        %swap3A_553 = vector.shape_cast %max3A_548 : vector<16xf32> to vector<1x16xf32>
        tpu.vector_store %arg15[%swap3A_549, %swap3A_550], %swap3A_553 {strides = array<i32>} : memref<96x128xf32, #tpu.memory_space<vmem>>, vector<1x16xf32>,
        %get3A_554 = arith.index_cast %scan3A_434 : i32 to index
        %get3A_555 = arith.constant 112 : index
        %get3A_556 = tpu.vector_load %arg15[%get3A_554, %get3A_555] {strides = array<i32>} : memref<96x128xf32, #tpu.memory_space<vmem>>, vector<1x16xf32>,
        %get3A_557 = vector.shape_cast %get3A_556 : vector<1x16xf32> to vector<16xf32>
        %get3A_558 = arith.index_cast %scan3A_434 : i32 to index
        %get3A_559 = arith.constant 112 : index
        %get3A_560 = tpu.vector_load %arg13[%get3A_558, %get3A_559] {strides = array<i32>} : memref<96x128xf32, #tpu.memory_space<vmem>>, vector<1x16xf32>,
        %get3A_561 = vector.shape_cast %get3A_560 : vector<1x16xf32> to vector<16xf32>
        %add3A_562 = arith.addf %get3A_557, %get3A_561 : vector<16xf32>
        %max3A_563 = arith.constant 0.000000e+00 : f32
        %max3A_564 = vector.broadcast %max3A_563 : f32 to vector<16xf32>
        %max3A_565 = arith.maximumf %add3A_562, %max3A_564 : vector<16xf32>
        %swap3A_566 = arith.index_cast %scan3A_434 : i32 to index
        %swap3A_567 = arith.constant 112 : index
        %swap3A_568 = tpu.vector_load %arg15[%swap3A_566, %swap3A_567] {strides = array<i32>} : memref<96x128xf32, #tpu.memory_space<vmem>>, vector<1x16xf32>,
        %swap3A_569 = vector.shape_cast %swap3A_568 : vector<1x16xf32> to vector<16xf32>
        %swap3A_570 = vector.shape_cast %max3A_565 : vector<16xf32> to vector<1x16xf32>
        tpu.vector_store %arg15[%swap3A_566, %swap3A_567], %swap3A_570 {strides = array<i32>} : memref<96x128xf32, #tpu.memory_space<vmem>>, vector<1x16xf32>,
        %scan3A_571 = arith.constant 0 : i32
        scf.yield %scan3A_571 : i32
      }
      %scan3A_429 = arith.constant 96 : i32
      %dma_start3A_430 = arith.constant 0 : i32
      %dma_start3A_431 = arith.constant 0 : i32
      %dma_start3A_432 = tpu.memref_slice %arg17[%dma_start3A_430, %dma_start3A_431] : memref<10000x128xf32, #tpu.memory_space<vmem_shared>> -> memref<10000x128xf32, #tpu.memory_space<vmem_shared>>
      tpu.enqueue_indirect_dma source(%arg15 : memref<96x128xf32, #tpu.memory_space<vmem>>) target(%dma_start3A_432 : memref<10000x128xf32, #tpu.memory_space<vmem_shared>>) offsets(%arg11 : memref<96xi32, #tpu.memory_space<vmem>>) semaphore(%arg25 : memref<!tpu.dma_semaphore, #tpu.memory_space<semaphore_mem>>) {add = true}
      %scan3A_433 = arith.constant 0 : i32
      scf.yield %scan3A_433 : i32
    }
    %scan3A_202 = arith.constant 52 : i32
    %dma_wait3A_203 = arith.constant 0 : i32
    %dma_wait3A_204 = arith.constant 0 : i32
    %dma_wait3A_205 = tpu.memref_slice %arg17[%dma_wait3A_203, %dma_wait3A_204] : memref<10000x128xf32, #tpu.memory_space<vmem_shared>> -> memref<10000x128xf32, #tpu.memory_space<vmem_shared>>
    tpu.wait_indirect_dma semaphore(%arg24 : memref<!tpu.dma_semaphore, #tpu.memory_space<semaphore_mem>>) src(%arg14 : memref<96x128xf32, #tpu.memory_space<vmem>>) dst(%dma_wait3A_205 : memref<10000x128xf32, #tpu.memory_space<vmem_shared>>)
    %add3A_206 = arith.constant 9984 : i32
    %add3A_207 = arith.addi %mul3A_2, %add3A_206 : i32
    %dma_start3A_208 = arith.constant 0 : i32
    %dma_start3A_209 = tpu.memref_slice %arg6[%dma_start3A_208] : memref<96xi32, #tpu.memory_space<vmem>> -> memref<16xi32, #tpu.memory_space<vmem>>
    %dma_start3A_210 = tpu.memref_slice %arg3[%add3A_207] : memref<320000xi32, #tpu.memory_space<hbm>> -> memref<16xi32, #tpu.memory_space<hbm>>
    %dma_start3A_211 = arith.constant 0 : i32
    %dma_start3A_212 = tpu.memref_slice %arg6[%dma_start3A_211] : memref<96xi32, #tpu.memory_space<vmem>> -> memref<16xi32, #tpu.memory_space<vmem>>
    %dma_start3A_213 = tpu.memref_slice %arg3[%add3A_207] : memref<320000xi32, #tpu.memory_space<hbm>> -> memref<16xi32, #tpu.memory_space<hbm>>
    tpu.enqueue_dma source(%dma_start3A_213 : memref<16xi32, #tpu.memory_space<hbm>>) target(%dma_start3A_212 : memref<16xi32, #tpu.memory_space<vmem>>) target_semaphore(%arg18 : memref<!tpu.dma_semaphore, #tpu.memory_space<semaphore_mem>>)
    %dma_start3A_214 = arith.constant 0 : i32
    %dma_start3A_215 = arith.constant 0 : i32
    %dma_start3A_216 = tpu.memref_slice %arg14[%dma_start3A_214, %dma_start3A_215] : memref<96x128xf32, #tpu.memory_space<vmem>> -> memref<16x128xf32, #tpu.memory_space<vmem>>
    %dma_start3A_217 = arith.constant 0 : i32
    %dma_start3A_218 = tpu.memref_slice %arg4[%add3A_207, %dma_start3A_217] : memref<320000x128xf32, #tpu.memory_space<hbm>> -> memref<16x128xf32, #tpu.memory_space<hbm>>
    %dma_start3A_219 = arith.constant 0 : i32
    %dma_start3A_220 = arith.constant 0 : i32
    %dma_start3A_221 = tpu.memref_slice %arg14[%dma_start3A_219, %dma_start3A_220] : memref<96x128xf32, #tpu.memory_space<vmem>> -> memref<16x128xf32, #tpu.memory_space<vmem>>
    %dma_start3A_222 = arith.constant 0 : i32
    %dma_start3A_223 = tpu.memref_slice %arg4[%add3A_207, %dma_start3A_222] : memref<320000x128xf32, #tpu.memory_space<hbm>> -> memref<16x128xf32, #tpu.memory_space<hbm>>
    tpu.enqueue_dma source(%dma_start3A_223 : memref<16x128xf32, #tpu.memory_space<hbm>>) target(%dma_start3A_221 : memref<16x128xf32, #tpu.memory_space<vmem>>) target_semaphore(%arg22 : memref<!tpu.dma_semaphore, #tpu.memory_space<semaphore_mem>>)
    %dma_wait3A_224 = arith.constant 0 : i32
    %dma_wait3A_225 = tpu.memref_slice %arg6[%dma_wait3A_224] : memref<96xi32, #tpu.memory_space<vmem>> -> memref<16xi32, #tpu.memory_space<vmem>>
    %dma_wait3A_226 = arith.constant 0 : i32
    %dma_wait3A_227 = tpu.memref_slice %arg3[%dma_wait3A_226] : memref<320000xi32, #tpu.memory_space<hbm>> -> memref<16xi32, #tpu.memory_space<hbm>>
    %dma_wait3A_228 = arith.constant 0 : i32
    %dma_wait3A_229 = tpu.memref_slice %arg6[%dma_wait3A_228] : memref<96xi32, #tpu.memory_space<vmem>> -> memref<16xi32, #tpu.memory_space<vmem>>
    %dma_wait3A_230 = arith.constant 0 : i32
    %dma_wait3A_231 = tpu.memref_slice %arg3[%dma_wait3A_230] : memref<320000xi32, #tpu.memory_space<hbm>> -> memref<16xi32, #tpu.memory_space<hbm>>
    tpu.wait_dma2 semaphore(%arg18 : memref<!tpu.dma_semaphore, #tpu.memory_space<semaphore_mem>>) src(%dma_wait3A_231 : memref<16xi32, #tpu.memory_space<hbm>>) dst(%dma_wait3A_229 : memref<16xi32, #tpu.memory_space<vmem>>)
    %get3A_232 = arith.constant 0 : index
    %get3A_233 = tpu.vector_load %arg6[%get3A_232] {strides = array<i32>} : memref<96xi32, #tpu.memory_space<vmem>>, vector<16xi32>,
    %get3A_234 = vector.shape_cast %get3A_233 : vector<16xi32> to vector<16xi32>
    %shift_right_logical3A_235 = arith.constant 14 : i32
    %shift_right_logical3A_236 = vector.broadcast %shift_right_logical3A_235 : i32 to vector<16xi32>
    %shift_right_logical3A_237 = arith.shrui %get3A_234, %shift_right_logical3A_236 : vector<16xi32>
    %swap3A_238 = arith.constant 0 : index
    %swap3A_239 = tpu.vector_load %arg8[%swap3A_238] {strides = array<i32>} : memref<96xi32, #tpu.memory_space<vmem>>, vector<16xi32>,
    %swap3A_240 = vector.shape_cast %swap3A_239 : vector<16xi32> to vector<16xi32>
    %swap3A_241 = vector.shape_cast %shift_right_logical3A_237 : vector<16xi32> to vector<16xi32>
    tpu.vector_store %arg8[%swap3A_238], %swap3A_241 {strides = array<i32>} : memref<96xi32, #tpu.memory_space<vmem>>, vector<16xi32>,
    %get3A_242 = arith.constant 0 : index
    %get3A_243 = tpu.vector_load %arg6[%get3A_242] {strides = array<i32>} : memref<96xi32, #tpu.memory_space<vmem>>, vector<16xi32>,
    %get3A_244 = vector.shape_cast %get3A_243 : vector<16xi32> to vector<16xi32>
    %broadcast_in_dim3A_245 = arith.constant 16383 : i32
    %broadcast_in_dim3A_246 = vector.broadcast %broadcast_in_dim3A_245 : i32 to vector<16xi32>
    %and3A_247 = arith.andi %get3A_244, %broadcast_in_dim3A_246 : vector<16xi32>
    %swap3A_248 = arith.constant 0 : index
    %swap3A_249 = tpu.vector_load %arg16[%swap3A_248] {strides = array<i32>} : memref<16xi32, #tpu.memory_space<vmem>>, vector<16xi32>,
    %swap3A_250 = vector.shape_cast %swap3A_249 : vector<16xi32> to vector<16xi32>
    %swap3A_251 = vector.shape_cast %and3A_247 : vector<16xi32> to vector<16xi32>
    tpu.vector_store %arg16[%swap3A_248], %swap3A_251 {strides = array<i32>} : memref<16xi32, #tpu.memory_space<vmem>>, vector<16xi32>,
    %dma_start3A_252 = arith.constant 0 : i32
    %dma_start3A_253 = arith.constant 0 : i32
    %dma_start3A_254 = tpu.memref_slice %arg12[%dma_start3A_252, %dma_start3A_253] : memref<96x128xf32, #tpu.memory_space<vmem>> -> memref<16x128xf32, #tpu.memory_space<vmem>>
    %dma_start3A_255 = arith.constant 0 : i32
    %dma_start3A_256 = tpu.memref_slice %arg8[%dma_start3A_255] : memref<96xi32, #tpu.memory_space<vmem>> -> memref<16xi32, #tpu.memory_space<vmem>>
    %dma_start3A_257 = arith.constant 0 : i32
    %dma_start3A_258 = arith.constant 0 : i32
    %dma_start3A_259 = tpu.memref_slice %arg2[%dma_start3A_257, %dma_start3A_258] : memref<10000x128xf32, #tpu.memory_space<hbm>> -> memref<10000x128xf32, #tpu.memory_space<hbm>>
    tpu.enqueue_indirect_dma source(%dma_start3A_259 : memref<10000x128xf32, #tpu.memory_space<hbm>>) target(%dma_start3A_254 : memref<16x128xf32, #tpu.memory_space<vmem>>) offsets(%dma_start3A_256 : memref<16xi32, #tpu.memory_space<vmem>>) semaphore(%arg20 : memref<!tpu.dma_semaphore, #tpu.memory_space<semaphore_mem>>)
    %dma_wait3A_260 = arith.constant 0 : i32
    %dma_wait3A_261 = arith.constant 0 : i32
    %dma_wait3A_262 = tpu.memref_slice %arg12[%dma_wait3A_260, %dma_wait3A_261] : memref<96x128xf32, #tpu.memory_space<vmem>> -> memref<16x128xf32, #tpu.memory_space<vmem>>
    %dma_wait3A_263 = arith.constant 0 : i32
    %dma_wait3A_264 = tpu.memref_slice %arg8[%dma_wait3A_263] : memref<96xi32, #tpu.memory_space<vmem>> -> memref<16xi32, #tpu.memory_space<vmem>>
    %dma_wait3A_265 = arith.constant 0 : i32
    %dma_wait3A_266 = arith.constant 0 : i32
    %dma_wait3A_267 = tpu.memref_slice %arg2[%dma_wait3A_265, %dma_wait3A_266] : memref<10000x128xf32, #tpu.memory_space<hbm>> -> memref<10000x128xf32, #tpu.memory_space<hbm>>
    tpu.wait_indirect_dma semaphore(%arg20 : memref<!tpu.dma_semaphore, #tpu.memory_space<semaphore_mem>>) src(%dma_wait3A_267 : memref<10000x128xf32, #tpu.memory_space<hbm>>) dst(%dma_wait3A_262 : memref<16x128xf32, #tpu.memory_space<vmem>>)
    %dma_wait3A_268 = arith.constant 0 : i32
    %dma_wait3A_269 = arith.constant 0 : i32
    %dma_wait3A_270 = tpu.memref_slice %arg14[%dma_wait3A_268, %dma_wait3A_269] : memref<96x128xf32, #tpu.memory_space<vmem>> -> memref<16x128xf32, #tpu.memory_space<vmem>>
    %dma_wait3A_271 = arith.constant 0 : i32
    %dma_wait3A_272 = arith.constant 0 : i32
    %dma_wait3A_273 = tpu.memref_slice %arg4[%dma_wait3A_271, %dma_wait3A_272] : memref<320000x128xf32, #tpu.memory_space<hbm>> -> memref<16x128xf32, #tpu.memory_space<hbm>>
    %dma_wait3A_274 = arith.constant 0 : i32
    %dma_wait3A_275 = arith.constant 0 : i32
    %dma_wait3A_276 = tpu.memref_slice %arg14[%dma_wait3A_274, %dma_wait3A_275] : memref<96x128xf32, #tpu.memory_space<vmem>> -> memref<16x128xf32, #tpu.memory_space<vmem>>
    %dma_wait3A_277 = arith.constant 0 : i32
    %dma_wait3A_278 = arith.constant 0 : i32
    %dma_wait3A_279 = tpu.memref_slice %arg4[%dma_wait3A_277, %dma_wait3A_278] : memref<320000x128xf32, #tpu.memory_space<hbm>> -> memref<16x128xf32, #tpu.memory_space<hbm>>
    tpu.wait_dma2 semaphore(%arg22 : memref<!tpu.dma_semaphore, #tpu.memory_space<semaphore_mem>>) src(%dma_wait3A_279 : memref<16x128xf32, #tpu.memory_space<hbm>>) dst(%dma_wait3A_276 : memref<16x128xf32, #tpu.memory_space<vmem>>)
    %scan3A_280 = arith.constant 0 : i32
    %scan3A_281 = arith.constant 0 : i32
    %scan3A_282 = arith.constant 16 : i32
    %scan3A_283 = arith.addi %scan3A_281, %scan3A_282 : i32
    %scan3A_284 = arith.constant 1 : i32
    %scan3A_285 = scf.for %scan3A_359 = %scan3A_281 to %scan3A_283 step %scan3A_284 iter_args(%scan3A_360 = %scan3A_280) -> (i32)  : i32 {
      %get3A_361 = arith.index_cast %scan3A_359 : i32 to index
      %get3A_362 = arith.constant 0 : index
      %get3A_363 = tpu.vector_load %arg14[%get3A_361, %get3A_362] {strides = array<i32>} : memref<96x128xf32, #tpu.memory_space<vmem>>, vector<1x16xf32>,
      %get3A_364 = vector.shape_cast %get3A_363 : vector<1x16xf32> to vector<16xf32>
      %get3A_365 = arith.index_cast %scan3A_359 : i32 to index
      %get3A_366 = arith.constant 0 : index
      %get3A_367 = tpu.vector_load %arg12[%get3A_365, %get3A_366] {strides = array<i32>} : memref<96x128xf32, #tpu.memory_space<vmem>>, vector<1x16xf32>,
      %get3A_368 = vector.shape_cast %get3A_367 : vector<1x16xf32> to vector<16xf32>
      %add3A_369 = arith.addf %get3A_364, %get3A_368 : vector<16xf32>
      %max3A = arith.constant 0.000000e+00 : f32
      %max3A_370 = vector.broadcast %max3A : f32 to vector<16xf32>
      %max3A_371 = arith.maximumf %add3A_369, %max3A_370 : vector<16xf32>
      %swap3A_372 = arith.index_cast %scan3A_359 : i32 to index
      %swap3A_373 = arith.constant 0 : index
      %swap3A_374 = tpu.vector_load %arg14[%swap3A_372, %swap3A_373] {strides = array<i32>} : memref<96x128xf32, #tpu.memory_space<vmem>>, vector<1x16xf32>,
      %swap3A_375 = vector.shape_cast %swap3A_374 : vector<1x16xf32> to vector<16xf32>
      %swap3A_376 = vector.shape_cast %max3A_371 : vector<16xf32> to vector<1x16xf32>
      tpu.vector_store %arg14[%swap3A_372, %swap3A_373], %swap3A_376 {strides = array<i32>} : memref<96x128xf32, #tpu.memory_space<vmem>>, vector<1x16xf32>,
      %get3A_377 = arith.index_cast %scan3A_359 : i32 to index
      %get3A_378 = arith.constant 16 : index
      %get3A_379 = tpu.vector_load %arg14[%get3A_377, %get3A_378] {strides = array<i32>} : memref<96x128xf32, #tpu.memory_space<vmem>>, vector<1x16xf32>,
      %get3A_380 = vector.shape_cast %get3A_379 : vector<1x16xf32> to vector<16xf32>
      %get3A_381 = arith.index_cast %scan3A_359 : i32 to index
      %get3A_382 = arith.constant 16 : index
      %get3A_383 = tpu.vector_load %arg12[%get3A_381, %get3A_382] {strides = array<i32>} : memref<96x128xf32, #tpu.memory_space<vmem>>, vector<1x16xf32>,
      %get3A_384 = vector.shape_cast %get3A_383 : vector<1x16xf32> to vector<16xf32>
      %add3A_385 = arith.addf %get3A_380, %get3A_384 : vector<16xf32>
      %max3A_386 = arith.constant 0.000000e+00 : f32
      %max3A_387 = vector.broadcast %max3A_386 : f32 to vector<16xf32>
      %max3A_388 = arith.maximumf %add3A_385, %max3A_387 : vector<16xf32>
      %swap3A_389 = arith.index_cast %scan3A_359 : i32 to index
      %swap3A_390 = arith.constant 16 : index
      %swap3A_391 = tpu.vector_load %arg14[%swap3A_389, %swap3A_390] {strides = array<i32>} : memref<96x128xf32, #tpu.memory_space<vmem>>, vector<1x16xf32>,
      %swap3A_392 = vector.shape_cast %swap3A_391 : vector<1x16xf32> to vector<16xf32>
      %swap3A_393 = vector.shape_cast %max3A_388 : vector<16xf32> to vector<1x16xf32>
      tpu.vector_store %arg14[%swap3A_389, %swap3A_390], %swap3A_393 {strides = array<i32>} : memref<96x128xf32, #tpu.memory_space<vmem>>, vector<1x16xf32>,
      %get3A_394 = arith.index_cast %scan3A_359 : i32 to index
      %get3A_395 = arith.constant 32 : index
      %get3A_396 = tpu.vector_load %arg14[%get3A_394, %get3A_395] {strides = array<i32>} : memref<96x128xf32, #tpu.memory_space<vmem>>, vector<1x16xf32>,
      %get3A_397 = vector.shape_cast %get3A_396 : vector<1x16xf32> to vector<16xf32>
      %get3A_398 = arith.index_cast %scan3A_359 : i32 to index
      %get3A_399 = arith.constant 32 : index
      %get3A_400 = tpu.vector_load %arg12[%get3A_398, %get3A_399] {strides = array<i32>} : memref<96x128xf32, #tpu.memory_space<vmem>>, vector<1x16xf32>,
      %get3A_401 = vector.shape_cast %get3A_400 : vector<1x16xf32> to vector<16xf32>
      %add3A_402 = arith.addf %get3A_397, %get3A_401 : vector<16xf32>
      %max3A_403 = arith.constant 0.000000e+00 : f32
      %max3A_404 = vector.broadcast %max3A_403 : f32 to vector<16xf32>
      %max3A_405 = arith.maximumf %add3A_402, %max3A_404 : vector<16xf32>
      %swap3A_406 = arith.index_cast %scan3A_359 : i32 to index
      %swap3A_407 = arith.constant 32 : index
      %swap3A_408 = tpu.vector_load %arg14[%swap3A_406, %swap3A_407] {strides = array<i32>} : memref<96x128xf32, #tpu.memory_space<vmem>>, vector<1x16xf32>,
      %swap3A_409 = vector.shape_cast %swap3A_408 : vector<1x16xf32> to vector<16xf32>
      %swap3A_410 = vector.shape_cast %max3A_405 : vector<16xf32> to vector<1x16xf32>
      tpu.vector_store %arg14[%swap3A_406, %swap3A_407], %swap3A_410 {strides = array<i32>} : memref<96x128xf32, #tpu.memory_space<vmem>>, vector<1x16xf32>,
      %get3A_411 = arith.index_cast %scan3A_359 : i32 to index
      %get3A_412 = arith.constant 48 : index
      %get3A_413 = tpu.vector_load %arg14[%get3A_411, %get3A_412] {strides = array<i32>} : memref<96x128xf32, #tpu.memory_space<vmem>>, vector<1x16xf32>,
      %get3A_414 = vector.shape_cast %get3A_413 : vector<1x16xf32> to vector<16xf32>
      %get3A_415 = arith.index_cast %scan3A_359 : i32 to index
      %get3A_416 = arith.constant 48 : index
      %get3A_417 = tpu.vector_load %arg12[%get3A_415, %get3A_416] {strides = array<i32>} : memref<96x128xf32, #tpu.memory_space<vmem>>, vector<1x16xf32>,
      %get3A_418 = vector.shape_cast %get3A_417 : vector<1x16xf32> to vector<16xf32>
      %add3A_419 = arith.addf %get3A_414, %get3A_418 : vector<16xf32>
      %max3A_420 = arith.constant 0.000000e+00 : f32
      %max3A_421 = vector.broadcast %max3A_420 : f32 to vector<16xf32>
      %max3A_422 = arith.maximumf %add3A_419, %max3A_421 : vector<16xf32>
      %swap3A_423 = arith.index_cast %scan3A_359 : i32 to index
      %swap3A_424 = arith.constant 48 : index
      %swap3A_425 = tpu.vector_load %arg14[%swap3A_423, %swap3A_424] {strides = array<i32>} : memref<96x128xf32, #tpu.memory_space<vmem>>, vector<1x16xf32>,
      %swap3A_426 = vector.shape_cast %swap3A_425 : vector<1x16xf32> to vector<16xf32>
      %swap3A_427 = vector.shape_cast %max3A_422 : vector<16xf32> to vector<1x16xf32>
      tpu.vector_store %arg14[%swap3A_423, %swap3A_424], %swap3A_427 {strides = array<i32>} : memref<96x128xf32, #tpu.memory_space<vmem>>, vector<1x16xf32>,
      %get3A_428 = arith.index_cast %scan3A_359 : i32 to index
      %get3A_429 = arith.constant 64 : index
      %get3A_430 = tpu.vector_load %arg14[%get3A_428, %get3A_429] {strides = array<i32>} : memref<96x128xf32, #tpu.memory_space<vmem>>, vector<1x16xf32>,
      %get3A_431 = vector.shape_cast %get3A_430 : vector<1x16xf32> to vector<16xf32>
      %get3A_432 = arith.index_cast %scan3A_359 : i32 to index
      %get3A_433 = arith.constant 64 : index
      %get3A_434 = tpu.vector_load %arg12[%get3A_432, %get3A_433] {strides = array<i32>} : memref<96x128xf32, #tpu.memory_space<vmem>>, vector<1x16xf32>,
      %get3A_435 = vector.shape_cast %get3A_434 : vector<1x16xf32> to vector<16xf32>
      %add3A_436 = arith.addf %get3A_431, %get3A_435 : vector<16xf32>
      %max3A_437 = arith.constant 0.000000e+00 : f32
      %max3A_438 = vector.broadcast %max3A_437 : f32 to vector<16xf32>
      %max3A_439 = arith.maximumf %add3A_436, %max3A_438 : vector<16xf32>
      %swap3A_440 = arith.index_cast %scan3A_359 : i32 to index
      %swap3A_441 = arith.constant 64 : index
      %swap3A_442 = tpu.vector_load %arg14[%swap3A_440, %swap3A_441] {strides = array<i32>} : memref<96x128xf32, #tpu.memory_space<vmem>>, vector<1x16xf32>,
      %swap3A_443 = vector.shape_cast %swap3A_442 : vector<1x16xf32> to vector<16xf32>
      %swap3A_444 = vector.shape_cast %max3A_439 : vector<16xf32> to vector<1x16xf32>
      tpu.vector_store %arg14[%swap3A_440, %swap3A_441], %swap3A_444 {strides = array<i32>} : memref<96x128xf32, #tpu.memory_space<vmem>>, vector<1x16xf32>,
      %get3A_445 = arith.index_cast %scan3A_359 : i32 to index
      %get3A_446 = arith.constant 80 : index
      %get3A_447 = tpu.vector_load %arg14[%get3A_445, %get3A_446] {strides = array<i32>} : memref<96x128xf32, #tpu.memory_space<vmem>>, vector<1x16xf32>,
      %get3A_448 = vector.shape_cast %get3A_447 : vector<1x16xf32> to vector<16xf32>
      %get3A_449 = arith.index_cast %scan3A_359 : i32 to index
      %get3A_450 = arith.constant 80 : index
      %get3A_451 = tpu.vector_load %arg12[%get3A_449, %get3A_450] {strides = array<i32>} : memref<96x128xf32, #tpu.memory_space<vmem>>, vector<1x16xf32>,
      %get3A_452 = vector.shape_cast %get3A_451 : vector<1x16xf32> to vector<16xf32>
      %add3A_453 = arith.addf %get3A_448, %get3A_452 : vector<16xf32>
      %max3A_454 = arith.constant 0.000000e+00 : f32
      %max3A_455 = vector.broadcast %max3A_454 : f32 to vector<16xf32>
      %max3A_456 = arith.maximumf %add3A_453, %max3A_455 : vector<16xf32>
      %swap3A_457 = arith.index_cast %scan3A_359 : i32 to index
      %swap3A_458 = arith.constant 80 : index
      %swap3A_459 = tpu.vector_load %arg14[%swap3A_457, %swap3A_458] {strides = array<i32>} : memref<96x128xf32, #tpu.memory_space<vmem>>, vector<1x16xf32>,
      %swap3A_460 = vector.shape_cast %swap3A_459 : vector<1x16xf32> to vector<16xf32>
      %swap3A_461 = vector.shape_cast %max3A_456 : vector<16xf32> to vector<1x16xf32>
      tpu.vector_store %arg14[%swap3A_457, %swap3A_458], %swap3A_461 {strides = array<i32>} : memref<96x128xf32, #tpu.memory_space<vmem>>, vector<1x16xf32>,
      %get3A_462 = arith.index_cast %scan3A_359 : i32 to index
      %get3A_463 = arith.constant 96 : index
      %get3A_464 = tpu.vector_load %arg14[%get3A_462, %get3A_463] {strides = array<i32>} : memref<96x128xf32, #tpu.memory_space<vmem>>, vector<1x16xf32>,
      %get3A_465 = vector.shape_cast %get3A_464 : vector<1x16xf32> to vector<16xf32>
      %get3A_466 = arith.index_cast %scan3A_359 : i32 to index
      %get3A_467 = arith.constant 96 : index
      %get3A_468 = tpu.vector_load %arg12[%get3A_466, %get3A_467] {strides = array<i32>} : memref<96x128xf32, #tpu.memory_space<vmem>>, vector<1x16xf32>,
      %get3A_469 = vector.shape_cast %get3A_468 : vector<1x16xf32> to vector<16xf32>
      %add3A_470 = arith.addf %get3A_465, %get3A_469 : vector<16xf32>
      %max3A_471 = arith.constant 0.000000e+00 : f32
      %max3A_472 = vector.broadcast %max3A_471 : f32 to vector<16xf32>
      %max3A_473 = arith.maximumf %add3A_470, %max3A_472 : vector<16xf32>
      %swap3A_474 = arith.index_cast %scan3A_359 : i32 to index
      %swap3A_475 = arith.constant 96 : index
      %swap3A_476 = tpu.vector_load %arg14[%swap3A_474, %swap3A_475] {strides = array<i32>} : memref<96x128xf32, #tpu.memory_space<vmem>>, vector<1x16xf32>,
      %swap3A_477 = vector.shape_cast %swap3A_476 : vector<1x16xf32> to vector<16xf32>
      %swap3A_478 = vector.shape_cast %max3A_473 : vector<16xf32> to vector<1x16xf32>
      tpu.vector_store %arg14[%swap3A_474, %swap3A_475], %swap3A_478 {strides = array<i32>} : memref<96x128xf32, #tpu.memory_space<vmem>>, vector<1x16xf32>,
      %get3A_479 = arith.index_cast %scan3A_359 : i32 to index
      %get3A_480 = arith.constant 112 : index
      %get3A_481 = tpu.vector_load %arg14[%get3A_479, %get3A_480] {strides = array<i32>} : memref<96x128xf32, #tpu.memory_space<vmem>>, vector<1x16xf32>,
      %get3A_482 = vector.shape_cast %get3A_481 : vector<1x16xf32> to vector<16xf32>
      %get3A_483 = arith.index_cast %scan3A_359 : i32 to index
      %get3A_484 = arith.constant 112 : index
      %get3A_485 = tpu.vector_load %arg12[%get3A_483, %get3A_484] {strides = array<i32>} : memref<96x128xf32, #tpu.memory_space<vmem>>, vector<1x16xf32>,
      %get3A_486 = vector.shape_cast %get3A_485 : vector<1x16xf32> to vector<16xf32>
      %add3A_487 = arith.addf %get3A_482, %get3A_486 : vector<16xf32>
      %max3A_488 = arith.constant 0.000000e+00 : f32
      %max3A_489 = vector.broadcast %max3A_488 : f32 to vector<16xf32>
      %max3A_490 = arith.maximumf %add3A_487, %max3A_489 : vector<16xf32>
      %swap3A_491 = arith.index_cast %scan3A_359 : i32 to index
      %swap3A_492 = arith.constant 112 : index
      %swap3A_493 = tpu.vector_load %arg14[%swap3A_491, %swap3A_492] {strides = array<i32>} : memref<96x128xf32, #tpu.memory_space<vmem>>, vector<1x16xf32>,
      %swap3A_494 = vector.shape_cast %swap3A_493 : vector<1x16xf32> to vector<16xf32>
      %swap3A_495 = vector.shape_cast %max3A_490 : vector<16xf32> to vector<1x16xf32>
      tpu.vector_store %arg14[%swap3A_491, %swap3A_492], %swap3A_495 {strides = array<i32>} : memref<96x128xf32, #tpu.memory_space<vmem>>, vector<1x16xf32>,
      %scan3A_496 = arith.constant 0 : i32
      scf.yield %scan3A_496 : i32
    }
    %scan3A_286 = arith.constant 16 : i32
    %dma_start3A_287 = arith.constant 0 : i32
    %dma_start3A_288 = arith.constant 0 : i32
    %dma_start3A_289 = tpu.memref_slice %arg14[%dma_start3A_287, %dma_start3A_288] : memref<96x128xf32, #tpu.memory_space<vmem>> -> memref<16x128xf32, #tpu.memory_space<vmem>>
    %dma_start3A_290 = arith.constant 0 : i32
    %dma_start3A_291 = arith.constant 0 : i32
    %dma_start3A_292 = tpu.memref_slice %arg17[%dma_start3A_290, %dma_start3A_291] : memref<10000x128xf32, #tpu.memory_space<vmem_shared>> -> memref<10000x128xf32, #tpu.memory_space<vmem_shared>>
    tpu.enqueue_indirect_dma source(%dma_start3A_289 : memref<16x128xf32, #tpu.memory_space<vmem>>) target(%dma_start3A_292 : memref<10000x128xf32, #tpu.memory_space<vmem_shared>>) offsets(%arg16 : memref<16xi32, #tpu.memory_space<vmem>>) semaphore(%arg24 : memref<!tpu.dma_semaphore, #tpu.memory_space<semaphore_mem>>) {add = true}
    %dma_wait3A_293 = arith.constant 0 : i32
    %dma_wait3A_294 = arith.constant 0 : i32
    %dma_wait3A_295 = tpu.memref_slice %arg14[%dma_wait3A_293, %dma_wait3A_294] : memref<96x128xf32, #tpu.memory_space<vmem>> -> memref<16x128xf32, #tpu.memory_space<vmem>>
    %dma_wait3A_296 = arith.constant 0 : i32
    %dma_wait3A_297 = arith.constant 0 : i32
    %dma_wait3A_298 = tpu.memref_slice %arg17[%dma_wait3A_296, %dma_wait3A_297] : memref<10000x128xf32, #tpu.memory_space<vmem_shared>> -> memref<10000x128xf32, #tpu.memory_space<vmem_shared>>
    tpu.wait_indirect_dma semaphore(%arg24 : memref<!tpu.dma_semaphore, #tpu.memory_space<semaphore_mem>>) src(%dma_wait3A_295 : memref<16x128xf32, #tpu.memory_space<vmem>>) dst(%dma_wait3A_298 : memref<10000x128xf32, #tpu.memory_space<vmem_shared>>)
    %dma_wait3A_299 = arith.constant 0 : i32
    %dma_wait3A_300 = arith.constant 0 : i32
    %dma_wait3A_301 = tpu.memref_slice %arg17[%dma_wait3A_299, %dma_wait3A_300] : memref<10000x128xf32, #tpu.memory_space<vmem_shared>> -> memref<10000x128xf32, #tpu.memory_space<vmem_shared>>
    tpu.wait_indirect_dma semaphore(%arg25 : memref<!tpu.dma_semaphore, #tpu.memory_space<semaphore_mem>>) src(%arg15 : memref<96x128xf32, #tpu.memory_space<vmem>>) dst(%dma_wait3A_301 : memref<10000x128xf32, #tpu.memory_space<vmem_shared>>)
    %barrier3A_302 = arith.constant 0 : index
    tpu.barrier barrier_id(%barrier3A_302)
    %add3A_303 = arith.constant 0 : i32
    %add3A_304 = arith.addi %arg1, %add3A_303 : i32
    %lt3A_305 = arith.constant 125 : i32
    %lt3A_306 = arith.cmpi slt, %add3A_304, %lt3A_305 : i32
    %convert_element_type3A_307 = arith.extui %lt3A_306 : i1 to i32
    %cond3A_308 = arith.constant 0 : i32
    %cond3A_309 = arith.cmpi ne, %convert_element_type3A_307, %cond3A_308 : i32
    scf.if %cond3A_309 {
      %mul3A_359 = arith.constant 80 : i32
      %mul3A_360 = arith.muli %add3A_304, %mul3A_359 : i32
      %mul3A_361 = arith.constant 80 : i32
      %mul3A_362 = arith.muli %add3A_304, %mul3A_361 : i32
      "tpu.region"() ({
        %run_scoped3A = tpu.sem_alloc : memref<!tpu.dma_semaphore, #tpu.memory_space<semaphore_mem>>
        %dma_start3A_363 = arith.constant 0 : i32
        %dma_start3A_364 = tpu.memref_slice %arg5[%arg0, %mul3A_362, %dma_start3A_363] : memref<2x10000x128xf32, #tpu.memory_space<hbm>> -> memref<1x80x128xf32, #tpu.memory_space<hbm>>
        %dma_start3A_365 = tpu.memref_squeeze %dma_start3A_364 : memref<1x80x128xf32, #tpu.memory_space<hbm>> -> memref<80x128xf32, #tpu.memory_space<hbm>>
        %dma_start3A_366 = arith.constant 0 : i32
        %dma_start3A_367 = tpu.memref_slice %arg17[%mul3A_360, %dma_start3A_366] : memref<10000x128xf32, #tpu.memory_space<vmem_shared>> -> memref<80x128xf32, #tpu.memory_space<vmem_shared>>
        tpu.enqueue_dma source(%dma_start3A_367 : memref<80x128xf32, #tpu.memory_space<vmem_shared>>) target(%dma_start3A_365 : memref<80x128xf32, #tpu.memory_space<hbm>>) target_semaphore(%run_scoped3A : memref<!tpu.dma_semaphore, #tpu.memory_space<semaphore_mem>>)
        %dma_wait3A_368 = arith.constant 0 : i32
        %dma_wait3A_369 = tpu.memref_slice %arg5[%arg0, %mul3A_362, %dma_wait3A_368] : memref<2x10000x128xf32, #tpu.memory_space<hbm>> -> memref<1x80x128xf32, #tpu.memory_space<hbm>>
        %dma_wait3A_370 = tpu.memref_squeeze %dma_wait3A_369 : memref<1x80x128xf32, #tpu.memory_space<hbm>> -> memref<80x128xf32, #tpu.memory_space<hbm>>
        %dma_wait3A_371 = arith.constant 0 : i32
        %dma_wait3A_372 = tpu.memref_slice %arg17[%mul3A_360, %dma_wait3A_371] : memref<10000x128xf32, #tpu.memory_space<vmem_shared>> -> memref<80x128xf32, #tpu.memory_space<vmem_shared>>
        tpu.wait_dma2 semaphore(%run_scoped3A : memref<!tpu.dma_semaphore, #tpu.memory_space<semaphore_mem>>) src(%dma_wait3A_372 : memref<80x128xf32, #tpu.memory_space<vmem_shared>>) dst(%dma_wait3A_370 : memref<80x128xf32, #tpu.memory_space<hbm>>)
        tpu.yield
      }) : () -> ()
    } else {
    }
    %add3A_310 = arith.constant 16 : i32
    %add3A_311 = arith.addi %arg1, %add3A_310 : i32
    %lt3A_312 = arith.constant 125 : i32
    %lt3A_313 = arith.cmpi slt, %add3A_311, %lt3A_312 : i32
    %convert_element_type3A_314 = arith.extui %lt3A_313 : i1 to i32
    %cond3A_315 = arith.constant 0 : i32
    %cond3A_316 = arith.cmpi ne, %convert_element_type3A_314, %cond3A_315 : i32
    scf.if %cond3A_316 {
      %mul3A_359 = arith.constant 80 : i32
      %mul3A_360 = arith.muli %add3A_311, %mul3A_359 : i32
      %mul3A_361 = arith.constant 80 : i32
      %mul3A_362 = arith.muli %add3A_311, %mul3A_361 : i32
      "tpu.region"() ({
        %run_scoped3A = tpu.sem_alloc : memref<!tpu.dma_semaphore, #tpu.memory_space<semaphore_mem>>
        %dma_start3A_363 = arith.constant 0 : i32
        %dma_start3A_364 = tpu.memref_slice %arg5[%arg0, %mul3A_362, %dma_start3A_363] : memref<2x10000x128xf32, #tpu.memory_space<hbm>> -> memref<1x80x128xf32, #tpu.memory_space<hbm>>
        %dma_start3A_365 = tpu.memref_squeeze %dma_start3A_364 : memref<1x80x128xf32, #tpu.memory_space<hbm>> -> memref<80x128xf32, #tpu.memory_space<hbm>>
        %dma_start3A_366 = arith.constant 0 : i32
        %dma_start3A_367 = tpu.memref_slice %arg17[%mul3A_360, %dma_start3A_366] : memref<10000x128xf32, #tpu.memory_space<vmem_shared>> -> memref<80x128xf32, #tpu.memory_space<vmem_shared>>
        tpu.enqueue_dma source(%dma_start3A_367 : memref<80x128xf32, #tpu.memory_space<vmem_shared>>) target(%dma_start3A_365 : memref<80x128xf32, #tpu.memory_space<hbm>>) target_semaphore(%run_scoped3A : memref<!tpu.dma_semaphore, #tpu.memory_space<semaphore_mem>>)
        %dma_wait3A_368 = arith.constant 0 : i32
        %dma_wait3A_369 = tpu.memref_slice %arg5[%arg0, %mul3A_362, %dma_wait3A_368] : memref<2x10000x128xf32, #tpu.memory_space<hbm>> -> memref<1x80x128xf32, #tpu.memory_space<hbm>>
        %dma_wait3A_370 = tpu.memref_squeeze %dma_wait3A_369 : memref<1x80x128xf32, #tpu.memory_space<hbm>> -> memref<80x128xf32, #tpu.memory_space<hbm>>
        %dma_wait3A_371 = arith.constant 0 : i32
        %dma_wait3A_372 = tpu.memref_slice %arg17[%mul3A_360, %dma_wait3A_371] : memref<10000x128xf32, #tpu.memory_space<vmem_shared>> -> memref<80x128xf32, #tpu.memory_space<vmem_shared>>
        tpu.wait_dma2 semaphore(%run_scoped3A : memref<!tpu.dma_semaphore, #tpu.memory_space<semaphore_mem>>) src(%dma_wait3A_372 : memref<80x128xf32, #tpu.memory_space<vmem_shared>>) dst(%dma_wait3A_370 : memref<80x128xf32, #tpu.memory_space<hbm>>)
        tpu.yield
      }) : () -> ()
    } else {
    }
    %add3A_317 = arith.constant 32 : i32
    %add3A_318 = arith.addi %arg1, %add3A_317 : i32
    %lt3A_319 = arith.constant 125 : i32
    %lt3A_320 = arith.cmpi slt, %add3A_318, %lt3A_319 : i32
    %convert_element_type3A_321 = arith.extui %lt3A_320 : i1 to i32
    %cond3A_322 = arith.constant 0 : i32
    %cond3A_323 = arith.cmpi ne, %convert_element_type3A_321, %cond3A_322 : i32
    scf.if %cond3A_323 {
      %mul3A_359 = arith.constant 80 : i32
      %mul3A_360 = arith.muli %add3A_318, %mul3A_359 : i32
      %mul3A_361 = arith.constant 80 : i32
      %mul3A_362 = arith.muli %add3A_318, %mul3A_361 : i32
      "tpu.region"() ({
        %run_scoped3A = tpu.sem_alloc : memref<!tpu.dma_semaphore, #tpu.memory_space<semaphore_mem>>
        %dma_start3A_363 = arith.constant 0 : i32
        %dma_start3A_364 = tpu.memref_slice %arg5[%arg0, %mul3A_362, %dma_start3A_363] : memref<2x10000x128xf32, #tpu.memory_space<hbm>> -> memref<1x80x128xf32, #tpu.memory_space<hbm>>
        %dma_start3A_365 = tpu.memref_squeeze %dma_start3A_364 : memref<1x80x128xf32, #tpu.memory_space<hbm>> -> memref<80x128xf32, #tpu.memory_space<hbm>>
        %dma_start3A_366 = arith.constant 0 : i32
        %dma_start3A_367 = tpu.memref_slice %arg17[%mul3A_360, %dma_start3A_366] : memref<10000x128xf32, #tpu.memory_space<vmem_shared>> -> memref<80x128xf32, #tpu.memory_space<vmem_shared>>
        tpu.enqueue_dma source(%dma_start3A_367 : memref<80x128xf32, #tpu.memory_space<vmem_shared>>) target(%dma_start3A_365 : memref<80x128xf32, #tpu.memory_space<hbm>>) target_semaphore(%run_scoped3A : memref<!tpu.dma_semaphore, #tpu.memory_space<semaphore_mem>>)
        %dma_wait3A_368 = arith.constant 0 : i32
        %dma_wait3A_369 = tpu.memref_slice %arg5[%arg0, %mul3A_362, %dma_wait3A_368] : memref<2x10000x128xf32, #tpu.memory_space<hbm>> -> memref<1x80x128xf32, #tpu.memory_space<hbm>>
        %dma_wait3A_370 = tpu.memref_squeeze %dma_wait3A_369 : memref<1x80x128xf32, #tpu.memory_space<hbm>> -> memref<80x128xf32, #tpu.memory_space<hbm>>
        %dma_wait3A_371 = arith.constant 0 : i32
        %dma_wait3A_372 = tpu.memref_slice %arg17[%mul3A_360, %dma_wait3A_371] : memref<10000x128xf32, #tpu.memory_space<vmem_shared>> -> memref<80x128xf32, #tpu.memory_space<vmem_shared>>
        tpu.wait_dma2 semaphore(%run_scoped3A : memref<!tpu.dma_semaphore, #tpu.memory_space<semaphore_mem>>) src(%dma_wait3A_372 : memref<80x128xf32, #tpu.memory_space<vmem_shared>>) dst(%dma_wait3A_370 : memref<80x128xf32, #tpu.memory_space<hbm>>)
        tpu.yield
      }) : () -> ()
    } else {
    }
    %add3A_324 = arith.constant 48 : i32
    %add3A_325 = arith.addi %arg1, %add3A_324 : i32
    %lt3A_326 = arith.constant 125 : i32
    %lt3A_327 = arith.cmpi slt, %add3A_325, %lt3A_326 : i32
    %convert_element_type3A_328 = arith.extui %lt3A_327 : i1 to i32
    %cond3A_329 = arith.constant 0 : i32
    %cond3A_330 = arith.cmpi ne, %convert_element_type3A_328, %cond3A_329 : i32
    scf.if %cond3A_330 {
      %mul3A_359 = arith.constant 80 : i32
      %mul3A_360 = arith.muli %add3A_325, %mul3A_359 : i32
      %mul3A_361 = arith.constant 80 : i32
      %mul3A_362 = arith.muli %add3A_325, %mul3A_361 : i32
      "tpu.region"() ({
        %run_scoped3A = tpu.sem_alloc : memref<!tpu.dma_semaphore, #tpu.memory_space<semaphore_mem>>
        %dma_start3A_363 = arith.constant 0 : i32
        %dma_start3A_364 = tpu.memref_slice %arg5[%arg0, %mul3A_362, %dma_start3A_363] : memref<2x10000x128xf32, #tpu.memory_space<hbm>> -> memref<1x80x128xf32, #tpu.memory_space<hbm>>
        %dma_start3A_365 = tpu.memref_squeeze %dma_start3A_364 : memref<1x80x128xf32, #tpu.memory_space<hbm>> -> memref<80x128xf32, #tpu.memory_space<hbm>>
        %dma_start3A_366 = arith.constant 0 : i32
        %dma_start3A_367 = tpu.memref_slice %arg17[%mul3A_360, %dma_start3A_366] : memref<10000x128xf32, #tpu.memory_space<vmem_shared>> -> memref<80x128xf32, #tpu.memory_space<vmem_shared>>
        tpu.enqueue_dma source(%dma_start3A_367 : memref<80x128xf32, #tpu.memory_space<vmem_shared>>) target(%dma_start3A_365 : memref<80x128xf32, #tpu.memory_space<hbm>>) target_semaphore(%run_scoped3A : memref<!tpu.dma_semaphore, #tpu.memory_space<semaphore_mem>>)
        %dma_wait3A_368 = arith.constant 0 : i32
        %dma_wait3A_369 = tpu.memref_slice %arg5[%arg0, %mul3A_362, %dma_wait3A_368] : memref<2x10000x128xf32, #tpu.memory_space<hbm>> -> memref<1x80x128xf32, #tpu.memory_space<hbm>>
        %dma_wait3A_370 = tpu.memref_squeeze %dma_wait3A_369 : memref<1x80x128xf32, #tpu.memory_space<hbm>> -> memref<80x128xf32, #tpu.memory_space<hbm>>
        %dma_wait3A_371 = arith.constant 0 : i32
        %dma_wait3A_372 = tpu.memref_slice %arg17[%mul3A_360, %dma_wait3A_371] : memref<10000x128xf32, #tpu.memory_space<vmem_shared>> -> memref<80x128xf32, #tpu.memory_space<vmem_shared>>
        tpu.wait_dma2 semaphore(%run_scoped3A : memref<!tpu.dma_semaphore, #tpu.memory_space<semaphore_mem>>) src(%dma_wait3A_372 : memref<80x128xf32, #tpu.memory_space<vmem_shared>>) dst(%dma_wait3A_370 : memref<80x128xf32, #tpu.memory_space<hbm>>)
        tpu.yield
      }) : () -> ()
    } else {
    }
    %add3A_331 = arith.constant 64 : i32
    %add3A_332 = arith.addi %arg1, %add3A_331 : i32
    %lt3A_333 = arith.constant 125 : i32
    %lt3A_334 = arith.cmpi slt, %add3A_332, %lt3A_333 : i32
    %convert_element_type3A_335 = arith.extui %lt3A_334 : i1 to i32
    %cond3A_336 = arith.constant 0 : i32
    %cond3A_337 = arith.cmpi ne, %convert_element_type3A_335, %cond3A_336 : i32
    scf.if %cond3A_337 {
      %mul3A_359 = arith.constant 80 : i32
      %mul3A_360 = arith.muli %add3A_332, %mul3A_359 : i32
      %mul3A_361 = arith.constant 80 : i32
      %mul3A_362 = arith.muli %add3A_332, %mul3A_361 : i32
      "tpu.region"() ({
        %run_scoped3A = tpu.sem_alloc : memref<!tpu.dma_semaphore, #tpu.memory_space<semaphore_mem>>
        %dma_start3A_363 = arith.constant 0 : i32
        %dma_start3A_364 = tpu.memref_slice %arg5[%arg0, %mul3A_362, %dma_start3A_363] : memref<2x10000x128xf32, #tpu.memory_space<hbm>> -> memref<1x80x128xf32, #tpu.memory_space<hbm>>
        %dma_start3A_365 = tpu.memref_squeeze %dma_start3A_364 : memref<1x80x128xf32, #tpu.memory_space<hbm>> -> memref<80x128xf32, #tpu.memory_space<hbm>>
        %dma_start3A_366 = arith.constant 0 : i32
        %dma_start3A_367 = tpu.memref_slice %arg17[%mul3A_360, %dma_start3A_366] : memref<10000x128xf32, #tpu.memory_space<vmem_shared>> -> memref<80x128xf32, #tpu.memory_space<vmem_shared>>
        tpu.enqueue_dma source(%dma_start3A_367 : memref<80x128xf32, #tpu.memory_space<vmem_shared>>) target(%dma_start3A_365 : memref<80x128xf32, #tpu.memory_space<hbm>>) target_semaphore(%run_scoped3A : memref<!tpu.dma_semaphore, #tpu.memory_space<semaphore_mem>>)
        %dma_wait3A_368 = arith.constant 0 : i32
        %dma_wait3A_369 = tpu.memref_slice %arg5[%arg0, %mul3A_362, %dma_wait3A_368] : memref<2x10000x128xf32, #tpu.memory_space<hbm>> -> memref<1x80x128xf32, #tpu.memory_space<hbm>>
        %dma_wait3A_370 = tpu.memref_squeeze %dma_wait3A_369 : memref<1x80x128xf32, #tpu.memory_space<hbm>> -> memref<80x128xf32, #tpu.memory_space<hbm>>
        %dma_wait3A_371 = arith.constant 0 : i32
        %dma_wait3A_372 = tpu.memref_slice %arg17[%mul3A_360, %dma_wait3A_371] : memref<10000x128xf32, #tpu.memory_space<vmem_shared>> -> memref<80x128xf32, #tpu.memory_space<vmem_shared>>
        tpu.wait_dma2 semaphore(%run_scoped3A : memref<!tpu.dma_semaphore, #tpu.memory_space<semaphore_mem>>) src(%dma_wait3A_372 : memref<80x128xf32, #tpu.memory_space<vmem_shared>>) dst(%dma_wait3A_370 : memref<80x128xf32, #tpu.memory_space<hbm>>)
        tpu.yield
      }) : () -> ()
    } else {
    }
    %add3A_338 = arith.constant 80 : i32
    %add3A_339 = arith.addi %arg1, %add3A_338 : i32
    %lt3A_340 = arith.constant 125 : i32
    %lt3A_341 = arith.cmpi slt, %add3A_339, %lt3A_340 : i32
    %convert_element_type3A_342 = arith.extui %lt3A_341 : i1 to i32
    %cond3A_343 = arith.constant 0 : i32
    %cond3A_344 = arith.cmpi ne, %convert_element_type3A_342, %cond3A_343 : i32
    scf.if %cond3A_344 {
      %mul3A_359 = arith.constant 80 : i32
      %mul3A_360 = arith.muli %add3A_339, %mul3A_359 : i32
      %mul3A_361 = arith.constant 80 : i32
      %mul3A_362 = arith.muli %add3A_339, %mul3A_361 : i32
      "tpu.region"() ({
        %run_scoped3A = tpu.sem_alloc : memref<!tpu.dma_semaphore, #tpu.memory_space<semaphore_mem>>
        %dma_start3A_363 = arith.constant 0 : i32
        %dma_start3A_364 = tpu.memref_slice %arg5[%arg0, %mul3A_362, %dma_start3A_363] : memref<2x10000x128xf32, #tpu.memory_space<hbm>> -> memref<1x80x128xf32, #tpu.memory_space<hbm>>
        %dma_start3A_365 = tpu.memref_squeeze %dma_start3A_364 : memref<1x80x128xf32, #tpu.memory_space<hbm>> -> memref<80x128xf32, #tpu.memory_space<hbm>>
        %dma_start3A_366 = arith.constant 0 : i32
        %dma_start3A_367 = tpu.memref_slice %arg17[%mul3A_360, %dma_start3A_366] : memref<10000x128xf32, #tpu.memory_space<vmem_shared>> -> memref<80x128xf32, #tpu.memory_space<vmem_shared>>
        tpu.enqueue_dma source(%dma_start3A_367 : memref<80x128xf32, #tpu.memory_space<vmem_shared>>) target(%dma_start3A_365 : memref<80x128xf32, #tpu.memory_space<hbm>>) target_semaphore(%run_scoped3A : memref<!tpu.dma_semaphore, #tpu.memory_space<semaphore_mem>>)
        %dma_wait3A_368 = arith.constant 0 : i32
        %dma_wait3A_369 = tpu.memref_slice %arg5[%arg0, %mul3A_362, %dma_wait3A_368] : memref<2x10000x128xf32, #tpu.memory_space<hbm>> -> memref<1x80x128xf32, #tpu.memory_space<hbm>>
        %dma_wait3A_370 = tpu.memref_squeeze %dma_wait3A_369 : memref<1x80x128xf32, #tpu.memory_space<hbm>> -> memref<80x128xf32, #tpu.memory_space<hbm>>
        %dma_wait3A_371 = arith.constant 0 : i32
        %dma_wait3A_372 = tpu.memref_slice %arg17[%mul3A_360, %dma_wait3A_371] : memref<10000x128xf32, #tpu.memory_space<vmem_shared>> -> memref<80x128xf32, #tpu.memory_space<vmem_shared>>
        tpu.wait_dma2 semaphore(%run_scoped3A : memref<!tpu.dma_semaphore, #tpu.memory_space<semaphore_mem>>) src(%dma_wait3A_372 : memref<80x128xf32, #tpu.memory_space<vmem_shared>>) dst(%dma_wait3A_370 : memref<80x128xf32, #tpu.memory_space<hbm>>)
        tpu.yield
      }) : () -> ()
    } else {
    }
    %add3A_345 = arith.constant 96 : i32
    %add3A_346 = arith.addi %arg1, %add3A_345 : i32
    %lt3A_347 = arith.constant 125 : i32
    %lt3A_348 = arith.cmpi slt, %add3A_346, %lt3A_347 : i32
    %convert_element_type3A_349 = arith.extui %lt3A_348 : i1 to i32
    %cond3A_350 = arith.constant 0 : i32
    %cond3A_351 = arith.cmpi ne, %convert_element_type3A_349, %cond3A_350 : i32
    scf.if %cond3A_351 {
      %mul3A_359 = arith.constant 80 : i32
      %mul3A_360 = arith.muli %add3A_346, %mul3A_359 : i32
      %mul3A_361 = arith.constant 80 : i32
      %mul3A_362 = arith.muli %add3A_346, %mul3A_361 : i32
      "tpu.region"() ({
        %run_scoped3A = tpu.sem_alloc : memref<!tpu.dma_semaphore, #tpu.memory_space<semaphore_mem>>
        %dma_start3A_363 = arith.constant 0 : i32
        %dma_start3A_364 = tpu.memref_slice %arg5[%arg0, %mul3A_362, %dma_start3A_363] : memref<2x10000x128xf32, #tpu.memory_space<hbm>> -> memref<1x80x128xf32, #tpu.memory_space<hbm>>
        %dma_start3A_365 = tpu.memref_squeeze %dma_start3A_364 : memref<1x80x128xf32, #tpu.memory_space<hbm>> -> memref<80x128xf32, #tpu.memory_space<hbm>>
        %dma_start3A_366 = arith.constant 0 : i32
        %dma_start3A_367 = tpu.memref_slice %arg17[%mul3A_360, %dma_start3A_366] : memref<10000x128xf32, #tpu.memory_space<vmem_shared>> -> memref<80x128xf32, #tpu.memory_space<vmem_shared>>
        tpu.enqueue_dma source(%dma_start3A_367 : memref<80x128xf32, #tpu.memory_space<vmem_shared>>) target(%dma_start3A_365 : memref<80x128xf32, #tpu.memory_space<hbm>>) target_semaphore(%run_scoped3A : memref<!tpu.dma_semaphore, #tpu.memory_space<semaphore_mem>>)
        %dma_wait3A_368 = arith.constant 0 : i32
        %dma_wait3A_369 = tpu.memref_slice %arg5[%arg0, %mul3A_362, %dma_wait3A_368] : memref<2x10000x128xf32, #tpu.memory_space<hbm>> -> memref<1x80x128xf32, #tpu.memory_space<hbm>>
        %dma_wait3A_370 = tpu.memref_squeeze %dma_wait3A_369 : memref<1x80x128xf32, #tpu.memory_space<hbm>> -> memref<80x128xf32, #tpu.memory_space<hbm>>
        %dma_wait3A_371 = arith.constant 0 : i32
        %dma_wait3A_372 = tpu.memref_slice %arg17[%mul3A_360, %dma_wait3A_371] : memref<10000x128xf32, #tpu.memory_space<vmem_shared>> -> memref<80x128xf32, #tpu.memory_space<vmem_shared>>
        tpu.wait_dma2 semaphore(%run_scoped3A : memref<!tpu.dma_semaphore, #tpu.memory_space<semaphore_mem>>) src(%dma_wait3A_372 : memref<80x128xf32, #tpu.memory_space<vmem_shared>>) dst(%dma_wait3A_370 : memref<80x128xf32, #tpu.memory_space<hbm>>)
        tpu.yield
      }) : () -> ()
    } else {
    }
    %add3A_352 = arith.constant 112 : i32
    %add3A_353 = arith.addi %arg1, %add3A_352 : i32
    %lt3A_354 = arith.constant 125 : i32
    %lt3A_355 = arith.cmpi slt, %add3A_353, %lt3A_354 : i32
    %convert_element_type3A_356 = arith.extui %lt3A_355 : i1 to i32
    %cond3A_357 = arith.constant 0 : i32
    %cond3A_358 = arith.cmpi ne, %convert_element_type3A_356, %cond3A_357 : i32
    scf.if %cond3A_358 {
      %mul3A_359 = arith.constant 80 : i32
      %mul3A_360 = arith.muli %add3A_353, %mul3A_359 : i32
      %mul3A_361 = arith.constant 80 : i32
      %mul3A_362 = arith.muli %add3A_353, %mul3A_361 : i32
      "tpu.region"() ({
        %run_scoped3A = tpu.sem_alloc : memref<!tpu.dma_semaphore, #tpu.memory_space<semaphore_mem>>
        %dma_start3A_363 = arith.constant 0 : i32
        %dma_start3A_364 = tpu.memref_slice %arg5[%arg0, %mul3A_362, %dma_start3A_363] : memref<2x10000x128xf32, #tpu.memory_space<hbm>> -> memref<1x80x128xf32, #tpu.memory_space<hbm>>
        %dma_start3A_365 = tpu.memref_squeeze %dma_start3A_364 : memref<1x80x128xf32, #tpu.memory_space<hbm>> -> memref<80x128xf32, #tpu.memory_space<hbm>>
        %dma_start3A_366 = arith.constant 0 : i32
        %dma_start3A_367 = tpu.memref_slice %arg17[%mul3A_360, %dma_start3A_366] : memref<10000x128xf32, #tpu.memory_space<vmem_shared>> -> memref<80x128xf32, #tpu.memory_space<vmem_shared>>
        tpu.enqueue_dma source(%dma_start3A_367 : memref<80x128xf32, #tpu.memory_space<vmem_shared>>) target(%dma_start3A_365 : memref<80x128xf32, #tpu.memory_space<hbm>>) target_semaphore(%run_scoped3A : memref<!tpu.dma_semaphore, #tpu.memory_space<semaphore_mem>>)
        %dma_wait3A_368 = arith.constant 0 : i32
        %dma_wait3A_369 = tpu.memref_slice %arg5[%arg0, %mul3A_362, %dma_wait3A_368] : memref<2x10000x128xf32, #tpu.memory_space<hbm>> -> memref<1x80x128xf32, #tpu.memory_space<hbm>>
        %dma_wait3A_370 = tpu.memref_squeeze %dma_wait3A_369 : memref<1x80x128xf32, #tpu.memory_space<hbm>> -> memref<80x128xf32, #tpu.memory_space<hbm>>
        %dma_wait3A_371 = arith.constant 0 : i32
        %dma_wait3A_372 = tpu.memref_slice %arg17[%mul3A_360, %dma_wait3A_371] : memref<10000x128xf32, #tpu.memory_space<vmem_shared>> -> memref<80x128xf32, #tpu.memory_space<vmem_shared>>
        tpu.wait_dma2 semaphore(%run_scoped3A : memref<!tpu.dma_semaphore, #tpu.memory_space<semaphore_mem>>) src(%dma_wait3A_372 : memref<80x128xf32, #tpu.memory_space<vmem_shared>>) dst(%dma_wait3A_370 : memref<80x128xf32, #tpu.memory_space<hbm>>)
        tpu.yield
      }) : () -> ()
    } else {
    }
    return
  }
}

module attributes {stable_mosaic.version = 14 : i64} {
  func.func @_tc_mlp_body(%arg0: memref<1xf32, #tpu.memory_space<smem>>, %arg1: memref<10000x128xf32, #tpu.memory_space<vmem>>, %arg2: memref<2x10000x128xf32, #tpu.memory_space<vmem>>, %arg3: memref<128x128xf32, #tpu.memory_space<vmem>>, %arg4: memref<1x128xf32, #tpu.memory_space<vmem>>, %arg5: memref<1x128xf32, #tpu.memory_space<vmem>>, %arg6: memref<1x128xf32, #tpu.memory_space<vmem>>, %arg7: memref<128x128xf32, #tpu.memory_space<vmem>>, %arg8: memref<1x128xf32, #tpu.memory_space<vmem>>, %arg9: memref<10000x128xf32, #tpu.memory_space<vmem>>) attributes {dimension_semantics = [], scalar_prefetch = 0 : i64, scratch_operands = 0 : i64, tpu.core_type = #tpu.core_type<tc>} {
    %get3A = arith.constant 0 : index
    %get3A_0 = arith.constant 0 : index
    %get3A_1 = vector.load %arg1[%get3A, %get3A_0] : memref<10000x128xf32, #tpu.memory_space<vmem>>, vector<10000x128xf32>
    %get3A_2 = arith.constant 0 : index
    %get3A_3 = memref.load %arg0[%get3A_2] : memref<1xf32, #tpu.memory_space<smem>>
    %add3A = arith.constant 1.000000e+00 : f32
    %add3A_4 = arith.addf %add3A, %get3A_3 : f32
    %mul3A = vector.broadcast %add3A_4 : f32 to vector<10000x128xf32>
    %mul3A_5 = arith.mulf %get3A_1, %mul3A : vector<10000x128xf32>
    %get3A_6 = arith.constant 0 : index
    %get3A_7 = arith.constant 0 : index
    %get3A_8 = arith.constant 0 : index
    %get3A_9 = vector.load %arg2[%get3A_6, %get3A_7, %get3A_8] : memref<2x10000x128xf32, #tpu.memory_space<vmem>>, vector<1x10000x128xf32>
    %get3A_10 = vector.shape_cast %get3A_9 : vector<1x10000x128xf32> to vector<10000x128xf32>
    %add3A_11 = arith.addf %mul3A_5, %get3A_10 : vector<10000x128xf32>
    %get3A_12 = arith.constant 1 : index
    %get3A_13 = arith.constant 0 : index
    %get3A_14 = arith.constant 0 : index
    %get3A_15 = vector.load %arg2[%get3A_12, %get3A_13, %get3A_14] : memref<2x10000x128xf32, #tpu.memory_space<vmem>>, vector<1x10000x128xf32>
    %get3A_16 = vector.shape_cast %get3A_15 : vector<1x10000x128xf32> to vector<10000x128xf32>
    %add3A_17 = arith.addf %add3A_11, %get3A_16 : vector<10000x128xf32>
    %get3A_18 = arith.constant 0 : index
    %get3A_19 = arith.constant 0 : index
    %get3A_20 = vector.load %arg3[%get3A_18, %get3A_19] : memref<128x128xf32, #tpu.memory_space<vmem>>, vector<128x128xf32>
    %dot_general3A = arith.constant dense<0.000000e+00> : vector<10000x128xf32>
    %dot_general3A_21 = tpu.matmul %add3A_17, %get3A_20, %dot_general3A {dimension_numbers = #tpu.dot_dimension_numbers<[1], [1], [0], [0], [0, 0, 1, 0], [], []>, transpose_lhs_hint = false} : vector<10000x128xf32>, vector<128x128xf32>, vector<10000x128xf32> -> vector<10000x128xf32>
    %get3A_22 = arith.constant 0 : index
    %get3A_23 = arith.constant 0 : index
    %get3A_24 = vector.load %arg4[%get3A_22, %get3A_23] : memref<1x128xf32, #tpu.memory_space<vmem>>, vector<1x128xf32>
    %add3A_25 = vector.broadcast %get3A_24 : vector<1x128xf32> to vector<10000x128xf32>
    %add3A_26 = arith.addf %dot_general3A_21, %add3A_25 : vector<10000x128xf32>
    %reduce_sum3A = arith.constant dense<0.000000e+00> : vector<128xf32>
    %reduce_sum3A_27 = vector.multi_reduction <add>, %add3A_26, %reduce_sum3A [0] : vector<10000x128xf32> to vector<128xf32>
    %broadcast_in_dim3A = vector.shape_cast %reduce_sum3A_27 : vector<128xf32> to vector<1x128xf32>
    %div3A = arith.constant 1.000000e+04 : f32
    %div3A_28 = vector.broadcast %div3A : f32 to vector<1x128xf32>
    %div3A_29 = arith.divf %broadcast_in_dim3A, %div3A_28 : vector<1x128xf32>
    %sub3A = vector.broadcast %div3A_29 : vector<1x128xf32> to vector<10000x128xf32>
    %sub3A_30 = arith.subf %add3A_26, %sub3A : vector<10000x128xf32>
    %square3A = arith.mulf %sub3A_30, %sub3A_30 : vector<10000x128xf32>
    %reduce_sum3A_31 = arith.constant dense<0.000000e+00> : vector<128xf32>
    %reduce_sum3A_32 = vector.multi_reduction <add>, %square3A, %reduce_sum3A_31 [0] : vector<10000x128xf32> to vector<128xf32>
    %broadcast_in_dim3A_33 = vector.shape_cast %reduce_sum3A_32 : vector<128xf32> to vector<1x128xf32>
    %div3A_34 = arith.constant 1.000000e+04 : f32
    %div3A_35 = vector.broadcast %div3A_34 : f32 to vector<1x128xf32>
    %div3A_36 = arith.divf %broadcast_in_dim3A_33, %div3A_35 : vector<1x128xf32>
    %sub3A_37 = vector.broadcast %div3A_29 : vector<1x128xf32> to vector<10000x128xf32>
    %sub3A_38 = arith.subf %add3A_26, %sub3A_37 : vector<10000x128xf32>
    %add3A_39 = arith.constant 9.99999974E-6 : f32
    %add3A_40 = vector.broadcast %add3A_39 : f32 to vector<1x128xf32>
    %add3A_41 = arith.addf %div3A_36, %add3A_40 : vector<1x128xf32>
    %rsqrt3A = math.rsqrt %add3A_41 : vector<1x128xf32>
    %mul3A_42 = vector.broadcast %rsqrt3A : vector<1x128xf32> to vector<10000x128xf32>
    %mul3A_43 = arith.mulf %sub3A_38, %mul3A_42 : vector<10000x128xf32>
    %get3A_44 = arith.constant 0 : index
    %get3A_45 = arith.constant 0 : index
    %get3A_46 = vector.load %arg5[%get3A_44, %get3A_45] : memref<1x128xf32, #tpu.memory_space<vmem>>, vector<1x128xf32>
    %mul3A_47 = vector.broadcast %get3A_46 : vector<1x128xf32> to vector<10000x128xf32>
    %mul3A_48 = arith.mulf %mul3A_43, %mul3A_47 : vector<10000x128xf32>
    %get3A_49 = arith.constant 0 : index
    %get3A_50 = arith.constant 0 : index
    %get3A_51 = vector.load %arg6[%get3A_49, %get3A_50] : memref<1x128xf32, #tpu.memory_space<vmem>>, vector<1x128xf32>
    %add3A_52 = vector.broadcast %get3A_51 : vector<1x128xf32> to vector<10000x128xf32>
    %add3A_53 = arith.addf %mul3A_48, %add3A_52 : vector<10000x128xf32>
    %max3A = arith.constant 0.000000e+00 : f32
    %max3A_54 = vector.broadcast %max3A : f32 to vector<10000x128xf32>
    %max3A_55 = arith.maximumf %add3A_53, %max3A_54 : vector<10000x128xf32>
    %get3A_56 = arith.constant 0 : index
    %get3A_57 = arith.constant 0 : index
    %get3A_58 = vector.load %arg7[%get3A_56, %get3A_57] : memref<128x128xf32, #tpu.memory_space<vmem>>, vector<128x128xf32>
    %dot_general3A_59 = arith.constant dense<0.000000e+00> : vector<10000x128xf32>
    %dot_general3A_60 = tpu.matmul %max3A_55, %get3A_58, %dot_general3A_59 {dimension_numbers = #tpu.dot_dimension_numbers<[1], [1], [0], [0], [0, 0, 1, 0], [], []>, transpose_lhs_hint = false} : vector<10000x128xf32>, vector<128x128xf32>, vector<10000x128xf32> -> vector<10000x128xf32>
    %get3A_61 = arith.constant 0 : index
    %get3A_62 = arith.constant 0 : index
    %get3A_63 = vector.load %arg8[%get3A_61, %get3A_62] : memref<1x128xf32, #tpu.memory_space<vmem>>, vector<1x128xf32>
    %add3A_64 = vector.broadcast %get3A_63 : vector<1x128xf32> to vector<10000x128xf32>
    %add3A_65 = arith.addf %dot_general3A_60, %add3A_64 : vector<10000x128xf32>
    %swap3A = arith.constant 0 : index
    %swap3A_66 = arith.constant 0 : index
    %swap3A_67 = vector.load %arg9[%swap3A, %swap3A_66] : memref<10000x128xf32, #tpu.memory_space<vmem>>, vector<10000x128xf32>
    tpu.vector_store %arg9[%swap3A, %swap3A_66], %add3A_65 {strides = array<i32>} : memref<10000x128xf32, #tpu.memory_space<vmem>>, vector<10000x128xf32>,
    return
  }
}

</mosaic_0001>

<sc_bundles>
// kernel: kernel.4.cloned.1.call-start
scs
__scs_entry_jumppad:
0x0: {  	(pc) =	sbr.rel $0x88, $3  }
0x1: {  	(tag) =	ssettag $0x0;
	lr =	simm.s32 $0x1  }
0x2: {  	[smem:$0x3F97] =	sst lr;
	_ =	strace $0xD0000000  }
0x3: {  	_ = 	snop  }
0x4: {  	_ = 	snop  }
0x5: {  	_ = 	snop  }
0x6: {  	_ = 	snop  }
0x7: {  	_ = 	snop  }
__scs_overlays_trampoline_lowered:
0x8: {  	[smem:$0x3FA6] =	sst s0  }
0x9: {  	[smem:$0x3FA7] =	sst s1  }
0xa: {  	[smem:$0x3FA8] =	sst s2  }
0xb: {  	[smem:$0x3FA9] =	sst s3  }
0xc: {  	[smem:$0x3FAA] =	sst s4  }
0xd: {  	[smem:$0x3FAB] =	sst s5  }
0xe: {  	[smem:$0x3FAC] =	sst s6  }
0xf: {  	[smem:$0x3FAD] =	sst s7  }
0x10: {  	[smem:$0x3FAE] =	sst s8  }
0x11: {  	[smem:$0x3FAF] =	sst s9;
	s0 =	simm.s32 @!p0 $0x0  }
0x12: {  	s1 =	sld [smem:$0x3F95];
	s0 =	simm.s32 @p0 $0x1  }
0x13: {  	[smem:$0x3FB0] =	sst s0;
	s0 =	simm.s32 @!p1 $0x0  }
0x14: {  	s2 =	sld [smem:$0x3F94];
	s0 =	simm.s32 @p1 $0x1  }
0x15: {  	[smem:$0x3FB1] =	sst s0;
	s0 =	simm.s32 @!p2 $0x0  }
0x16: {  	s3 =	sld [smem:$0x3FDB];
	s0 =	simm.s32 @p2 $0x1  }
0x17: {  	s4 =	simm.s32 $0x1BF5;
	[smem:$0x3FB3] =	sst s0  }
0x18: {  	s0 =	sld [smem:$0x3F96];
	_ =	swait.ge [sflag:s4], $0x0  }
0x19: {  	s7 =	sld [smem:$0x3F97]  }
0x1a: {  	s8 =	sadd.s32 $0xFFFFE003, lr  }
0x1b: {  	s9 =	sadd.s32 $0xFFFFFEF7, lr;
	s5 =	simm.s32 $0xFFFFFFFF;
	p2 =	slt.u32 s8, $0xFFFFF086  }
0x1c: {  	p1 =	slt.u32 s9, $0xF7A;
	s5 =	simm.s32 @!p2 $0x0  }
0x1d: {  	s5 =	simm.s32 @p1 $0x1;
	p0 =	seq.s32 s7, s2  }
0x1e: {  	s7 =	smul.u32 @!p0 $0xF7A, s2;
	p2 =	seq.s32 @!p0 s5, $0x0  }
0x1f: {  	s9 =	smul.u32 $0xF7A, s1;
	s8 =	simm.s32 @!p0 $0x1BF5;
	p2 =	por !p2, p0  }
0x20: {  	[sflag:s8] =	ssyncset.s32 @!p0 $0xFFFFF086;
	s6 =	sadd.s32 @!p0 s3, s7;
	s7 =	simm.s32 @!p0 $0x108  }
0x21: {  	s3 =	sadd.s32 s3, s9;
	s6 =	sadd.s32 @!p0 $0x88, s6;
	s7 =	simm.s32 @p2 $0x1082  }
0x22: {  	[simem:s7], [sflag:s8] =	dma.local @!p0 [hbm:s6], $0xF7A  }
0x23: {  	s9 =	sor.u32 $0xD0000000, s2;
	s6 =	simm.s32 $0x108;
	_ =	swait.ge @!p0 [sflag:s8], $0x0  }
0x24: {  	s3 =	sadd.s32 $0x88, s3;
	s6 =	simm.s32 @!p1 $0x1082;
	[sflag:s4] =	ssyncset.s32 $0xFFFFF086  }
0x25: {  	[simem:s6], [sflag:s4] =	dma.local [hbm:s3], $0xF7A  }
0x26: {  	[smem:$0x3F97] =	sst s1;
	(tag) =	ssettag s2;
	_ =	strace s9  }
0x27: {  	s1 =	sld [smem:$0x3FA7]  }
0x28: {  	s2 =	sld [smem:$0x3FA8]  }
0x29: {  	s4 =	sld [smem:$0x3FAA]  }
0x2a: {  	p0 =	seq.s32 s5, $0x0;
	s5 =	sld [smem:$0x3FAB]  }
0x2b: {  	s6 =	sld [smem:$0x3FAC]  }
0x2c: {  	s7 =	sld [smem:$0x3FAD]  }
0x2d: {  	s3 =	simm.s32 $0x108;
	s8 =	sld [smem:$0x3FAE]  }
0x2e: {  	s3 =	simm.s32 @!p0 $0x1082;
	s9 =	sld [smem:$0x3FAF]  }
0x2f: {  	lr =	sadd.s32 s0, s3;
	s0 =	sld [smem:$0x3FA6]  }
0x30: {  	s3 =	sld [smem:$0x3FA9]  }
0x31: {  	[smem:$0x3FB2] =	sst s10  }
0x32: {  	s10 =	sld [smem:$0x3FB0];
	_ =	sdelay $0x3  }
0x33: {  	p0 =	seq.s32 s10, $0x1;
	s10 =	sld [smem:$0x3FB2];
	_ =	sdelay $0x3  }
0x34: {  	[smem:$0x3FB2] =	sst s10  }
0x35: {  	s10 =	sld [smem:$0x3FB1];
	_ =	sdelay $0x3  }
0x36: {  	p1 =	seq.s32 s10, $0x1;
	s10 =	sld [smem:$0x3FB2];
	_ =	sdelay $0x3  }
0x37: {  	[smem:$0x3FB2] =	sst s10  }
0x38: {  	s10 =	sld [smem:$0x3FB3]  }
0x39: {  	_ = 	snop;
	(pc) =	sbr.ind lr, $3  }
0x3a: {  	_ = 	snop  }
0x3b: {  	_ = 	snop  }
0x3c: {  	p2 =	seq.s32 s10, $0x1;
	s10 =	sld [smem:$0x3FB2]  }
0x3d: {  	_ =	shalt  }
0x3e: {  	_ =	shalt  }
0x3f: {  	_ =	shalt  }
0x40: {  	_ =	shalt  }
0x41: {  	_ =	shalt  }
0x42: {  	_ =	shalt  }
0x43: {  	_ =	shalt  }
0x44: {  	_ =	shalt  }
0x45: {  	_ =	shalt  }
0x46: {  	_ =	shalt  }
0x47: {  	_ =	shalt  }
0x48: {  	_ =	shalt  }
0x49: {  	_ =	shalt  }
0x4a: {  	_ =	shalt  }
0x4b: {  	_ =	shalt  }
0x4c: {  	_ =	shalt  }
0x4d: {  	_ =	shalt  }
0x4e: {  	_ =	shalt  }
0x4f: {  	_ =	shalt  }
0x50: {  	_ =	shalt  }
0x51: {  	_ =	shalt  }
0x52: {  	_ =	shalt  }
0x53: {  	_ =	shalt  }
0x54: {  	_ =	shalt  }
0x55: {  	_ =	shalt  }
0x56: {  	_ =	shalt  }
0x57: {  	_ =	shalt  }
0x58: {  	_ =	shalt  }
0x59: {  	_ =	shalt  }
0x5a: {  	_ =	shalt  }
0x5b: {  	_ =	shalt  }
0x5c: {  	_ =	shalt  }
0x5d: {  	_ =	shalt  }
0x5e: {  	_ =	shalt  }
0x5f: {  	_ =	shalt  }
0x60: {  	_ =	shalt  }
0x61: {  	_ =	shalt  }
0x62: {  	_ =	shalt  }
0x63: {  	_ =	shalt  }
0x64: {  	_ =	shalt  }
0x65: {  	_ =	shalt  }
0x66: {  	_ =	shalt  }
0x67: {  	_ =	shalt  }
0x68: {  	_ =	shalt  }
0x69: {  	_ =	shalt  }
0x6a: {  	_ =	shalt  }
0x6b: {  	_ =	shalt  }
0x6c: {  	_ =	shalt  }
0x6d: {  	_ =	shalt  }
0x6e: {  	_ =	shalt  }
0x6f: {  	_ =	shalt  }
0x70: {  	_ =	shalt  }
0x71: {  	_ =	shalt  }
0x72: {  	_ =	shalt  }
0x73: {  	_ =	shalt  }
0x74: {  	_ =	shalt  }
0x75: {  	_ =	shalt  }
0x76: {  	_ =	shalt  }
0x77: {  	_ =	shalt  }
0x78: {  	_ =	shalt  }
0x79: {  	_ =	shalt  }
0x7a: {  	_ =	shalt  }
0x7b: {  	_ =	shalt  }
0x7c: {  	_ =	shalt  }
0x7d: {  	_ =	shalt  }
0x7e: {  	_ =	shalt  }
0x7f: {  	_ =	shalt  }
0x80: {  	_ =	shalt  }
0x81: {  	_ =	shalt  }
0x82: {  	_ =	shalt  }
0x83: {  	_ =	shalt  }
0x84: {  	_ =	shalt  }
0x85: {  	_ =	shalt  }
0x86: {  	_ =	shalt  }
0x87: {  	_ =	shalt  }
.Lfunc_end0:
.L_simem_size_0:
called_computation_lowered:
.L_overlay_start_0:
0x88: {  	s2 =	sld [smem:$0x3FD9]  }
0x89: {  	s3 =	sld [smem:$0x3FFE];
	_ =	sdelay $0x1  }
0x8a: {  	s1 =	srdreg.scid  }
0x8b: {  	s0 =	sand.u32 $0x1, s1  }
0x8c: {  	s17 =	sshll.u32 s0, $0xA;
	s2 =	sadd.s32 s3, s2  }
0x8d: {  	s2 =	sadd.s32 s2, s17  }
0x8e: {  	[smem:$0x3FBE] =	sst s2  }
0x8f: {  	_ = 	snop  }
0x90: {  	s2 =	sld [smem:$0x3FC9]  }
0x91: {  	s18 =	sld [smem:$0x3FC7]  }
0x92: {  	s4 =	sld [smem:$0x3FD0];
	(tm) =	ssettm $0x1  }
0x93: {  	s5 =	sld [smem:$0x3FFB];
	_ =	sdelay $0x3  }
0x94: {  	_ =	strace s5  }
0x95: {  	s5 =	sld [smem:$0x3FFC];
	_ =	sdelay $0x3  }
0x96: {  	_ =	strace s5  }
0x97: {  	s5 =	sld [smem:$0x3FFD];
	_ =	sdelay $0x3  }
0x98: {  	_ =	strace s5  }
0x99: {  	_ =	strace $0x8FFFFFFF  }
0x9a: {  	s19 =	sld [smem:$0x3FDB];
	_ =	sdelay $0x1  }
0x9b: {  	s6 =	simm.s32 $_scs_section_size  }
0x9c: {  	s7 =	simm.s32 $_size__tile_overlayer_lowered;
	s8 =	simm.s32 $_tile_overlayer_lowered  }
0x9d: {  	s22 =	simm.s32 $0x1BFF;
	s21 =	sshll.u32 s8, $0x1;
	s5 =	sadd.s32 s6, s19  }
0x9e: {  	s9 =	simm.s32 $0x0;
	s20 =	sshll.u32 s7, $0x1;
	s7 =	sadd.s32 s21, s5  }
0x9f: {  	[timem:s9], [sflag:s22] =	dma.local [hbm:s7], s20  }
0xa0: {  	_ =	swait.ge [sflag:s22], s20  }
0xa1: {  	s6 =	ssub.s32 $0x0, s20;
	[sflag:s22] =	ssyncset.done $0x0  }
0xa2: {  	[sflag:s22] =	ssyncadd.s32 s6;
	_ =	sdelay $0x1  }
0xa3: {  	s23 =	simm.s32 $0x1B8B  }
0xa4: {  	_ =	swait.ge [sflag:s23], $0x1  }
0xa5: {  	[sflag:s23] =	ssyncset.done $0x0  }
0xa6: {  	s25 =	simm.s32 $0x1B8E;
	s24 =	sld [smem:$0x3FFE];
	[sflag:s23] =	ssyncadd.s32 $0xFFFFFFFF  }
0xa7: {  	s26 =	simm.s32 $execute0_lowered;
	[smem:$0x3FD2] =	sst s25  }
0xa8: {  	s7 =	sshll.u32 s26, $0x1;
	_ =	strace $0x80000046;
	[dreg:$0x1] =	wrdreg $0xFFFFFFFF  }
0xa9: {  	s28 =	simm.s32 $_size_execute0_lowered;
	s5 =	sadd.s32 s5, s7;
	[dreg:$0x0] =	wrdreg $0x0  }
0xaa: {  	s7 =	sshll.u32 s28, $0x1;
	[dreg:$0x2] =	wrdreg s5  }
0xab: {  	[dreg:$0x3] =	wrdreg s7  }
0xac: {  	[dreg:$0x4] =	wrdreg $0xC0  }
0xad: {  	_ =	task [dreg:s9], $0x5FFFF  }
0xae: {  	[dreg:$0x1] =	wrdreg $0xFFFFFFFF  }
0xaf: {  	[dreg:$0x0] =	wrdreg $0x60  }
0xb0: {  	[dreg:$0x2] =	wrdreg s2  }
0xb1: {  	[dreg:$0x3] =	wrdreg s4  }
0xb2: {  	[dreg:$0x4] =	wrdreg s18  }
0xb3: {  	[dreg:$0x5] =	wrdreg s24  }
0xb4: {  	[dreg:$0x6] =	wrdreg $0xC3800  }
0xb5: {  	[dreg:$0x7] =	wrdreg $0x9  }
0xb6: {  	_ =	task.clear_ibuf [dreg:s9], $0x8FFFF;
	_ =	strace $0x90000046  }
0xb7: {  	s29 =	simm.s32 $0x9;
	_ =	strace $0x80000048  }
0xb8: {  	_ =	swait.ge [sflag:s29], $0x1  }
0xb9: {  	[sflag:s29] =	ssyncadd.s32 $0xFFFFFFFF  }
0xba: {  	_ =	strace $0x90000048  }
0xbb: {  	_ =	sfence  }
0xbc: {  	s30 =	sld [smem:$0x0];
	_ =	sdelay $0x2  }
0xbd: {  	s31 =	sshll.u32 s1, $0xD;
	s1 =	sshrl.u32 s1, $0x2  }
0xbe: {  	s3 =	sand.u32 $0x4000, s31;
	s1 =	sadd.s32 s1, s30  }
0xbf: {  	s0 =	sor.u32 s3, s0;
	s1 =	sshll.u32 s1, $0x11  }
0xc0: {  	s0 =	sor.u32 s1, s0  }
0xc1: {  	s0 =	sadd.s32 $0x8F2B, s0  }
0xc2: {  	[sflag:s0] =	ssyncadd.remote.s32 $0x1  }
0xc3: {  	_ =	sfence.sel $0xFFFF  }
0xc4: {  	[dreg:$0x0] =	wrdreg $0xFFFFFFFF;
	(pc) =	sbr.abs _section_cstart, $3  }
0xc5: {  	[dreg:$0x1] =	wrdreg $0xFFFFFFFF  }
0xc6: {  	_ =	task.clear_ibuf [dreg:s9], $0x2FFFF;
	_ =	strace $0x9FFFFFFF  }
0xc7: {  	(tm) =	ssettm $0x7FFFFFFF  }
tec
execute0_lowered:
.L_overlay_start_1:
0x0: {  	(tag) =	ssettag $0x1  }
0x1: {  	s1 =	rddreg [dreg:$0x0]  }
0x2: {  	s2 =	rddreg [dreg:$0x1]  }
0x3: {  	s3 =	rddreg [dreg:$0x2]  }
0x4: {  	s0 =	rddreg [dreg:$0x3]  }
0x5: {  	s4 =	rddreg [dreg:$0x4];
	s6 =	simm.s32 $0x0;
	s5 =	srdreg.scid  }
0x6: {  	s23 =	stileid.u32;
	s29 =	simm.s32 $0x200;
	s30 =	simm.s32 $0x6  }
0x7: {  	s31 =	simm.s32 $0x280;
	s5 =	sand.u32 $0x1, s5;
	s7 =	smul.u32 $0x2800, s23  }
0x8: {  	[smem:$0x7FF] =	sst s6;
	s8 =	sor.u32 $0x10, s23;
	s24 =	smul.u32 $0x138800, s5  }
0x9: {  	s9 =	sadd.s32 $0x1000, s0;
	s10 =	sor.u32 $0x20, s23;
	s11 =	smul.u32 $0x2800, s8  }
0xa: {  	s12 =	sor.u32 $0x30, s23;
	s15 =	sor.u32 $0x40, s23;
	s13 =	smul.u32 $0x2800, s10  }
0xb: {  	s18 =	sshll.u32 s23, $0x1;
	s19 =	sor.u32 $0x60, s23;
	s16 =	smul.u32 $0x2800, s12  }
0xc: {  	p0 =	sgt.u32 s23, $0xC;
	_ =	strace $0x80000047;
	s17 =	smul.u32 $0x2800, s15  }
0xd: {  	s25 =	ssub.s32 $0x2, s5;
	s5 =	sor.u32 s5, s18;
	s21 =	smul.u32 $0x2800, s19  }
0xe: {  	s18 =	sor.u32 $0x70, s23;
	s8 =	smul.u32 $0xA000, s8;
	s14 =	sshrl.u32 s25, $0x1  }
0xf: {  	s26 =	smul.u32 $0x2800, s18;
	s0 =	ssub.s32 s25, s14;
	s14 =	sor.u32 $0x50, s23  }
0x10: {  	s22 =	sadd.s32 s7, s24;
	s11 =	sadd.s32 s24, s11;
	s13 =	sadd.s32 s24, s13  }
0x11: {  	s16 =	sadd.s32 s24, s16;
	s17 =	sadd.s32 s24, s17;
	s7 =	smul.u32 $0x2710, s5  }
0x12: {  	s21 =	sadd.s32 s24, s21;
	s5 =	smul.u32 $0x27100, s5;
	s8 =	sshrl.u32 s8, $0x2  }
0x13: {  	s20 =	smul.u32 $0x2800, s14;
	s6 =	sadd.s32 s24, s26;
	s22 =	sshrl.u32 s22, $0x3  }
0x14: {  	s11 =	sshrl.u32 s11, $0x3;
	s25 =	sshrl.u32 s17, $0x3;
	s17 =	sshrl.u32 s21, $0x3  }
0x15: {  	s0 =	smax.u32 s0, $0x1;
	s22 =	sadd.s32 s9, s22;
	s11 =	sadd.s32 s9, s11  }
0x16: {  	s6 =	sshrl.u32 s6, $0x3;
	s21 =	sshrl.u32 s7, $0x3;
	[dreg:$0x1b] =	wrdreg s0  }
0x17: {  	s5 =	sadd.s32 s3, s5;
	s0 =	sadd.s32 $0x120, s7;
	[dreg:$0x6] =	wrdreg s22  }
0x18: {  	s20 =	sadd.s32 s24, s20;
	[dreg:$0x7] =	wrdreg s11;
	s22 =	sshrl.u32 s13, $0x3  }
0x19: {  	s24 =	sshrl.u32 s16, $0x3;
	s13 =	sadd.s32 s9, s25;
	s6 =	sadd.s32 s9, s6  }
0x1a: {  	[dreg:$0xf] =	wrdreg s5;
	s11 =	sadd.s32 s9, s22;
	s26 =	sadd.s32 s9, s24  }
0x1b: {  	[dreg:$0xa] =	wrdreg s13;
	s16 =	sshrl.u32 s20, $0x3;
	s24 =	smul.u32 $0xA000, s23  }
0x1c: {  	s20 =	sadd.s32 s9, s17;
	[dreg:$0xd] =	wrdreg s6;
	s13 =	smul.u32 $0xA000, s14  }
0x1d: {  	s6 =	sadd.s32 s2, s21;
	s14 =	smul.u32 $0xA000, s19;
	[dreg:$0x8] =	wrdreg s11  }
0x1e: {  	s17 =	smul.u32 $0xA000, s18;
	[dreg:$0x9] =	wrdreg s26;
	s11 =	sadd.s32 s9, s16  }
0x1f: {  	[dreg:$0xc] =	wrdreg s20;
	s16 =	sadd.s32 $0x60, s7;
	s26 =	smul.u32 $0xA000, s10  }
0x20: {  	[dreg:$0xe] =	wrdreg s6;
	s10 =	smul.u32 $0xA000, s12;
	s20 =	sadd.s32 $0x2700, s7  }
0x21: {  	[dreg:$0xb] =	wrdreg s11;
	s22 =	sshrl.u32 s16, $0x3;
	s9 =	sshrl.u32 s24, $0x2  }
0x22: {  	s11 =	smul.u32 $0xA000, s15;
	s15 =	sshrl.u32 s13, $0x2;
	s19 =	sshrl.u32 s17, $0x2  }
0x23: {  	s21 =	sshrl.u32 s20, $0x3;
	s13 =	simm.s32 $0x3;
	s17 =	simm.s32 $0x180  }
0x24: {  	s25 =	sadd.s32 s2, s22;
	s24 =	sadd.s32 s9, s4;
	s5 =	sshrl.u32 s26, $0x2  }
0x25: {  	s12 =	sshrl.u32 s10, $0x2;
	s18 =	sadd.s32 s15, s4;
	s9 =	simm.s32 $0x9  }
0x26: {  	s10 =	simm.s32 $0x1;
	s15 =	simm.s32 $0x2;
	[dreg:$0x10] =	wrdreg s25  }
0x27: {  	s25 =	sadd.s32 s8, s4;
	s26 =	sadd.s32 s5, s4;
	[dreg:$0x16] =	wrdreg s18  }
0x28: {  	s28 =	sadd.s32 s12, s4;
	s6 =	sshrl.u32 s11, $0x2;
	[dreg:$0x11] =	wrdreg s24  }
0x29: {  	s5 =	sshrl.u32 s14, $0x2;
	s8 =	simm.s32 $0x300;
	[dreg:$0x12] =	wrdreg s25  }
0x2a: {  	s11 =	simm.s32 $0x60;
	s14 =	simm.s32 $0x5;
	[dreg:$0x13] =	wrdreg s26  }
0x2b: {  	s18 =	simm.s32 $0x3300;
	s6 =	sadd.s32 s6, s4;
	[dreg:$0x14] =	wrdreg s28  }
0x2c: {  	s12 =	simm.s32 $0x4;
	s5 =	sadd.s32 s5, s4;
	[dreg:$0x15] =	wrdreg s6  }
0x2d: {  	[dreg:$0x17] =	wrdreg s5;
	s5 =	sadd.s32 s19, s4;
	s6 =	sshll.u32 s20, $0x4  }
0x2e: {  	s19 =	simm.s32 $0x9300;
	[dreg:$0x18] =	wrdreg s5;
	s5 =	sadd.s32 s2, s21  }
0x2f: {  	s20 =	simm.s32 $0x0;
	s22 =	sadd.s32 s3, s6;
	[dreg:$0x19] =	wrdreg s5  }
0x30: {  	v0 =	vimm.f32 $0.0e+00;
	s6 =	simm.s32 $0x7;
	[dreg:$0x1a] =	wrdreg s22;
	s5 =	simm.s32 $0x6300  }
.LBB2_1:
0x31: {  	s21 =	simm.s32 $0x0;
	s22 =	rddreg [dreg:$0xe]  }
0x32: {  	[tilespmem:s21], [sflag:$0x1] =	stream.linear.gather [hbm4b:s22+s21], $0x60, $0x38;
	[tilespmem:$0x1FC00] =	vst v63  }
0x33: {  	s23 =	rddreg [dreg:$0xf]  }
0x34: {  	[tilespmem:s5], [sflag:$0x5] =	stream.linear.gather [hbm4b:s23+s21], $0x3000, $0x38;
	[tilespmem:$0x1FC00] =	vst v63  }
0x35: {  	s22 =	rddreg [dreg:$0x10];
	s23 =	simm.s32 $0x80  }
0x36: {  	[tilespmem:s23], [sflag:$0x2] =	stream.linear.gather [hbm4b:s22+s21], $0x60, $0x38;
	[tilespmem:$0x1FC00] =	vst v63  }
0x37: {  	s21 =	simm.s32 $0x0;
	s22 =	simm.s32 $0x200  }
.LBB2_2:
0x38: {  	p1 =	sne.s32 s22, $0x9E00;
	[tilespmem:s21+$0x370] =	vst v0  }
0x39: {  	[tilespmem:s21+$0x300] =	vst v0  }
0x3a: {  	[tilespmem:s21+$0x310] =	vst v0  }
.Ltmp0:
0x3b: {  	[tilespmem:s21+$0x320] =	vst v0;
	(pc) =	sbr.rel @p1 .LBB2_2-.Ltmp0, $4  }
0x3c: {  	[tilespmem:s21+$0x330] =	vst v0  }
0x3d: {  	[tilespmem:s21+$0x340] =	vst v0  }
0x3e: {  	[tilespmem:s21+$0x350] =	vst v0  }
0x3f: {  	[tilespmem:s21+$0x360] =	vst v0;
	s21 =	sshra.s32 s22, $0x2;
	s22 =	sadd.s32 $0x200, s22  }
0x40: {  	[tilespmem:s21+$0x370] =	vst v0  }
0x41: {  	[tilespmem:s21+$0x300] =	vst v0  }
0x42: {  	[tilespmem:s21+$0x310] =	vst v0  }
0x43: {  	[tilespmem:s21+$0x320] =	vst v0  }
0x44: {  	[tilespmem:s21+$0x330] =	vst v0  }
0x45: {  	[tilespmem:s21+$0x340] =	vst v0  }
0x46: {  	[tilespmem:s21+$0x350] =	vst v0  }
0x47: {  	[tilespmem:s21+$0x360] =	vst v0  }
0x48: {  	[spmem:s24] =	stream.linear.scatter [tilespmem:s8], [sflag:$0x9], $0x2800, $0x38;
	[tilespmem:$0x1FC00] =	vst v63  }
0x49: {  	_ =	swait.ge [sflag:s9], $0x2800  }
0x4a: {  	[sflag:s9] =	ssyncset.done $0x0  }
0x4b: {  	[sflag:s9] =	ssyncadd.s32 $0xFFFFD800  }
0x4c: {  	[spmem:s25] =	stream.linear.scatter [tilespmem:s8], [sflag:$0x9], $0x2800, $0x38;
	[tilespmem:$0x1FC00] =	vst v63  }
0x4d: {  	_ =	swait.ge [sflag:s9], $0x2800  }
0x4e: {  	[sflag:s9] =	ssyncset.done $0x0  }
0x4f: {  	[sflag:s9] =	ssyncadd.s32 $0xFFFFD800  }
0x50: {  	[spmem:s26] =	stream.linear.scatter [tilespmem:s8], [sflag:$0x9], $0x2800, $0x38;
	[tilespmem:$0x1FC00] =	vst v63  }
0x51: {  	_ =	swait.ge [sflag:s9], $0x2800  }
0x52: {  	[sflag:s9] =	ssyncset.done $0x0  }
0x53: {  	[sflag:s9] =	ssyncadd.s32 $0xFFFFD800  }
0x54: {  	[spmem:s28] =	stream.linear.scatter [tilespmem:s8], [sflag:$0x9], $0x2800, $0x38;
	[tilespmem:$0x1FC00] =	vst v63  }
0x55: {  	_ =	swait.ge [sflag:s9], $0x2800  }
0x56: {  	[sflag:s9] =	ssyncset.done $0x0  }
0x57: {  	s24 =	rddreg [dreg:$0x15];
	[sflag:s9] =	ssyncadd.s32 $0xFFFFD800  }
0x58: {  	[spmem:s24] =	stream.linear.scatter [tilespmem:s8], [sflag:$0x9], $0x2800, $0x38;
	[tilespmem:$0x1FC00] =	vst v63  }
0x59: {  	_ =	swait.ge [sflag:s9], $0x2800  }
0x5a: {  	[sflag:s9] =	ssyncset.done $0x0  }
0x5b: {  	s25 =	rddreg [dreg:$0x16];
	[sflag:s9] =	ssyncadd.s32 $0xFFFFD800  }
0x5c: {  	[spmem:s25] =	stream.linear.scatter [tilespmem:s8], [sflag:$0x9], $0x2800, $0x38;
	[tilespmem:$0x1FC00] =	vst v63  }
0x5d: {  	_ =	swait.ge [sflag:s9], $0x2800  }
0x5e: {  	[sflag:s9] =	ssyncset.done $0x0  }
0x5f: {  	s26 =	rddreg [dreg:$0x17];
	[sflag:s9] =	ssyncadd.s32 $0xFFFFD800  }
0x60: {  	[spmem:s26] =	stream.linear.scatter [tilespmem:s8], [sflag:$0x9], $0x2800, $0x38;
	[tilespmem:$0x1FC00] =	vst v63  }
0x61: {  	_ =	swait.ge [sflag:s9], $0x2800  }
0x62: {  	[sflag:s9] =	ssyncset.done $0x0  }
0x63: {  	s21 =	simm.s32 @!p0 $0x300;
	s22 =	rddreg [dreg:$0x18];
	[sflag:s9] =	ssyncadd.s32 $0xFFFFD800  }
0x64: {  	[spmem:s22] =	stream.linear.scatter @!p0 [tilespmem:s21], [sflag:$0x9], $0x2800, $0x38;
	[tilespmem:$0x1FC00] =	vst v63  }
0x65: {  	s21 =	simm.s32 @!p0 $0x9  }
0x66: {  	_ =	swait.ge @!p0 [sflag:s21], $0x2800  }
0x67: {  	[sflag:s21] =	ssyncset.done @!p0 $0x0  }
0x68: {  	[sflag:s21] =	ssyncadd.s32 @!p0 $0xFFFFD800  }
0x69: {  	[bflag:$0x0] =	sbarrier.arrive $0xFFFF  }
0x6a: {  	_ =	swait.ge [sflag:s10], $0x60  }
0x6b: {  	[sflag:s10] =	ssyncset.done $0x0  }
0x6c: {  	[sflag:s10] =	ssyncadd.s32 $0xFFFFFFA0  }
0x6d: {  	v1 =	vld [tilespmem:$0x0]  }
0x6e: {  	v2 =	vld [tilespmem:$0x10]  }
0x6f: {  	v3 =	vld [tilespmem:$0x20]  }
0x70: {  	v4 =	vld [tilespmem:$0x30]  }
0x71: {  	v5 =	vld [tilespmem:$0x40]  }
0x72: {  	v6 =	vld [tilespmem:$0x50];
	v1 =	vshrl.u32 v1, $0xE  }
0x73: {  	[tilespmem:$0x100] =	vst v1;
	v1 =	vshrl.u32 v2, $0xE;
	v2 =	vld [tilespmem:$0x0]  }
0x74: {  	[tilespmem:$0x110] =	vst v1;
	v1 =	vshrl.u32 v3, $0xE;
	v3 =	vld [tilespmem:$0x10]  }
0x75: {  	v61 =	vld [tilespmem:$0x20];
	[tilespmem:$0x120] =	vst v1;
	v1 =	vshrl.u32 v4, $0xE  }
0x76: {  	v62 =	vld [tilespmem:$0x30];
	[tilespmem:$0x130] =	vst v1;
	v1 =	vshrl.u32 v5, $0xE  }
0x77: {  	v63 =	vld [tilespmem:$0x40];
	[tilespmem:$0x140] =	vst v1;
	v1 =	vshrl.u32 v6, $0xE  }
0x78: {  	[tilespmem:$0x150] =	vst v1;
	v1 =	vand.u32 $0x3FFF, v2;
	v2 =	vld [tilespmem:$0x50]  }
0x79: {  	[tilespmem:$0x200] =	vst v1;
	v1 =	vand.u32 $0x3FFF, v3  }
0x7a: {  	[tilespmem:$0x210] =	vst v1;
	v1 =	vand.u32 $0x3FFF, v61  }
0x7b: {  	[tilespmem:$0x220] =	vst v1;
	v1 =	vand.u32 $0x3FFF, v62  }
0x7c: {  	[tilespmem:$0x230] =	vst v1;
	v1 =	vand.u32 $0x3FFF, v63  }
0x7d: {  	[tilespmem:$0x240] =	vst v1;
	v1 =	vand.u32 $0x3FFF, v2  }
0x7e: {  	s28 =	simm.s32 $0x100;
	s22 =	simm.s32 $0x0;
	s21 =	simm.s32 $0x0;
	[tilespmem:$0x250] =	vst v1  }
0x7f: {  	[tilespmem:s8], [sflag:$0x3] =	stream.indirect.gather [hbm4b:s1+s11], $0x80, s28, s11, $0xb8;
	[tilespmem:$0x1FC00] =	vst v63  }
.LBB2_4:
0x80: {  	s23 =	sshll.u32 s22, $0x1  }
0x81: {  	_ =	swait.ge [sflag:s13], $0x3000;
	p1 =	seq.s32 s22, $0x33;
	s23 =	sadd.s32 $0x2, s23  }
0x82: {  	[sflag:s13] =	ssyncset.done $0x0;
	s23 =	smul.u32 @!p1 $0x60, s23  }
0x83: {  	[sflag:s13] =	ssyncadd.s32 $0xFFFFD000  }
0x84: {  	_ =	swait.ge [sflag:s14], $0x3000;
	s23 =	sadd.s32 @!p1 s7, s23  }
0x85: {  	[sflag:s14] =	ssyncset.done $0x0;
	s24 =	sshrl.u32 @!p1 s23, $0x3  }
0x86: {  	s25 =	simm.s32 @!p1 $0x0;
	[sflag:s14] =	ssyncadd.s32 $0xFFFFD000;
	s24 =	sadd.s32 @!p1 s2, s24  }
0x87: {  	[tilespmem:s25], [sflag:$0x1] =	stream.linear.gather @!p1 [hbm4b:s24+s25], $0x60, $0x38;
	[tilespmem:$0x1FC00] =	vst v63  }
0x88: {  	_ =	swait.ge [sflag:s15], $0x60  }
0x89: {  	[sflag:s15] =	ssyncset.done $0x0  }
0x8a: {  	[sflag:s15] =	ssyncadd.s32 $0xFFFFFFA0  }
0x8b: {  	v1 =	vld [tilespmem:$0x80]  }
0x8c: {  	v2 =	vld [tilespmem:$0x90]  }
0x8d: {  	v3 =	vld [tilespmem:$0xA0]  }
0x8e: {  	v4 =	vld [tilespmem:$0xB0]  }
0x8f: {  	v5 =	vld [tilespmem:$0xC0]  }
0x90: {  	v6 =	vld [tilespmem:$0xD0];
	v1 =	vshrl.u32 v1, $0xE  }
0x91: {  	[tilespmem:$0x180] =	vst v1;
	v1 =	vshrl.u32 v2, $0xE  }
0x92: {  	[tilespmem:$0x190] =	vst v1;
	v1 =	vshrl.u32 v3, $0xE  }
0x93: {  	[tilespmem:$0x1A0] =	vst v1;
	v1 =	vshrl.u32 v4, $0xE  }
0x94: {  	[tilespmem:$0x1B0] =	vst v1;
	v1 =	vshrl.u32 v5, $0xE  }
0x95: {  	p2 =	seq.s32 s22, $0x0;
	[tilespmem:$0x1C0] =	vst v1;
	v1 =	vshrl.u32 v6, $0xE  }
0x96: {  	s24 =	simm.s32 @!p2 $0x8;
	[tilespmem:$0x1D0] =	vst v1  }
0x97: {  	[tilespmem:s18], [sflag:$0x4] =	stream.indirect.gather [hbm4b:s1+s11], $0x80, s17, s11, $0xb8;
	[tilespmem:$0x1FC00] =	vst v63  }
0x98: {  	_ =	swait.ge @!p2 [sflag:s24], $0x3000  }
0x99: {  	[sflag:s24] =	ssyncset.done @!p2 $0x0  }
0x9a: {  	[sflag:s24] =	ssyncadd.s32 @!p2 $0xFFFFD000  }
0x9b: {  	v1 =	vld [tilespmem:$0x80]  }
0x9c: {  	v2 =	vld [tilespmem:$0x90]  }
0x9d: {  	v3 =	vld [tilespmem:$0xA0]  }
0x9e: {  	v4 =	vld [tilespmem:$0xB0]  }
0x9f: {  	v5 =	vld [tilespmem:$0xC0]  }
0xa0: {  	v6 =	vld [tilespmem:$0xD0];
	v1 =	vand.u32 $0x3FFF, v1  }
0xa1: {  	[tilespmem:$0x280] =	vst v1;
	v1 =	vand.u32 $0x3FFF, v2  }
0xa2: {  	s24 =	smul.u32 $0xC0, s22;
	[tilespmem:$0x290] =	vst v1;
	v1 =	vand.u32 $0x3FFF, v3  }
0xa3: {  	[tilespmem:$0x2A0] =	vst v1;
	v1 =	vand.u32 $0x3FFF, v4  }
0xa4: {  	s28 =	sadd.s32 s24, s16;
	[tilespmem:$0x2B0] =	vst v1;
	v1 =	vand.u32 $0x3FFF, v5  }
0xa5: {  	s25 =	sshll.u32 s28, $0x4;
	[tilespmem:$0x2C0] =	vst v1;
	v1 =	vand.u32 $0x3FFF, v6  }
0xa6: {  	s25 =	sadd.s32 s3, s25;
	[tilespmem:$0x2D0] =	vst v1  }
0xa7: {  	[tilespmem:s19], [sflag:$0x6] =	stream.linear.gather [hbm4b:s25+s21], $0x3000, $0x38;
	[tilespmem:$0x1FC00] =	vst v63  }
0xa8: {  	s25 =	simm.s32 $0x0  }
0xa9: {  	v7 =	vld [tilespmem:s25+$0x300]  }
0xaa: {  	v12 =	vld [tilespmem:s25+$0x310]  }
0xab: {  	v6 =	vld [tilespmem:s25+$0x320]  }
0xac: {  	v5 =	vld [tilespmem:s25+$0x330]  }
0xad: {  	v4 =	vld [tilespmem:s25+$0x340]  }
0xae: {  	v3 =	vld [tilespmem:s25+$0x350]  }
0xaf: {  	v2 =	vld [tilespmem:s25+$0x360]  }
0xb0: {  	v1 =	vld [tilespmem:s25+$0x370]  }
0xb1: {  	v13 =	vld [tilespmem:s25+$0x6300]  }
0xb2: {  	v14 =	vld [tilespmem:s25+$0x6310]  }
0xb3: {  	v11 =	vld [tilespmem:s25+$0x6320]  }
0xb4: {  	v10 =	vld [tilespmem:s25+$0x6330]  }
0xb5: {  	v9 =	vld [tilespmem:s25+$0x6340]  }
0xb6: {  	v8 =	vld [tilespmem:s25+$0x6350];
	v13 =	vadd.f32 v7, v13  }
0xb7: {  	s26 =	simm.s32 $0x200;
	v12 =	vadd.f32 v12, v14;
	v7 =	vld [tilespmem:s25+$0x6360]  }
.LBB2_5:
0xb8: {  	s28 =	sshra.s32 s26, $0x2;
	p2 =	sne.s32 s26, $0xBE00;
	v13 =	vmax.f32 v13, $0.0e+00;
	v6 =	vadd.f32 v6, v11;
	v11 =	vld [tilespmem:s25+$0x6370]  }
0xb9: {  	v14 =	vld [tilespmem:s28+$0x300];
	[tilespmem:s25+$0x6300] =	vst v13;
	v12 =	vmax.f32 v12, $0.0e+00;
	v5 =	vadd.f32 v5, v10  }
0xba: {  	v15 =	vld [tilespmem:s28+$0x310];
	[tilespmem:s25+$0x6310] =	vst v12;
	v10 =	vmax.f32 v6, $0.0e+00;
	v4 =	vadd.f32 v4, v9  }
0xbb: {  	v6 =	vld [tilespmem:s28+$0x320];
	[tilespmem:s25+$0x6320] =	vst v10;
	v9 =	vmax.f32 v5, $0.0e+00;
	v3 =	vadd.f32 v3, v8  }
0xbc: {  	v5 =	vld [tilespmem:s28+$0x330];
	[tilespmem:s25+$0x6330] =	vst v9;
	v8 =	vmax.f32 v4, $0.0e+00;
	v2 =	vadd.f32 v2, v7  }
0xbd: {  	v4 =	vld [tilespmem:s28+$0x340];
	[tilespmem:s25+$0x6340] =	vst v8;
	v7 =	vmax.f32 v3, $0.0e+00;
	v1 =	vadd.f32 v1, v11  }
0xbe: {  	v3 =	vld [tilespmem:s28+$0x350];
	[tilespmem:s25+$0x6350] =	vst v7;
	v7 =	vmax.f32 v2, $0.0e+00  }
0xbf: {  	v2 =	vld [tilespmem:s28+$0x360];
	[tilespmem:s25+$0x6360] =	vst v7;
	v7 =	vmax.f32 v1, $0.0e+00  }
0xc0: {  	v1 =	vld [tilespmem:s28+$0x370];
	[tilespmem:s25+$0x6370] =	vst v7;
	s25 =	smov.u32 s28  }
0xc1: {  	v7 =	vld [tilespmem:s25+$0x6300]  }
0xc2: {  	v12 =	vld [tilespmem:s25+$0x6310]  }
.Ltmp1:
0xc3: {  	v11 =	vld [tilespmem:s25+$0x6320];
	(pc) =	sbr.rel @p2 .LBB2_5-.Ltmp1, $4  }
0xc4: {  	v10 =	vld [tilespmem:s25+$0x6330]  }
0xc5: {  	v9 =	vld [tilespmem:s25+$0x6340]  }
0xc6: {  	v13 =	vadd.f32 v14, v7;
	v8 =	vld [tilespmem:s25+$0x6350]  }
0xc7: {  	s26 =	sadd.s32 $0x200, s26;
	v12 =	vadd.f32 v15, v12;
	v7 =	vld [tilespmem:s25+$0x6360]  }
0xc8: {  	v13 =	vmax.f32 v13, $0.0e+00;
	v6 =	vadd.f32 v6, v11;
	v11 =	vld [tilespmem:s25+$0x6370]  }
0xc9: {  	[tilespmem:s25+$0x6300] =	vst v13;
	v12 =	vmax.f32 v12, $0.0e+00;
	v5 =	vadd.f32 v5, v10  }
0xca: {  	[tilespmem:s25+$0x6310] =	vst v12;
	v6 =	vmax.f32 v6, $0.0e+00;
	v4 =	vadd.f32 v4, v9  }
0xcb: {  	[tilespmem:s25+$0x6320] =	vst v6;
	v5 =	vmax.f32 v5, $0.0e+00;
	v3 =	vadd.f32 v3, v8  }
0xcc: {  	[tilespmem:s25+$0x6330] =	vst v5;
	v4 =	vmax.f32 v4, $0.0e+00;
	v2 =	vadd.f32 v2, v7  }
0xcd: {  	[tilespmem:s25+$0x6340] =	vst v4;
	v3 =	vmax.f32 v3, $0.0e+00;
	v1 =	vadd.f32 v1, v11  }
0xce: {  	[tilespmem:s25+$0x6350] =	vst v3;
	v2 =	vmax.f32 v2, $0.0e+00  }
0xcf: {  	[tilespmem:s25+$0x6360] =	vst v2;
	v1 =	vmax.f32 v1, $0.0e+00  }
0xd0: {  	[tilespmem:s25+$0x6370] =	vst v1  }
0xd1: {  	[spmem:s4] =	stream.indirect.scatter.add.f32 [tilespmem:s5], [sflag:$0x7], $0x80, s29, s11, $0xb8;
	[tilespmem:$0x1FC00] =	vst v63  }
0xd2: {  	_ =	swait.ge [sflag:s12], $0x3000  }
0xd3: {  	[sflag:s12] =	ssyncset.done $0x0  }
0xd4: {  	[sflag:s12] =	ssyncadd.s32 $0xFFFFD000  }
0xd5: {  	s24 =	sadd.s32 @!p1 s24, s0;
	_ =	swait.ge [sflag:s30], $0x3000  }
0xd6: {  	s26 =	simm.s32 @!p1 $0x80;
	s24 =	sshrl.u32 @!p1 s24, $0x3;
	[sflag:s30] =	ssyncset.done $0x0  }
0xd7: {  	s24 =	sadd.s32 @!p1 s2, s24;
	s25 =	simm.s32 @!p1 $0x0;
	[sflag:s30] =	ssyncadd.s32 $0xFFFFD000  }
0xd8: {  	[tilespmem:s26], [sflag:$0x2] =	stream.linear.gather @!p1 [hbm4b:s24+s25], $0x60, $0x38;
	[tilespmem:$0x1FC00] =	vst v63  }
0xd9: {  	s24 =	simm.s32 @!p1 $0x1  }
0xda: {  	_ =	swait.ge @!p1 [sflag:s24], $0x60  }
0xdb: {  	[sflag:s24] =	ssyncset.done @!p1 $0x0  }
0xdc: {  	[sflag:s24] =	ssyncadd.s32 @!p1 $0xFFFFFFA0  }
0xdd: {  	v1 =	vld @!p1 [tilespmem:$0x0]  }
0xde: {  	v2 =	vld @!p1 [tilespmem:$0x10]  }
0xdf: {  	v3 =	vld @!p1 [tilespmem:$0x20]  }
0xe0: {  	v4 =	vld @!p1 [tilespmem:$0x30]  }
0xe1: {  	v5 =	vld @!p1 [tilespmem:$0x40]  }
0xe2: {  	v6 =	vld @!p1 [tilespmem:$0x50];
	v1 =	vshrl.u32 @!p1 v1, $0xE  }
0xe3: {  	[tilespmem:$0x100] =	vst @!p1 v1;
	v1 =	vshrl.u32 @!p1 v2, $0xE  }
0xe4: {  	[tilespmem:$0x110] =	vst @!p1 v1;
	v1 =	vshrl.u32 @!p1 v3, $0xE  }
0xe5: {  	[tilespmem:$0x120] =	vst @!p1 v1;
	v1 =	vshrl.u32 @!p1 v4, $0xE  }
0xe6: {  	[tilespmem:$0x130] =	vst @!p1 v1;
	v1 =	vshrl.u32 @!p1 v5, $0xE  }
0xe7: {  	[tilespmem:$0x140] =	vst @!p1 v1;
	v1 =	vshrl.u32 @!p1 v6, $0xE  }
0xe8: {  	s28 =	simm.s32 @!p1 $0x300;
	s26 =	simm.s32 @!p1 $0x100;
	s24 =	simm.s32 @!p1 $0x60;
	[tilespmem:$0x150] =	vst @!p1 v1  }
0xe9: {  	[tilespmem:s28], [sflag:$0x3] =	stream.indirect.gather @!p1 [hbm4b:s1+s24], $0x80, s26, s24, $0xb8;
	[tilespmem:$0x1FC00] =	vst v63  }
0xea: {  	s24 =	simm.s32 @!p1 $0x7  }
0xeb: {  	_ =	swait.ge @!p1 [sflag:s24], $0x3000  }
0xec: {  	[sflag:s24] =	ssyncset.done @!p1 $0x0  }
0xed: {  	[sflag:s24] =	ssyncadd.s32 @!p1 $0xFFFFD000  }
0xee: {  	v1 =	vld @!p1 [tilespmem:$0x0]  }
0xef: {  	v2 =	vld @!p1 [tilespmem:$0x10]  }
0xf0: {  	v3 =	vld @!p1 [tilespmem:$0x20]  }
0xf1: {  	v4 =	vld @!p1 [tilespmem:$0x30]  }
0xf2: {  	v5 =	vld @!p1 [tilespmem:$0x40]  }
0xf3: {  	v6 =	vld @!p1 [tilespmem:$0x50];
	v1 =	vand.u32 @!p1 $0x3FFF, v1  }
0xf4: {  	[tilespmem:$0x200] =	vst @!p1 v1;
	v1 =	vand.u32 @!p1 $0x3FFF, v2  }
0xf5: {  	[tilespmem:$0x210] =	vst @!p1 v1;
	v1 =	vand.u32 @!p1 $0x3FFF, v3  }
0xf6: {  	[tilespmem:$0x220] =	vst @!p1 v1;
	v1 =	vand.u32 @!p1 $0x3FFF, v4  }
0xf7: {  	[tilespmem:$0x230] =	vst @!p1 v1;
	v1 =	vand.u32 @!p1 $0x3FFF, v5  }
0xf8: {  	s23 =	sshll.u32 @!p1 s23, $0x4;
	[tilespmem:$0x240] =	vst @!p1 v1;
	v1 =	vand.u32 @!p1 $0x3FFF, v6  }
0xf9: {  	s23 =	sadd.s32 @!p1 s3, s23;
	s24 =	simm.s32 @!p1 $0x6300;
	[tilespmem:$0x250] =	vst @!p1 v1  }
0xfa: {  	[tilespmem:s24], [sflag:$0x5] =	stream.linear.gather @!p1 [hbm4b:s23+s25], $0x3000, $0x38;
	[tilespmem:$0x1FC00] =	vst v63  }
0xfb: {  	s23 =	simm.s32 $0x0  }
0xfc: {  	v7 =	vld [tilespmem:s23+$0x3300]  }
0xfd: {  	v12 =	vld [tilespmem:s23+$0x3310]  }
0xfe: {  	v6 =	vld [tilespmem:s23+$0x3320]  }
0xff: {  	v5 =	vld [tilespmem:s23+$0x3330]  }
0x100: {  	v4 =	vld [tilespmem:s23+$0x3340]  }
0x101: {  	v3 =	vld [tilespmem:s23+$0x3350]  }
0x102: {  	v2 =	vld [tilespmem:s23+$0x3360]  }
0x103: {  	v1 =	vld [tilespmem:s23+$0x3370]  }
0x104: {  	v13 =	vld [tilespmem:s23+$0x9300]  }
0x105: {  	v14 =	vld [tilespmem:s23+$0x9310]  }
0x106: {  	v11 =	vld [tilespmem:s23+$0x9320]  }
0x107: {  	v10 =	vld [tilespmem:s23+$0x9330]  }
0x108: {  	v9 =	vld [tilespmem:s23+$0x9340]  }
0x109: {  	v8 =	vld [tilespmem:s23+$0x9350];
	v13 =	vadd.f32 v7, v13  }
0x10a: {  	s24 =	simm.s32 $0x200;
	v12 =	vadd.f32 v12, v14;
	v7 =	vld [tilespmem:s23+$0x9360]  }
.LBB2_7:
0x10b: {  	s25 =	sshra.s32 s24, $0x2;
	p1 =	sne.s32 s24, $0xBE00;
	v13 =	vmax.f32 v13, $0.0e+00;
	v6 =	vadd.f32 v6, v11;
	v11 =	vld [tilespmem:s23+$0x9370]  }
0x10c: {  	v14 =	vld [tilespmem:s25+$0x3300];
	[tilespmem:s23+$0x9300] =	vst v13;
	v12 =	vmax.f32 v12, $0.0e+00;
	v5 =	vadd.f32 v5, v10  }
0x10d: {  	v15 =	vld [tilespmem:s25+$0x3310];
	[tilespmem:s23+$0x9310] =	vst v12;
	v10 =	vmax.f32 v6, $0.0e+00;
	v4 =	vadd.f32 v4, v9  }
0x10e: {  	v6 =	vld [tilespmem:s25+$0x3320];
	[tilespmem:s23+$0x9320] =	vst v10;
	v9 =	vmax.f32 v5, $0.0e+00;
	v3 =	vadd.f32 v3, v8  }
0x10f: {  	v5 =	vld [tilespmem:s25+$0x3330];
	[tilespmem:s23+$0x9330] =	vst v9;
	v8 =	vmax.f32 v4, $0.0e+00;
	v2 =	vadd.f32 v2, v7  }
0x110: {  	v4 =	vld [tilespmem:s25+$0x3340];
	[tilespmem:s23+$0x9340] =	vst v8;
	v7 =	vmax.f32 v3, $0.0e+00;
	v1 =	vadd.f32 v1, v11  }
0x111: {  	v3 =	vld [tilespmem:s25+$0x3350];
	[tilespmem:s23+$0x9350] =	vst v7;
	v7 =	vmax.f32 v2, $0.0e+00  }
0x112: {  	v2 =	vld [tilespmem:s25+$0x3360];
	[tilespmem:s23+$0x9360] =	vst v7;
	v7 =	vmax.f32 v1, $0.0e+00  }
0x113: {  	v1 =	vld [tilespmem:s25+$0x3370];
	[tilespmem:s23+$0x9370] =	vst v7;
	s23 =	smov.u32 s25  }
0x114: {  	v7 =	vld [tilespmem:s23+$0x9300]  }
0x115: {  	v12 =	vld [tilespmem:s23+$0x9310]  }
.Ltmp2:
0x116: {  	v11 =	vld [tilespmem:s23+$0x9320];
	(pc) =	sbr.rel @p1 .LBB2_7-.Ltmp2, $4  }
0x117: {  	v10 =	vld [tilespmem:s23+$0x9330]  }
0x118: {  	v9 =	vld [tilespmem:s23+$0x9340]  }
0x119: {  	v13 =	vadd.f32 v14, v7;
	v8 =	vld [tilespmem:s23+$0x9350]  }
0x11a: {  	s24 =	sadd.s32 $0x200, s24;
	v12 =	vadd.f32 v15, v12;
	v7 =	vld [tilespmem:s23+$0x9360]  }
0x11b: {  	v13 =	vmax.f32 v13, $0.0e+00;
	v6 =	vadd.f32 v6, v11;
	v63 =	vld [tilespmem:s23+$0x9370]  }
0x11c: {  	[tilespmem:s23+$0x9300] =	vst v13;
	v12 =	vmax.f32 v12, $0.0e+00;
	v5 =	vadd.f32 v5, v10  }
0x11d: {  	[tilespmem:s23+$0x9310] =	vst v12;
	v6 =	vmax.f32 v6, $0.0e+00;
	v4 =	vadd.f32 v4, v9  }
0x11e: {  	s22 =	sadd.s32 $0x1, s22;
	[tilespmem:s23+$0x9320] =	vst v6;
	v5 =	vmax.f32 v5, $0.0e+00;
	v3 =	vadd.f32 v3, v8  }
0x11f: {  	p1 =	sne.s32 s22, $0x34;
	[tilespmem:s23+$0x9330] =	vst v5;
	v4 =	vmax.f32 v4, $0.0e+00;
	v2 =	vadd.f32 v2, v7  }
.Ltmp3:
0x120: {  	[tilespmem:s23+$0x9340] =	vst v4;
	v3 =	vmax.f32 v3, $0.0e+00;
	v1 =	vadd.f32 v1, v63;
	(pc) =	sbr.rel @p1 .LBB2_4-.Ltmp3, $4  }
0x121: {  	[tilespmem:s23+$0x9350] =	vst v3;
	v2 =	vmax.f32 v2, $0.0e+00  }
0x122: {  	[tilespmem:s23+$0x9360] =	vst v2;
	v1 =	vmax.f32 v1, $0.0e+00  }
0x123: {  	[tilespmem:s23+$0x9370] =	vst v1  }
0x124: {  	[spmem:s4] =	stream.indirect.scatter.add.f32 [tilespmem:s19], [sflag:$0x8], $0x80, s31, s11, $0xb8;
	[tilespmem:$0x1FC00] =	vst v63  }
0x125: {  	_ =	swait.ge [sflag:s6], $0x3000  }
0x126: {  	[sflag:s6] =	ssyncset.done $0x0  }
0x127: {  	s21 =	simm.s32 $0x0;
	s22 =	rddreg [dreg:$0x19];
	[sflag:s6] =	ssyncadd.s32 $0xFFFFD000  }
0x128: {  	[tilespmem:s21], [sflag:$0x1] =	stream.linear.gather [hbm4b:s22+s21], $0x10, $0x38;
	[tilespmem:$0x1FC00] =	vst v63  }
0x129: {  	s25 =	rddreg [dreg:$0x1a]  }
0x12a: {  	[tilespmem:s5], [sflag:$0x5] =	stream.linear.gather [hbm4b:s25+s21], $0x800, $0x38;
	[tilespmem:$0x1FC00] =	vst v63  }
0x12b: {  	_ =	swait.ge [sflag:s10], $0x10  }
0x12c: {  	[sflag:s10] =	ssyncset.done $0x0  }
0x12d: {  	[sflag:s10] =	ssyncadd.s32 $0xFFFFFFF0  }
0x12e: {  	v1 =	vld [tilespmem:$0x0]  }
0x12f: {  	v2 =	vld [tilespmem:$0x0];
	_ =	sdelay $0x3  }
0x130: {  	v1 =	vshrl.u32 v1, $0xE  }
0x131: {  	[tilespmem:$0x100] =	vst v1;
	v1 =	vand.u32 $0x3FFF, v2  }
0x132: {  	s26 =	simm.s32 $0x100;
	s28 =	simm.s32 $0x10;
	[tilespmem:$0xC300] =	vst v1  }
0x133: {  	[tilespmem:s8], [sflag:$0x3] =	stream.indirect.gather [hbm4b:s1+s28], $0x80, s26, s28, $0xb8;
	[tilespmem:$0x1FC00] =	vst v63  }
0x134: {  	_ =	swait.ge [sflag:s13], $0x800  }
0x135: {  	[sflag:s13] =	ssyncset.done $0x0  }
0x136: {  	[sflag:s13] =	ssyncadd.s32 $0xFFFFF800  }
0x137: {  	_ =	swait.ge [sflag:s14], $0x800  }
0x138: {  	[sflag:s14] =	ssyncset.done $0x0  }
0x139: {  	s21 =	simm.s32 $0x0;
	[sflag:s14] =	ssyncadd.s32 $0xFFFFF800  }
0x13a: {  	v7 =	vld [tilespmem:s21+$0x300]  }
0x13b: {  	v12 =	vld [tilespmem:s21+$0x310]  }
0x13c: {  	v6 =	vld [tilespmem:s21+$0x320]  }
0x13d: {  	v5 =	vld [tilespmem:s21+$0x330]  }
0x13e: {  	v4 =	vld [tilespmem:s21+$0x340]  }
0x13f: {  	v3 =	vld [tilespmem:s21+$0x350]  }
0x140: {  	v2 =	vld [tilespmem:s21+$0x360]  }
0x141: {  	v1 =	vld [tilespmem:s21+$0x370]  }
0x142: {  	v13 =	vld [tilespmem:s21+$0x6300]  }
0x143: {  	v14 =	vld [tilespmem:s21+$0x6310]  }
0x144: {  	v11 =	vld [tilespmem:s21+$0x6320]  }
0x145: {  	v10 =	vld [tilespmem:s21+$0x6330]  }
0x146: {  	v9 =	vld [tilespmem:s21+$0x6340]  }
0x147: {  	v8 =	vld [tilespmem:s21+$0x6350];
	v13 =	vadd.f32 v7, v13  }
0x148: {  	s22 =	simm.s32 $0x200;
	v12 =	vadd.f32 v12, v14;
	v7 =	vld [tilespmem:s21+$0x6360]  }
.LBB2_10:
0x149: {  	s23 =	sshra.s32 s22, $0x2;
	p1 =	sne.s32 s22, $0x1E00;
	v13 =	vmax.f32 v13, $0.0e+00;
	v6 =	vadd.f32 v6, v11;
	v11 =	vld [tilespmem:s21+$0x6370]  }
0x14a: {  	v14 =	vld [tilespmem:s23+$0x300];
	[tilespmem:s21+$0x6300] =	vst v13;
	v12 =	vmax.f32 v12, $0.0e+00;
	v5 =	vadd.f32 v5, v10  }
0x14b: {  	v15 =	vld [tilespmem:s23+$0x310];
	[tilespmem:s21+$0x6310] =	vst v12;
	v10 =	vmax.f32 v6, $0.0e+00;
	v4 =	vadd.f32 v4, v9  }
0x14c: {  	v6 =	vld [tilespmem:s23+$0x320];
	[tilespmem:s21+$0x6320] =	vst v10;
	v9 =	vmax.f32 v5, $0.0e+00;
	v3 =	vadd.f32 v3, v8  }
0x14d: {  	v5 =	vld [tilespmem:s23+$0x330];
	[tilespmem:s21+$0x6330] =	vst v9;
	v8 =	vmax.f32 v4, $0.0e+00;
	v2 =	vadd.f32 v2, v7  }
0x14e: {  	v4 =	vld [tilespmem:s23+$0x340];
	[tilespmem:s21+$0x6340] =	vst v8;
	v7 =	vmax.f32 v3, $0.0e+00;
	v1 =	vadd.f32 v1, v11  }
0x14f: {  	v3 =	vld [tilespmem:s23+$0x350];
	[tilespmem:s21+$0x6350] =	vst v7;
	v7 =	vmax.f32 v2, $0.0e+00  }
0x150: {  	v2 =	vld [tilespmem:s23+$0x360];
	[tilespmem:s21+$0x6360] =	vst v7;
	v7 =	vmax.f32 v1, $0.0e+00  }
0x151: {  	v1 =	vld [tilespmem:s23+$0x370];
	[tilespmem:s21+$0x6370] =	vst v7;
	s21 =	smov.u32 s23  }
0x152: {  	v7 =	vld [tilespmem:s21+$0x6300]  }
0x153: {  	v12 =	vld [tilespmem:s21+$0x6310]  }
.Ltmp4:
0x154: {  	v11 =	vld [tilespmem:s21+$0x6320];
	(pc) =	sbr.rel @p1 .LBB2_10-.Ltmp4, $4  }
0x155: {  	v10 =	vld [tilespmem:s21+$0x6330]  }
0x156: {  	v9 =	vld [tilespmem:s21+$0x6340]  }
0x157: {  	v13 =	vadd.f32 v14, v7;
	v8 =	vld [tilespmem:s21+$0x6350]  }
0x158: {  	s22 =	sadd.s32 $0x200, s22;
	v12 =	vadd.f32 v15, v12;
	v7 =	vld [tilespmem:s21+$0x6360]  }
0x159: {  	v13 =	vmax.f32 v13, $0.0e+00;
	v6 =	vadd.f32 v6, v11;
	v63 =	vld [tilespmem:s21+$0x6370]  }
0x15a: {  	[tilespmem:s21+$0x6300] =	vst v13;
	v12 =	vmax.f32 v12, $0.0e+00;
	v5 =	vadd.f32 v5, v10  }
0x15b: {  	[tilespmem:s21+$0x6310] =	vst v12;
	v6 =	vmax.f32 v6, $0.0e+00;
	v4 =	vadd.f32 v4, v9  }
0x15c: {  	[tilespmem:s21+$0x6320] =	vst v6;
	v5 =	vmax.f32 v5, $0.0e+00;
	v3 =	vadd.f32 v3, v8  }
0x15d: {  	[tilespmem:s21+$0x6330] =	vst v5;
	v4 =	vmax.f32 v4, $0.0e+00;
	v2 =	vadd.f32 v2, v7  }
0x15e: {  	[tilespmem:s21+$0x6340] =	vst v4;
	v3 =	vmax.f32 v3, $0.0e+00;
	v1 =	vadd.f32 v1, v63  }
0x15f: {  	[tilespmem:s21+$0x6350] =	vst v3;
	v2 =	vmax.f32 v2, $0.0e+00  }
0x160: {  	[tilespmem:s21+$0x6360] =	vst v2;
	v1 =	vmax.f32 v1, $0.0e+00  }
0x161: {  	s23 =	simm.s32 $0x10;
	s22 =	simm.s32 $0xC300;
	[tilespmem:s21+$0x6370] =	vst v1  }
0x162: {  	[spmem:s4] =	stream.indirect.scatter.add.f32 [tilespmem:s5], [sflag:$0x7], $0x80, s22, s23, $0xb8;
	[tilespmem:$0x1FC00] =	vst v63  }
0x163: {  	_ =	swait.ge [sflag:s6], $0x800  }
0x164: {  	[sflag:s6] =	ssyncset.done $0x0  }
0x165: {  	s24 =	simm.s32 $0x8;
	[sflag:s6] =	ssyncadd.s32 $0xFFFFF800  }
0x166: {  	_ =	swait.ge [sflag:s24], $0x3000  }
0x167: {  	[sflag:s24] =	ssyncset.done $0x0  }
0x168: {  	[sflag:s24] =	ssyncadd.s32 $0xFFFFD000  }
0x169: {  	s25 =	stileid.u32;
	[bflag:$0x0] =	sbarrier.arrive $0xFFFF  }
0x16a: {  	s21 =	sshll.u32 s25, $0x6;
	s24 =	rddreg [dreg:$0x11]  }
0x16b: {  	s21 =	sor.u32 $0x1C09, s21;
	s23 =	rddreg [dreg:$0x6];
	s26 =	sshrl.u32 s24, $0x3  }
0x16c: {  	[hbm:s23], [sflag:s21] =	dma.local [spmem:s26], $0x500  }
0x16d: {  	_ =	swait.ge [sflag:s9], $0x500  }
0x16e: {  	[sflag:s9] =	ssyncset.done $0x0;
	s25 =	rddreg [dreg:$0x12]  }
0x16f: {  	s26 =	rddreg [dreg:$0x7];
	[sflag:s9] =	ssyncadd.s32 $0xFFFFFB00;
	s23 =	sshrl.u32 s25, $0x3  }
0x170: {  	[hbm:s26], [sflag:s21] =	dma.local [spmem:s23], $0x500  }
0x171: {  	_ =	swait.ge [sflag:s9], $0x500  }
0x172: {  	[sflag:s9] =	ssyncset.done $0x0;
	s26 =	rddreg [dreg:$0x13]  }
0x173: {  	s23 =	rddreg [dreg:$0x8];
	[sflag:s9] =	ssyncadd.s32 $0xFFFFFB00;
	s22 =	sshrl.u32 s26, $0x3  }
0x174: {  	[hbm:s23], [sflag:s21] =	dma.local [spmem:s22], $0x500  }
0x175: {  	_ =	swait.ge [sflag:s9], $0x500  }
0x176: {  	[sflag:s9] =	ssyncset.done $0x0;
	s28 =	rddreg [dreg:$0x14]  }
0x177: {  	s23 =	rddreg [dreg:$0x9];
	[sflag:s9] =	ssyncadd.s32 $0xFFFFFB00;
	s22 =	sshrl.u32 s28, $0x3  }
0x178: {  	[hbm:s23], [sflag:s21] =	dma.local [spmem:s22], $0x500  }
0x179: {  	_ =	swait.ge [sflag:s9], $0x500  }
0x17a: {  	[sflag:s9] =	ssyncset.done $0x0;
	s23 =	rddreg [dreg:$0x15]  }
0x17b: {  	[sflag:s9] =	ssyncadd.s32 $0xFFFFFB00;
	s22 =	sshrl.u32 s23, $0x3;
	s23 =	rddreg [dreg:$0xa]  }
0x17c: {  	[hbm:s23], [sflag:s21] =	dma.local [spmem:s22], $0x500  }
0x17d: {  	_ =	swait.ge [sflag:s9], $0x500  }
0x17e: {  	[sflag:s9] =	ssyncset.done $0x0;
	s23 =	rddreg [dreg:$0x16]  }
0x17f: {  	[sflag:s9] =	ssyncadd.s32 $0xFFFFFB00;
	s22 =	sshrl.u32 s23, $0x3;
	s23 =	rddreg [dreg:$0xb]  }
0x180: {  	[hbm:s23], [sflag:s21] =	dma.local [spmem:s22], $0x500  }
0x181: {  	_ =	swait.ge [sflag:s9], $0x500  }
0x182: {  	[sflag:s9] =	ssyncset.done $0x0;
	s23 =	rddreg [dreg:$0x17]  }
0x183: {  	[sflag:s9] =	ssyncadd.s32 $0xFFFFFB00;
	s22 =	sshrl.u32 s23, $0x3;
	s23 =	rddreg [dreg:$0xc]  }
0x184: {  	[hbm:s23], [sflag:s21] =	dma.local [spmem:s22], $0x500  }
0x185: {  	_ =	swait.ge [sflag:s9], $0x500  }
0x186: {  	[sflag:s9] =	ssyncset.done $0x0;
	s22 =	rddreg [dreg:$0x18]  }
0x187: {  	s23 =	rddreg [dreg:$0xd];
	[sflag:s9] =	ssyncadd.s32 $0xFFFFFB00;
	s22 =	sshrl.u32 @!p0 s22, $0x3  }
0x188: {  	[hbm:s23], [sflag:s21] =	dma.local @!p0 [spmem:s22], $0x500  }
0x189: {  	s21 =	simm.s32 @!p0 $0x9  }
0x18a: {  	_ =	swait.ge @!p0 [sflag:s21], $0x500  }
0x18b: {  	s20 =	sadd.s32 $0x1, s20;
	s23 =	rddreg [dreg:$0x1b]  }
0x18c: {  	p1 =	sne.s32 s20, s23  }
.Ltmp5:
0x18d: {  	_ = 	snop;
	(pc) =	sbr.rel @p1 .LBB2_1-.Ltmp5, $3  }
0x18e: {  	_ =	sdelay $0x1  }
0x18f: {  	[sflag:s21] =	ssyncset.done @!p0 $0x0  }
0x190: {  	[sflag:s21] =	ssyncadd.s32 @!p0 $0xFFFFFB00  }
0x191: {  	_ =	sfence.sel $0x180000  }
0x192: {  	[bflag:$0x0] =	sbarrier.arrive $0xFFFF  }
0x193: {  	_ =	strace $0x90000047  }
0x194: {  	s0 =	stileid.u32;
	[bflag:$0x2] =	sbarrier.arrive $0xFFFF  }
0x195: {  	p0 =	sne.s32 s0, $0x0;
	s0 =	rddreg [dreg:$0x5]  }
0x196: {  	s0 =	sadd.s32 @!p0 $0x100000, s0  }
0x197: {  	[sflag:s0] =	ssyncadd.tile.s32 @!p0 $0x1;
	_ =	shalt  }
.Lfunc_end2:
_tile_overlayer_lowered:
.L_overlay_start_2:
0x198: {  	(tag) =	ssettag $0x2  }
0x199: {  	s0 =	rddreg [dreg:$0x0];
	s2 =	stileid.u32  }
0x19a: {  	s1 =	rddreg [dreg:$0x1];
	p0 =	sne.s32 s2, $0x0  }
0x19b: {  	s3 =	rddreg [dreg:$0x2];
	[bflag:$0x3] =	sbarrier.arrive $0xFFFF;
	s2 =	simm.s32 @!p0 $0x1C09  }
0x19c: {  	[timem:s3], [sflag:s2] =	dma.local @!p0 [hbm:s0], s1  }
0x19d: {  	s0 =	simm.s32 @!p0 $0x9  }
0x19e: {  	_ =	swait.ge @!p0 [sflag:s0], s1  }
0x19f: {  	s1 =	ssub.s32 @!p0 $0x0, s1;
	[sflag:s0] =	ssyncset.done @!p0 $0x0  }
0x1a0: {  	[sflag:s0] =	ssyncadd.s32 @!p0 s1  }
0x1a1: {  	[bflag:$0x3] =	sbarrier.arrive $0xFFFF  }
0x1a2: {  	_ =	shalt  }

</sc_bundles>
